<compile_context>
chip_gen: v7x
topology: tpu7x:2x2x1
jax: 0.10.2.dev20260603
libtpu: 0.0.44.dev20260713+nightly
codegen_flags: <defaults>
</compile_context>

<pallas_src>
import jax
import jax.numpy as jnp
from jax import lax
from jax.experimental import pallas as pl
from jax.experimental.pallas import tpu as pltpu
from jax.experimental.pallas import tpu_sc as plsc

BATCH = 4
SEQ = 2048
D = 1024
NC = 2
NS = 16
NW = NC * NS
CHUNK = 16
NPHASE = SEQ // (NW * CHUNK)
NCHUNKS = NPHASE * BATCH
NBUF = 4
AHEAD = 2
LANES = 16
VECS_PER_ROW = D // LANES


def _body(ids_hbm, tok_hbm, pos_hbm, out_hbm, *refs):
    idx_v = refs[0]
    pos_bufs = [refs[1], refs[2]]
    bufs = list(refs[3:3 + NBUF])
    sem_i = refs[3 + NBUF]
    psems = [refs[4 + NBUF], refs[5 + NBUF]]
    gsems = list(refs[6 + NBUF:6 + 2 * NBUF])
    ssems = list(refs[6 + 2 * NBUF:6 + 3 * NBUF])

    wid = lax.axis_index("s") * NC + lax.axis_index("c")
    s_off = pl.multiple_of(wid * CHUNK, CHUNK)

    def flat_base(g):
        p, b = divmod(g, BATCH)
        return b * SEQ + (p * NW * CHUNK) + s_off

    def pos_base(p):
        return p * NW * CHUNK + s_off

    idx_desc = pltpu.async_copy(ids_hbm.at[wid], idx_v, sem_i)
    pos_descs = [None] * NPHASE
    for p in range(2):
        pos_descs[p] = pltpu.async_copy(
            pos_hbm.at[pl.ds(pos_base(p), CHUNK)], pos_bufs[p % 2], psems[p % 2]
        )
    idx_desc.wait()

    def idx_row(g):
        p, b = divmod(g, BATCH)
        return idx_v.at[BATCH * b + p]

    gather_descs = [None] * NCHUNKS
    store_descs = [None] * NBUF
    for g in range(AHEAD):
        gather_descs[g] = pltpu.async_copy(
            tok_hbm.at[idx_row(g)], bufs[g % NBUF], gsems[g % NBUF]
        )

    for g in range(NCHUNKS):
        p, b = divmod(g, BATCH)
        cur = g % NBUF
        if g + AHEAD < NCHUNKS:
            nxt = (g + AHEAD) % NBUF
            if store_descs[nxt] is not None:
                store_descs[nxt].wait()
            gather_descs[g + AHEAD] = pltpu.async_copy(
                tok_hbm.at[idx_row(g + AHEAD)], bufs[nxt], gsems[nxt]
            )
        if b == 0:
            pos_descs[p].wait()
            if p + 1 < NPHASE and pos_descs[p + 1] is None:
                pos_descs[p + 1] = pltpu.async_copy(
                    pos_hbm.at[pl.ds(pos_base(p + 1), CHUNK)],
                    pos_bufs[(p + 1) % 2],
                    psems[(p + 1) % 2],
                )
        gather_descs[g].wait()

        buf = bufs[cur]
        pos_v = pos_bufs[p % 2]

        @plsc.parallel_loop(0, CHUNK)
        def _row(r):
            @plsc.parallel_loop(0, VECS_PER_ROW, unroll=16)
            def _vec(j):
                pv = pos_v[r, pl.ds(j * LANES, LANES)]
                plsc.addupdate(buf.at[r, pl.ds(j * LANES, LANES)], pv)

        store_descs[cur] = pltpu.async_copy(
            buf, out_hbm.at[pl.ds(flat_base(g), CHUNK)], ssems[cur]
        )

    for d in store_descs:
        d.wait()


@jax.jit
def _embed(ids_grid, token_table, pos_table):
    mesh = plsc.VectorSubcoreMesh(core_axis_name="c", subcore_axis_name="s")
    k = pl.kernel(
        _body,
        out_type=jax.ShapeDtypeStruct((BATCH * SEQ, D), jnp.float32),
        mesh=mesh,
        scratch_types=(
            [pltpu.VMEM((BATCH * NPHASE, CHUNK), jnp.int32)]
            + [pltpu.VMEM((CHUNK, D), jnp.float32) for _ in range(2)]
            + [pltpu.VMEM((CHUNK, D), jnp.float32) for _ in range(NBUF)]
            + [pltpu.SemaphoreType.DMA] * (3 + 2 * NBUF)
        ),
    )
    return k(ids_grid, token_table, pos_table)


def kernel(token_ids, token_table, pos_table):
    ids_grid = (
        token_ids.astype(jnp.int32)
        .reshape(BATCH * NPHASE, NW, CHUNK)
        .transpose(1, 0, 2)
    )
    out = _embed(ids_grid, token_table, pos_table)
    return out.reshape(*token_ids.shape, D)

# --- scband reference (transcript-rebuilt; emitter-appended) ---
"""Pipeline reference for scband-embeddings-34437047779749 (READ-ONLY COPY).

The authoritative reference and input builder live on the scoring server;
editing this copy changes nothing except your own understanding.
"""

import jax, jax.numpy as jnp
import numpy as np

VOCAB = 100000
D = 1024
MAX_SEQ = 2048

def setup_inputs(seed: int = 0) -> dict:
    key = jax.random.key(seed)
    k1, k2, k3 = jax.random.split(key, 3)
    token_ids = jax.random.randint(k1, (4, 2048), 0, VOCAB, dtype=jnp.int64 if jax.config.jax_enable_x64 else jnp.int32)
    token_table = jax.random.normal(k2, (VOCAB, D), dtype=jnp.float32) * 0.02
    pos_table = jax.random.normal(k3, (MAX_SEQ, D), dtype=jnp.float32) * 0.02
    return {"token_ids": token_ids, "token_table": token_table, "pos_table": pos_table}

def reference(token_ids, token_table, pos_table):
    seq_len = token_ids.shape[-1]
    positions = jnp.arange(seq_len)
    token_emb = jnp.take(token_table, token_ids, axis=0)
    pos_emb = jnp.take(pos_table, positions, axis=0)
    return token_emb + pos_emb

if __name__ == "__main__":
    import jax
    _d = setup_inputs()
    print(jax.jit(kernel)(*tuple(_d.values())))

</pallas_src>

<mosaic_0001>
#map = affine_map<(d0, d1) -> (0, 0, 0)>
#map1 = affine_map<(d0, d1) -> (0, 0)>
module attributes {stable_mosaic.version = 14 : i64} {
  func.func @_body(%arg0: i32, %arg1: i32, %arg2: memref<32x16x16xi32, #tpu.memory_space<hbm>>, %arg3: memref<100000x1024xf32, #tpu.memory_space<hbm>>, %arg4: memref<2048x1024xf32, #tpu.memory_space<hbm>>, %arg5: memref<8192x1024xf32, #tpu.memory_space<hbm>>, %arg6: memref<16x16xi32, #tpu.memory_space<vmem>>, %arg7: memref<16x1024xf32, #tpu.memory_space<vmem>>, %arg8: memref<16x1024xf32, #tpu.memory_space<vmem>>, %arg9: memref<16x1024xf32, #tpu.memory_space<vmem>>, %arg10: memref<16x1024xf32, #tpu.memory_space<vmem>>, %arg11: memref<16x1024xf32, #tpu.memory_space<vmem>>, %arg12: memref<16x1024xf32, #tpu.memory_space<vmem>>, %arg13: memref<!tpu.dma_semaphore, #tpu.memory_space<semaphore_mem>>, %arg14: memref<!tpu.dma_semaphore, #tpu.memory_space<semaphore_mem>>, %arg15: memref<!tpu.dma_semaphore, #tpu.memory_space<semaphore_mem>>, %arg16: memref<!tpu.dma_semaphore, #tpu.memory_space<semaphore_mem>>, %arg17: memref<!tpu.dma_semaphore, #tpu.memory_space<semaphore_mem>>, %arg18: memref<!tpu.dma_semaphore, #tpu.memory_space<semaphore_mem>>, %arg19: memref<!tpu.dma_semaphore, #tpu.memory_space<semaphore_mem>>, %arg20: memref<!tpu.dma_semaphore, #tpu.memory_space<semaphore_mem>>, %arg21: memref<!tpu.dma_semaphore, #tpu.memory_space<semaphore_mem>>, %arg22: memref<!tpu.dma_semaphore, #tpu.memory_space<semaphore_mem>>, %arg23: memref<!tpu.dma_semaphore, #tpu.memory_space<semaphore_mem>>) attributes {dimension_semantics = [#tpu.dimension_semantics<core_parallel>, #tpu.dimension_semantics<subcore_parallel>], iteration_bounds = array<i64: 2, 16>, scalar_prefetch = 0 : i64, scratch_operands = 18 : i64, tpu.core_type = #tpu.core_type<sc_vector_subcore>, window_params = [{transform_indices = #map}, {transform_indices = #map1}, {transform_indices = #map1}, {transform_indices = #map1}]} {
    %mul3A = arith.constant 2 : i32
    %mul3A_0 = arith.muli %arg1, %mul3A : i32
    %add3A = arith.addi %mul3A_0, %arg0 : i32
    %mul3A_1 = arith.constant 16 : i32
    %mul3A_2 = arith.muli %add3A, %mul3A_1 : i32
    %multiple_of3A = tpu.assume_multiple %mul3A_2, 16 : i32
    %dma_start3A = arith.constant 0 : i32
    %dma_start3A_3 = arith.constant 0 : i32
    %dma_start3A_4 = tpu.memref_slice %arg2[%add3A, %dma_start3A, %dma_start3A_3] : memref<32x16x16xi32, #tpu.memory_space<hbm>> -> memref<1x16x16xi32, #tpu.memory_space<hbm>>
    %dma_start3A_5 = tpu.memref_squeeze %dma_start3A_4 : memref<1x16x16xi32, #tpu.memory_space<hbm>> -> memref<16x16xi32, #tpu.memory_space<hbm>>
    %dma_start3A_6 = arith.constant 0 : i32
    %dma_start3A_7 = arith.constant 0 : i32
    %dma_start3A_8 = tpu.memref_slice %arg2[%add3A, %dma_start3A_6, %dma_start3A_7] : memref<32x16x16xi32, #tpu.memory_space<hbm>> -> memref<1x16x16xi32, #tpu.memory_space<hbm>>
    %dma_start3A_9 = tpu.memref_squeeze %dma_start3A_8 : memref<1x16x16xi32, #tpu.memory_space<hbm>> -> memref<16x16xi32, #tpu.memory_space<hbm>>
    tpu.enqueue_dma source(%dma_start3A_9 : memref<16x16xi32, #tpu.memory_space<hbm>>) target(%arg6 : memref<16x16xi32, #tpu.memory_space<vmem>>) target_semaphore(%arg13 : memref<!tpu.dma_semaphore, #tpu.memory_space<semaphore_mem>>)
    %add3A_10 = arith.constant 0 : i32
    %add3A_11 = arith.addi %add3A_10, %multiple_of3A : i32
    %dma_start3A_12 = arith.constant 0 : i32
    %dma_start3A_13 = tpu.memref_slice %arg4[%add3A_11, %dma_start3A_12] : memref<2048x1024xf32, #tpu.memory_space<hbm>> -> memref<16x1024xf32, #tpu.memory_space<hbm>>
    %dma_start3A_14 = arith.constant 0 : i32
    %dma_start3A_15 = tpu.memref_slice %arg4[%add3A_11, %dma_start3A_14] : memref<2048x1024xf32, #tpu.memory_space<hbm>> -> memref<16x1024xf32, #tpu.memory_space<hbm>>
    tpu.enqueue_dma source(%dma_start3A_15 : memref<16x1024xf32, #tpu.memory_space<hbm>>) target(%arg7 : memref<16x1024xf32, #tpu.memory_space<vmem>>) target_semaphore(%arg14 : memref<!tpu.dma_semaphore, #tpu.memory_space<semaphore_mem>>)
    %add3A_16 = arith.constant 512 : i32
    %add3A_17 = arith.addi %add3A_16, %multiple_of3A : i32
    %dma_start3A_18 = arith.constant 0 : i32
    %dma_start3A_19 = tpu.memref_slice %arg4[%add3A_17, %dma_start3A_18] : memref<2048x1024xf32, #tpu.memory_space<hbm>> -> memref<16x1024xf32, #tpu.memory_space<hbm>>
    %dma_start3A_20 = arith.constant 0 : i32
    %dma_start3A_21 = tpu.memref_slice %arg4[%add3A_17, %dma_start3A_20] : memref<2048x1024xf32, #tpu.memory_space<hbm>> -> memref<16x1024xf32, #tpu.memory_space<hbm>>
    tpu.enqueue_dma source(%dma_start3A_21 : memref<16x1024xf32, #tpu.memory_space<hbm>>) target(%arg8 : memref<16x1024xf32, #tpu.memory_space<vmem>>) target_semaphore(%arg15 : memref<!tpu.dma_semaphore, #tpu.memory_space<semaphore_mem>>)
    %dma_wait3A = arith.constant 0 : i32
    %dma_wait3A_22 = arith.constant 0 : i32
    %dma_wait3A_23 = tpu.memref_slice %arg2[%add3A, %dma_wait3A, %dma_wait3A_22] : memref<32x16x16xi32, #tpu.memory_space<hbm>> -> memref<1x16x16xi32, #tpu.memory_space<hbm>>
    %dma_wait3A_24 = tpu.memref_squeeze %dma_wait3A_23 : memref<1x16x16xi32, #tpu.memory_space<hbm>> -> memref<16x16xi32, #tpu.memory_space<hbm>>
    %dma_wait3A_25 = arith.constant 0 : i32
    %dma_wait3A_26 = arith.constant 0 : i32
    %dma_wait3A_27 = tpu.memref_slice %arg2[%add3A, %dma_wait3A_25, %dma_wait3A_26] : memref<32x16x16xi32, #tpu.memory_space<hbm>> -> memref<1x16x16xi32, #tpu.memory_space<hbm>>
    %dma_wait3A_28 = tpu.memref_squeeze %dma_wait3A_27 : memref<1x16x16xi32, #tpu.memory_space<hbm>> -> memref<16x16xi32, #tpu.memory_space<hbm>>
    tpu.wait_dma2 semaphore(%arg13 : memref<!tpu.dma_semaphore, #tpu.memory_space<semaphore_mem>>) src(%dma_wait3A_28 : memref<16x16xi32, #tpu.memory_space<hbm>>) dst(%arg6 : memref<16x16xi32, #tpu.memory_space<vmem>>)
    %dma_start3A_29 = arith.constant 0 : i32
    %dma_start3A_30 = arith.constant 0 : i32
    %dma_start3A_31 = tpu.memref_slice %arg6[%dma_start3A_29, %dma_start3A_30] : memref<16x16xi32, #tpu.memory_space<vmem>> -> memref<1x16xi32, #tpu.memory_space<vmem>>
    %dma_start3A_32 = tpu.memref_squeeze %dma_start3A_31 : memref<1x16xi32, #tpu.memory_space<vmem>> -> memref<16xi32, #tpu.memory_space<vmem>>
    %dma_start3A_33 = arith.constant 0 : i32
    %dma_start3A_34 = arith.constant 0 : i32
    %dma_start3A_35 = tpu.memref_slice %arg3[%dma_start3A_33, %dma_start3A_34] : memref<100000x1024xf32, #tpu.memory_space<hbm>> -> memref<100000x1024xf32, #tpu.memory_space<hbm>>
    tpu.enqueue_indirect_dma source(%dma_start3A_35 : memref<100000x1024xf32, #tpu.memory_space<hbm>>) target(%arg9 : memref<16x1024xf32, #tpu.memory_space<vmem>>) offsets(%dma_start3A_32 : memref<16xi32, #tpu.memory_space<vmem>>) semaphore(%arg16 : memref<!tpu.dma_semaphore, #tpu.memory_space<semaphore_mem>>)
    %dma_start3A_36 = arith.constant 4 : i32
    %dma_start3A_37 = arith.constant 0 : i32
    %dma_start3A_38 = tpu.memref_slice %arg6[%dma_start3A_36, %dma_start3A_37] : memref<16x16xi32, #tpu.memory_space<vmem>> -> memref<1x16xi32, #tpu.memory_space<vmem>>
    %dma_start3A_39 = tpu.memref_squeeze %dma_start3A_38 : memref<1x16xi32, #tpu.memory_space<vmem>> -> memref<16xi32, #tpu.memory_space<vmem>>
    %dma_start3A_40 = arith.constant 0 : i32
    %dma_start3A_41 = arith.constant 0 : i32
    %dma_start3A_42 = tpu.memref_slice %arg3[%dma_start3A_40, %dma_start3A_41] : memref<100000x1024xf32, #tpu.memory_space<hbm>> -> memref<100000x1024xf32, #tpu.memory_space<hbm>>
    tpu.enqueue_indirect_dma source(%dma_start3A_42 : memref<100000x1024xf32, #tpu.memory_space<hbm>>) target(%arg10 : memref<16x1024xf32, #tpu.memory_space<vmem>>) offsets(%dma_start3A_39 : memref<16xi32, #tpu.memory_space<vmem>>) semaphore(%arg17 : memref<!tpu.dma_semaphore, #tpu.memory_space<semaphore_mem>>)
    %dma_start3A_43 = arith.constant 8 : i32
    %dma_start3A_44 = arith.constant 0 : i32
    %dma_start3A_45 = tpu.memref_slice %arg6[%dma_start3A_43, %dma_start3A_44] : memref<16x16xi32, #tpu.memory_space<vmem>> -> memref<1x16xi32, #tpu.memory_space<vmem>>
    %dma_start3A_46 = tpu.memref_squeeze %dma_start3A_45 : memref<1x16xi32, #tpu.memory_space<vmem>> -> memref<16xi32, #tpu.memory_space<vmem>>
    %dma_start3A_47 = arith.constant 0 : i32
    %dma_start3A_48 = arith.constant 0 : i32
    %dma_start3A_49 = tpu.memref_slice %arg3[%dma_start3A_47, %dma_start3A_48] : memref<100000x1024xf32, #tpu.memory_space<hbm>> -> memref<100000x1024xf32, #tpu.memory_space<hbm>>
    tpu.enqueue_indirect_dma source(%dma_start3A_49 : memref<100000x1024xf32, #tpu.memory_space<hbm>>) target(%arg11 : memref<16x1024xf32, #tpu.memory_space<vmem>>) offsets(%dma_start3A_46 : memref<16xi32, #tpu.memory_space<vmem>>) semaphore(%arg18 : memref<!tpu.dma_semaphore, #tpu.memory_space<semaphore_mem>>)
    %dma_wait3A_50 = arith.constant 0 : i32
    %dma_wait3A_51 = tpu.memref_slice %arg4[%add3A_11, %dma_wait3A_50] : memref<2048x1024xf32, #tpu.memory_space<hbm>> -> memref<16x1024xf32, #tpu.memory_space<hbm>>
    %dma_wait3A_52 = arith.constant 0 : i32
    %dma_wait3A_53 = tpu.memref_slice %arg4[%add3A_11, %dma_wait3A_52] : memref<2048x1024xf32, #tpu.memory_space<hbm>> -> memref<16x1024xf32, #tpu.memory_space<hbm>>
    tpu.wait_dma2 semaphore(%arg14 : memref<!tpu.dma_semaphore, #tpu.memory_space<semaphore_mem>>) src(%dma_wait3A_53 : memref<16x1024xf32, #tpu.memory_space<hbm>>) dst(%arg7 : memref<16x1024xf32, #tpu.memory_space<vmem>>)
    %dma_wait3A_54 = arith.constant 0 : i32
    %dma_wait3A_55 = arith.constant 0 : i32
    %dma_wait3A_56 = tpu.memref_slice %arg6[%dma_wait3A_54, %dma_wait3A_55] : memref<16x16xi32, #tpu.memory_space<vmem>> -> memref<1x16xi32, #tpu.memory_space<vmem>>
    %dma_wait3A_57 = tpu.memref_squeeze %dma_wait3A_56 : memref<1x16xi32, #tpu.memory_space<vmem>> -> memref<16xi32, #tpu.memory_space<vmem>>
    %dma_wait3A_58 = arith.constant 0 : i32
    %dma_wait3A_59 = arith.constant 0 : i32
    %dma_wait3A_60 = tpu.memref_slice %arg3[%dma_wait3A_58, %dma_wait3A_59] : memref<100000x1024xf32, #tpu.memory_space<hbm>> -> memref<100000x1024xf32, #tpu.memory_space<hbm>>
    tpu.wait_indirect_dma semaphore(%arg16 : memref<!tpu.dma_semaphore, #tpu.memory_space<semaphore_mem>>) src(%dma_wait3A_60 : memref<100000x1024xf32, #tpu.memory_space<hbm>>) dst(%arg9 : memref<16x1024xf32, #tpu.memory_space<vmem>>)
    %parallel_loop3A = arith.constant 0 : i32
    %parallel_loop3A_61 = arith.constant 16 : i32
    %parallel_loop3A_62 = arith.constant 1 : i32
    scf.for %parallel_loop3A_488 = %parallel_loop3A to %parallel_loop3A_61 step %parallel_loop3A_62  : i32 {
      %parallel_loop3A_489 = arith.constant 0 : i32
      %parallel_loop3A_490 = arith.constant 64 : i32
      %parallel_loop3A_491 = arith.constant 1 : i32
      scf.for %parallel_loop3A_492 = %parallel_loop3A_489 to %parallel_loop3A_490 step %parallel_loop3A_491  : i32 {
        %parallel_loop3A_493 = arith.constant 16 : i32
        %parallel_loop3A_494 = arith.muli %parallel_loop3A_492, %parallel_loop3A_493 : i32
        %parallel_loop3A_495 = arith.index_cast %parallel_loop3A_488 : i32 to index
        %parallel_loop3A_496 = arith.index_cast %parallel_loop3A_494 : i32 to index
        %parallel_loop3A_497 = tpu.vector_load %arg7[%parallel_loop3A_495, %parallel_loop3A_496] {strides = array<i32>} : memref<16x1024xf32, #tpu.memory_space<vmem>>, vector<1x16xf32>,
        %parallel_loop3A_498 = vector.shape_cast %parallel_loop3A_497 : vector<1x16xf32> to vector<16xf32>
        %parallel_loop3A_499 = arith.constant 16 : i32
        %parallel_loop3A_500 = arith.muli %parallel_loop3A_492, %parallel_loop3A_499 : i32
        %parallel_loop3A_501 = arith.index_cast %parallel_loop3A_488 : i32 to index
        %parallel_loop3A_502 = arith.index_cast %parallel_loop3A_500 : i32 to index
        %parallel_loop3A_503 = tpu.vector_load %arg9[%parallel_loop3A_501, %parallel_loop3A_502] {strides = array<i32>} : memref<16x1024xf32, #tpu.memory_space<vmem>>, vector<1x16xf32>,
        %parallel_loop3A_504 = vector.shape_cast %parallel_loop3A_503 : vector<1x16xf32> to vector<16xf32>
        %parallel_loop3A_505 = vector.shape_cast %parallel_loop3A_498 : vector<16xf32> to vector<1x16xf32>
        tpu.vector_store %arg9[%parallel_loop3A_501, %parallel_loop3A_502], %parallel_loop3A_505 {add = true, strides = array<i32>} : memref<16x1024xf32, #tpu.memory_space<vmem>>, vector<1x16xf32>,
      } {sc.loop_unroll_factor = 16 : i64, sc.parallel_access}
    } {sc.loop_unroll_factor = 1 : i64, sc.parallel_access}
    %add3A_63 = arith.constant 0 : i32
    %add3A_64 = arith.addi %add3A_63, %multiple_of3A : i32
    %dma_start3A_65 = arith.constant 0 : i32
    %dma_start3A_66 = tpu.memref_slice %arg5[%add3A_64, %dma_start3A_65] : memref<8192x1024xf32, #tpu.memory_space<hbm>> -> memref<16x1024xf32, #tpu.memory_space<hbm>>
    %dma_start3A_67 = arith.constant 0 : i32
    %dma_start3A_68 = tpu.memref_slice %arg5[%add3A_64, %dma_start3A_67] : memref<8192x1024xf32, #tpu.memory_space<hbm>> -> memref<16x1024xf32, #tpu.memory_space<hbm>>
    tpu.enqueue_dma source(%arg9 : memref<16x1024xf32, #tpu.memory_space<vmem>>) target(%dma_start3A_68 : memref<16x1024xf32, #tpu.memory_space<hbm>>) target_semaphore(%arg20 : memref<!tpu.dma_semaphore, #tpu.memory_space<semaphore_mem>>)
    %dma_start3A_69 = arith.constant 12 : i32
    %dma_start3A_70 = arith.constant 0 : i32
    %dma_start3A_71 = tpu.memref_slice %arg6[%dma_start3A_69, %dma_start3A_70] : memref<16x16xi32, #tpu.memory_space<vmem>> -> memref<1x16xi32, #tpu.memory_space<vmem>>
    %dma_start3A_72 = tpu.memref_squeeze %dma_start3A_71 : memref<1x16xi32, #tpu.memory_space<vmem>> -> memref<16xi32, #tpu.memory_space<vmem>>
    %dma_start3A_73 = arith.constant 0 : i32
    %dma_start3A_74 = arith.constant 0 : i32
    %dma_start3A_75 = tpu.memref_slice %arg3[%dma_start3A_73, %dma_start3A_74] : memref<100000x1024xf32, #tpu.memory_space<hbm>> -> memref<100000x1024xf32, #tpu.memory_space<hbm>>
    tpu.enqueue_indirect_dma source(%dma_start3A_75 : memref<100000x1024xf32, #tpu.memory_space<hbm>>) target(%arg12 : memref<16x1024xf32, #tpu.memory_space<vmem>>) offsets(%dma_start3A_72 : memref<16xi32, #tpu.memory_space<vmem>>) semaphore(%arg19 : memref<!tpu.dma_semaphore, #tpu.memory_space<semaphore_mem>>)
    %dma_wait3A_76 = arith.constant 4 : i32
    %dma_wait3A_77 = arith.constant 0 : i32
    %dma_wait3A_78 = tpu.memref_slice %arg6[%dma_wait3A_76, %dma_wait3A_77] : memref<16x16xi32, #tpu.memory_space<vmem>> -> memref<1x16xi32, #tpu.memory_space<vmem>>
    %dma_wait3A_79 = tpu.memref_squeeze %dma_wait3A_78 : memref<1x16xi32, #tpu.memory_space<vmem>> -> memref<16xi32, #tpu.memory_space<vmem>>
    %dma_wait3A_80 = arith.constant 0 : i32
    %dma_wait3A_81 = arith.constant 0 : i32
    %dma_wait3A_82 = tpu.memref_slice %arg3[%dma_wait3A_80, %dma_wait3A_81] : memref<100000x1024xf32, #tpu.memory_space<hbm>> -> memref<100000x1024xf32, #tpu.memory_space<hbm>>
    tpu.wait_indirect_dma semaphore(%arg17 : memref<!tpu.dma_semaphore, #tpu.memory_space<semaphore_mem>>) src(%dma_wait3A_82 : memref<100000x1024xf32, #tpu.memory_space<hbm>>) dst(%arg10 : memref<16x1024xf32, #tpu.memory_space<vmem>>)
    %parallel_loop3A_83 = arith.constant 0 : i32
    %parallel_loop3A_84 = arith.constant 16 : i32
    %parallel_loop3A_85 = arith.constant 1 : i32
    scf.for %parallel_loop3A_488 = %parallel_loop3A_83 to %parallel_loop3A_84 step %parallel_loop3A_85  : i32 {
      %parallel_loop3A_489 = arith.constant 0 : i32
      %parallel_loop3A_490 = arith.constant 64 : i32
      %parallel_loop3A_491 = arith.constant 1 : i32
      scf.for %parallel_loop3A_492 = %parallel_loop3A_489 to %parallel_loop3A_490 step %parallel_loop3A_491  : i32 {
        %parallel_loop3A_493 = arith.constant 16 : i32
        %parallel_loop3A_494 = arith.muli %parallel_loop3A_492, %parallel_loop3A_493 : i32
        %parallel_loop3A_495 = arith.index_cast %parallel_loop3A_488 : i32 to index
        %parallel_loop3A_496 = arith.index_cast %parallel_loop3A_494 : i32 to index
        %parallel_loop3A_497 = tpu.vector_load %arg7[%parallel_loop3A_495, %parallel_loop3A_496] {strides = array<i32>} : memref<16x1024xf32, #tpu.memory_space<vmem>>, vector<1x16xf32>,
        %parallel_loop3A_498 = vector.shape_cast %parallel_loop3A_497 : vector<1x16xf32> to vector<16xf32>
        %parallel_loop3A_499 = arith.constant 16 : i32
        %parallel_loop3A_500 = arith.muli %parallel_loop3A_492, %parallel_loop3A_499 : i32
        %parallel_loop3A_501 = arith.index_cast %parallel_loop3A_488 : i32 to index
        %parallel_loop3A_502 = arith.index_cast %parallel_loop3A_500 : i32 to index
        %parallel_loop3A_503 = tpu.vector_load %arg10[%parallel_loop3A_501, %parallel_loop3A_502] {strides = array<i32>} : memref<16x1024xf32, #tpu.memory_space<vmem>>, vector<1x16xf32>,
        %parallel_loop3A_504 = vector.shape_cast %parallel_loop3A_503 : vector<1x16xf32> to vector<16xf32>
        %parallel_loop3A_505 = vector.shape_cast %parallel_loop3A_498 : vector<16xf32> to vector<1x16xf32>
        tpu.vector_store %arg10[%parallel_loop3A_501, %parallel_loop3A_502], %parallel_loop3A_505 {add = true, strides = array<i32>} : memref<16x1024xf32, #tpu.memory_space<vmem>>, vector<1x16xf32>,
      } {sc.loop_unroll_factor = 16 : i64, sc.parallel_access}
    } {sc.loop_unroll_factor = 1 : i64, sc.parallel_access}
    %add3A_86 = arith.constant 2048 : i32
    %add3A_87 = arith.addi %add3A_86, %multiple_of3A : i32
    %dma_start3A_88 = arith.constant 0 : i32
    %dma_start3A_89 = tpu.memref_slice %arg5[%add3A_87, %dma_start3A_88] : memref<8192x1024xf32, #tpu.memory_space<hbm>> -> memref<16x1024xf32, #tpu.memory_space<hbm>>
    %dma_start3A_90 = arith.constant 0 : i32
    %dma_start3A_91 = tpu.memref_slice %arg5[%add3A_87, %dma_start3A_90] : memref<8192x1024xf32, #tpu.memory_space<hbm>> -> memref<16x1024xf32, #tpu.memory_space<hbm>>
    tpu.enqueue_dma source(%arg10 : memref<16x1024xf32, #tpu.memory_space<vmem>>) target(%dma_start3A_91 : memref<16x1024xf32, #tpu.memory_space<hbm>>) target_semaphore(%arg21 : memref<!tpu.dma_semaphore, #tpu.memory_space<semaphore_mem>>)
    %dma_wait3A_92 = arith.constant 0 : i32
    %dma_wait3A_93 = tpu.memref_slice %arg5[%add3A_64, %dma_wait3A_92] : memref<8192x1024xf32, #tpu.memory_space<hbm>> -> memref<16x1024xf32, #tpu.memory_space<hbm>>
    %dma_wait3A_94 = arith.constant 0 : i32
    %dma_wait3A_95 = tpu.memref_slice %arg5[%add3A_64, %dma_wait3A_94] : memref<8192x1024xf32, #tpu.memory_space<hbm>> -> memref<16x1024xf32, #tpu.memory_space<hbm>>
    tpu.wait_dma2 semaphore(%arg20 : memref<!tpu.dma_semaphore, #tpu.memory_space<semaphore_mem>>) src(%arg9 : memref<16x1024xf32, #tpu.memory_space<vmem>>) dst(%dma_wait3A_95 : memref<16x1024xf32, #tpu.memory_space<hbm>>)
    %dma_start3A_96 = arith.constant 1 : i32
    %dma_start3A_97 = arith.constant 0 : i32
    %dma_start3A_98 = tpu.memref_slice %arg6[%dma_start3A_96, %dma_start3A_97] : memref<16x16xi32, #tpu.memory_space<vmem>> -> memref<1x16xi32, #tpu.memory_space<vmem>>
    %dma_start3A_99 = tpu.memref_squeeze %dma_start3A_98 : memref<1x16xi32, #tpu.memory_space<vmem>> -> memref<16xi32, #tpu.memory_space<vmem>>
    %dma_start3A_100 = arith.constant 0 : i32
    %dma_start3A_101 = arith.constant 0 : i32
    %dma_start3A_102 = tpu.memref_slice %arg3[%dma_start3A_100, %dma_start3A_101] : memref<100000x1024xf32, #tpu.memory_space<hbm>> -> memref<100000x1024xf32, #tpu.memory_space<hbm>>
    tpu.enqueue_indirect_dma source(%dma_start3A_102 : memref<100000x1024xf32, #tpu.memory_space<hbm>>) target(%arg9 : memref<16x1024xf32, #tpu.memory_space<vmem>>) offsets(%dma_start3A_99 : memref<16xi32, #tpu.memory_space<vmem>>) semaphore(%arg16 : memref<!tpu.dma_semaphore, #tpu.memory_space<semaphore_mem>>)
    %dma_wait3A_103 = arith.constant 8 : i32
    %dma_wait3A_104 = arith.constant 0 : i32
    %dma_wait3A_105 = tpu.memref_slice %arg6[%dma_wait3A_103, %dma_wait3A_104] : memref<16x16xi32, #tpu.memory_space<vmem>> -> memref<1x16xi32, #tpu.memory_space<vmem>>
    %dma_wait3A_106 = tpu.memref_squeeze %dma_wait3A_105 : memref<1x16xi32, #tpu.memory_space<vmem>> -> memref<16xi32, #tpu.memory_space<vmem>>
    %dma_wait3A_107 = arith.constant 0 : i32
    %dma_wait3A_108 = arith.constant 0 : i32
    %dma_wait3A_109 = tpu.memref_slice %arg3[%dma_wait3A_107, %dma_wait3A_108] : memref<100000x1024xf32, #tpu.memory_space<hbm>> -> memref<100000x1024xf32, #tpu.memory_space<hbm>>
    tpu.wait_indirect_dma semaphore(%arg18 : memref<!tpu.dma_semaphore, #tpu.memory_space<semaphore_mem>>) src(%dma_wait3A_109 : memref<100000x1024xf32, #tpu.memory_space<hbm>>) dst(%arg11 : memref<16x1024xf32, #tpu.memory_space<vmem>>)
    %parallel_loop3A_110 = arith.constant 0 : i32
    %parallel_loop3A_111 = arith.constant 16 : i32
    %parallel_loop3A_112 = arith.constant 1 : i32
    scf.for %parallel_loop3A_488 = %parallel_loop3A_110 to %parallel_loop3A_111 step %parallel_loop3A_112  : i32 {
      %parallel_loop3A_489 = arith.constant 0 : i32
      %parallel_loop3A_490 = arith.constant 64 : i32
      %parallel_loop3A_491 = arith.constant 1 : i32
      scf.for %parallel_loop3A_492 = %parallel_loop3A_489 to %parallel_loop3A_490 step %parallel_loop3A_491  : i32 {
        %parallel_loop3A_493 = arith.constant 16 : i32
        %parallel_loop3A_494 = arith.muli %parallel_loop3A_492, %parallel_loop3A_493 : i32
        %parallel_loop3A_495 = arith.index_cast %parallel_loop3A_488 : i32 to index
        %parallel_loop3A_496 = arith.index_cast %parallel_loop3A_494 : i32 to index
        %parallel_loop3A_497 = tpu.vector_load %arg7[%parallel_loop3A_495, %parallel_loop3A_496] {strides = array<i32>} : memref<16x1024xf32, #tpu.memory_space<vmem>>, vector<1x16xf32>,
        %parallel_loop3A_498 = vector.shape_cast %parallel_loop3A_497 : vector<1x16xf32> to vector<16xf32>
        %parallel_loop3A_499 = arith.constant 16 : i32
        %parallel_loop3A_500 = arith.muli %parallel_loop3A_492, %parallel_loop3A_499 : i32
        %parallel_loop3A_501 = arith.index_cast %parallel_loop3A_488 : i32 to index
        %parallel_loop3A_502 = arith.index_cast %parallel_loop3A_500 : i32 to index
        %parallel_loop3A_503 = tpu.vector_load %arg11[%parallel_loop3A_501, %parallel_loop3A_502] {strides = array<i32>} : memref<16x1024xf32, #tpu.memory_space<vmem>>, vector<1x16xf32>,
        %parallel_loop3A_504 = vector.shape_cast %parallel_loop3A_503 : vector<1x16xf32> to vector<16xf32>
        %parallel_loop3A_505 = vector.shape_cast %parallel_loop3A_498 : vector<16xf32> to vector<1x16xf32>
        tpu.vector_store %arg11[%parallel_loop3A_501, %parallel_loop3A_502], %parallel_loop3A_505 {add = true, strides = array<i32>} : memref<16x1024xf32, #tpu.memory_space<vmem>>, vector<1x16xf32>,
      } {sc.loop_unroll_factor = 16 : i64, sc.parallel_access}
    } {sc.loop_unroll_factor = 1 : i64, sc.parallel_access}
    %add3A_113 = arith.constant 4096 : i32
    %add3A_114 = arith.addi %add3A_113, %multiple_of3A : i32
    %dma_start3A_115 = arith.constant 0 : i32
    %dma_start3A_116 = tpu.memref_slice %arg5[%add3A_114, %dma_start3A_115] : memref<8192x1024xf32, #tpu.memory_space<hbm>> -> memref<16x1024xf32, #tpu.memory_space<hbm>>
    %dma_start3A_117 = arith.constant 0 : i32
    %dma_start3A_118 = tpu.memref_slice %arg5[%add3A_114, %dma_start3A_117] : memref<8192x1024xf32, #tpu.memory_space<hbm>> -> memref<16x1024xf32, #tpu.memory_space<hbm>>
    tpu.enqueue_dma source(%arg11 : memref<16x1024xf32, #tpu.memory_space<vmem>>) target(%dma_start3A_118 : memref<16x1024xf32, #tpu.memory_space<hbm>>) target_semaphore(%arg22 : memref<!tpu.dma_semaphore, #tpu.memory_space<semaphore_mem>>)
    %dma_wait3A_119 = arith.constant 0 : i32
    %dma_wait3A_120 = tpu.memref_slice %arg5[%add3A_87, %dma_wait3A_119] : memref<8192x1024xf32, #tpu.memory_space<hbm>> -> memref<16x1024xf32, #tpu.memory_space<hbm>>
    %dma_wait3A_121 = arith.constant 0 : i32
    %dma_wait3A_122 = tpu.memref_slice %arg5[%add3A_87, %dma_wait3A_121] : memref<8192x1024xf32, #tpu.memory_space<hbm>> -> memref<16x1024xf32, #tpu.memory_space<hbm>>
    tpu.wait_dma2 semaphore(%arg21 : memref<!tpu.dma_semaphore, #tpu.memory_space<semaphore_mem>>) src(%arg10 : memref<16x1024xf32, #tpu.memory_space<vmem>>) dst(%dma_wait3A_122 : memref<16x1024xf32, #tpu.memory_space<hbm>>)
    %dma_start3A_123 = arith.constant 5 : i32
    %dma_start3A_124 = arith.constant 0 : i32
    %dma_start3A_125 = tpu.memref_slice %arg6[%dma_start3A_123, %dma_start3A_124] : memref<16x16xi32, #tpu.memory_space<vmem>> -> memref<1x16xi32, #tpu.memory_space<vmem>>
    %dma_start3A_126 = tpu.memref_squeeze %dma_start3A_125 : memref<1x16xi32, #tpu.memory_space<vmem>> -> memref<16xi32, #tpu.memory_space<vmem>>
    %dma_start3A_127 = arith.constant 0 : i32
    %dma_start3A_128 = arith.constant 0 : i32
    %dma_start3A_129 = tpu.memref_slice %arg3[%dma_start3A_127, %dma_start3A_128] : memref<100000x1024xf32, #tpu.memory_space<hbm>> -> memref<100000x1024xf32, #tpu.memory_space<hbm>>
    tpu.enqueue_indirect_dma source(%dma_start3A_129 : memref<100000x1024xf32, #tpu.memory_space<hbm>>) target(%arg10 : memref<16x1024xf32, #tpu.memory_space<vmem>>) offsets(%dma_start3A_126 : memref<16xi32, #tpu.memory_space<vmem>>) semaphore(%arg17 : memref<!tpu.dma_semaphore, #tpu.memory_space<semaphore_mem>>)
    %dma_wait3A_130 = arith.constant 12 : i32
    %dma_wait3A_131 = arith.constant 0 : i32
    %dma_wait3A_132 = tpu.memref_slice %arg6[%dma_wait3A_130, %dma_wait3A_131] : memref<16x16xi32, #tpu.memory_space<vmem>> -> memref<1x16xi32, #tpu.memory_space<vmem>>
    %dma_wait3A_133 = tpu.memref_squeeze %dma_wait3A_132 : memref<1x16xi32, #tpu.memory_space<vmem>> -> memref<16xi32, #tpu.memory_space<vmem>>
    %dma_wait3A_134 = arith.constant 0 : i32
    %dma_wait3A_135 = arith.constant 0 : i32
    %dma_wait3A_136 = tpu.memref_slice %arg3[%dma_wait3A_134, %dma_wait3A_135] : memref<100000x1024xf32, #tpu.memory_space<hbm>> -> memref<100000x1024xf32, #tpu.memory_space<hbm>>
    tpu.wait_indirect_dma semaphore(%arg19 : memref<!tpu.dma_semaphore, #tpu.memory_space<semaphore_mem>>) src(%dma_wait3A_136 : memref<100000x1024xf32, #tpu.memory_space<hbm>>) dst(%arg12 : memref<16x1024xf32, #tpu.memory_space<vmem>>)
    %parallel_loop3A_137 = arith.constant 0 : i32
    %parallel_loop3A_138 = arith.constant 16 : i32
    %parallel_loop3A_139 = arith.constant 1 : i32
    scf.for %parallel_loop3A_488 = %parallel_loop3A_137 to %parallel_loop3A_138 step %parallel_loop3A_139  : i32 {
      %parallel_loop3A_489 = arith.constant 0 : i32
      %parallel_loop3A_490 = arith.constant 64 : i32
      %parallel_loop3A_491 = arith.constant 1 : i32
      scf.for %parallel_loop3A_492 = %parallel_loop3A_489 to %parallel_loop3A_490 step %parallel_loop3A_491  : i32 {
        %parallel_loop3A_493 = arith.constant 16 : i32
        %parallel_loop3A_494 = arith.muli %parallel_loop3A_492, %parallel_loop3A_493 : i32
        %parallel_loop3A_495 = arith.index_cast %parallel_loop3A_488 : i32 to index
        %parallel_loop3A_496 = arith.index_cast %parallel_loop3A_494 : i32 to index
        %parallel_loop3A_497 = tpu.vector_load %arg7[%parallel_loop3A_495, %parallel_loop3A_496] {strides = array<i32>} : memref<16x1024xf32, #tpu.memory_space<vmem>>, vector<1x16xf32>,
        %parallel_loop3A_498 = vector.shape_cast %parallel_loop3A_497 : vector<1x16xf32> to vector<16xf32>
        %parallel_loop3A_499 = arith.constant 16 : i32
        %parallel_loop3A_500 = arith.muli %parallel_loop3A_492, %parallel_loop3A_499 : i32
        %parallel_loop3A_501 = arith.index_cast %parallel_loop3A_488 : i32 to index
        %parallel_loop3A_502 = arith.index_cast %parallel_loop3A_500 : i32 to index
        %parallel_loop3A_503 = tpu.vector_load %arg12[%parallel_loop3A_501, %parallel_loop3A_502] {strides = array<i32>} : memref<16x1024xf32, #tpu.memory_space<vmem>>, vector<1x16xf32>,
        %parallel_loop3A_504 = vector.shape_cast %parallel_loop3A_503 : vector<1x16xf32> to vector<16xf32>
        %parallel_loop3A_505 = vector.shape_cast %parallel_loop3A_498 : vector<16xf32> to vector<1x16xf32>
        tpu.vector_store %arg12[%parallel_loop3A_501, %parallel_loop3A_502], %parallel_loop3A_505 {add = true, strides = array<i32>} : memref<16x1024xf32, #tpu.memory_space<vmem>>, vector<1x16xf32>,
      } {sc.loop_unroll_factor = 16 : i64, sc.parallel_access}
    } {sc.loop_unroll_factor = 1 : i64, sc.parallel_access}
    %add3A_140 = arith.constant 6144 : i32
    %add3A_141 = arith.addi %add3A_140, %multiple_of3A : i32
    %dma_start3A_142 = arith.constant 0 : i32
    %dma_start3A_143 = tpu.memref_slice %arg5[%add3A_141, %dma_start3A_142] : memref<8192x1024xf32, #tpu.memory_space<hbm>> -> memref<16x1024xf32, #tpu.memory_space<hbm>>
    %dma_start3A_144 = arith.constant 0 : i32
    %dma_start3A_145 = tpu.memref_slice %arg5[%add3A_141, %dma_start3A_144] : memref<8192x1024xf32, #tpu.memory_space<hbm>> -> memref<16x1024xf32, #tpu.memory_space<hbm>>
    tpu.enqueue_dma source(%arg12 : memref<16x1024xf32, #tpu.memory_space<vmem>>) target(%dma_start3A_145 : memref<16x1024xf32, #tpu.memory_space<hbm>>) target_semaphore(%arg23 : memref<!tpu.dma_semaphore, #tpu.memory_space<semaphore_mem>>)
    %dma_wait3A_146 = arith.constant 0 : i32
    %dma_wait3A_147 = tpu.memref_slice %arg5[%add3A_114, %dma_wait3A_146] : memref<8192x1024xf32, #tpu.memory_space<hbm>> -> memref<16x1024xf32, #tpu.memory_space<hbm>>
    %dma_wait3A_148 = arith.constant 0 : i32
    %dma_wait3A_149 = tpu.memref_slice %arg5[%add3A_114, %dma_wait3A_148] : memref<8192x1024xf32, #tpu.memory_space<hbm>> -> memref<16x1024xf32, #tpu.memory_space<hbm>>
    tpu.wait_dma2 semaphore(%arg22 : memref<!tpu.dma_semaphore, #tpu.memory_space<semaphore_mem>>) src(%arg11 : memref<16x1024xf32, #tpu.memory_space<vmem>>) dst(%dma_wait3A_149 : memref<16x1024xf32, #tpu.memory_space<hbm>>)
    %dma_start3A_150 = arith.constant 9 : i32
    %dma_start3A_151 = arith.constant 0 : i32
    %dma_start3A_152 = tpu.memref_slice %arg6[%dma_start3A_150, %dma_start3A_151] : memref<16x16xi32, #tpu.memory_space<vmem>> -> memref<1x16xi32, #tpu.memory_space<vmem>>
    %dma_start3A_153 = tpu.memref_squeeze %dma_start3A_152 : memref<1x16xi32, #tpu.memory_space<vmem>> -> memref<16xi32, #tpu.memory_space<vmem>>
    %dma_start3A_154 = arith.constant 0 : i32
    %dma_start3A_155 = arith.constant 0 : i32
    %dma_start3A_156 = tpu.memref_slice %arg3[%dma_start3A_154, %dma_start3A_155] : memref<100000x1024xf32, #tpu.memory_space<hbm>> -> memref<100000x1024xf32, #tpu.memory_space<hbm>>
    tpu.enqueue_indirect_dma source(%dma_start3A_156 : memref<100000x1024xf32, #tpu.memory_space<hbm>>) target(%arg11 : memref<16x1024xf32, #tpu.memory_space<vmem>>) offsets(%dma_start3A_153 : memref<16xi32, #tpu.memory_space<vmem>>) semaphore(%arg18 : memref<!tpu.dma_semaphore, #tpu.memory_space<semaphore_mem>>)
    %dma_wait3A_157 = arith.constant 0 : i32
    %dma_wait3A_158 = tpu.memref_slice %arg4[%add3A_17, %dma_wait3A_157] : memref<2048x1024xf32, #tpu.memory_space<hbm>> -> memref<16x1024xf32, #tpu.memory_space<hbm>>
    %dma_wait3A_159 = arith.constant 0 : i32
    %dma_wait3A_160 = tpu.memref_slice %arg4[%add3A_17, %dma_wait3A_159] : memref<2048x1024xf32, #tpu.memory_space<hbm>> -> memref<16x1024xf32, #tpu.memory_space<hbm>>
    tpu.wait_dma2 semaphore(%arg15 : memref<!tpu.dma_semaphore, #tpu.memory_space<semaphore_mem>>) src(%dma_wait3A_160 : memref<16x1024xf32, #tpu.memory_space<hbm>>) dst(%arg8 : memref<16x1024xf32, #tpu.memory_space<vmem>>)
    %add3A_161 = arith.constant 1024 : i32
    %add3A_162 = arith.addi %add3A_161, %multiple_of3A : i32
    %dma_start3A_163 = arith.constant 0 : i32
    %dma_start3A_164 = tpu.memref_slice %arg4[%add3A_162, %dma_start3A_163] : memref<2048x1024xf32, #tpu.memory_space<hbm>> -> memref<16x1024xf32, #tpu.memory_space<hbm>>
    %dma_start3A_165 = arith.constant 0 : i32
    %dma_start3A_166 = tpu.memref_slice %arg4[%add3A_162, %dma_start3A_165] : memref<2048x1024xf32, #tpu.memory_space<hbm>> -> memref<16x1024xf32, #tpu.memory_space<hbm>>
    tpu.enqueue_dma source(%dma_start3A_166 : memref<16x1024xf32, #tpu.memory_space<hbm>>) target(%arg7 : memref<16x1024xf32, #tpu.memory_space<vmem>>) target_semaphore(%arg14 : memref<!tpu.dma_semaphore, #tpu.memory_space<semaphore_mem>>)
    %dma_wait3A_167 = arith.constant 1 : i32
    %dma_wait3A_168 = arith.constant 0 : i32
    %dma_wait3A_169 = tpu.memref_slice %arg6[%dma_wait3A_167, %dma_wait3A_168] : memref<16x16xi32, #tpu.memory_space<vmem>> -> memref<1x16xi32, #tpu.memory_space<vmem>>
    %dma_wait3A_170 = tpu.memref_squeeze %dma_wait3A_169 : memref<1x16xi32, #tpu.memory_space<vmem>> -> memref<16xi32, #tpu.memory_space<vmem>>
    %dma_wait3A_171 = arith.constant 0 : i32
    %dma_wait3A_172 = arith.constant 0 : i32
    %dma_wait3A_173 = tpu.memref_slice %arg3[%dma_wait3A_171, %dma_wait3A_172] : memref<100000x1024xf32, #tpu.memory_space<hbm>> -> memref<100000x1024xf32, #tpu.memory_space<hbm>>
    tpu.wait_indirect_dma semaphore(%arg16 : memref<!tpu.dma_semaphore, #tpu.memory_space<semaphore_mem>>) src(%dma_wait3A_173 : memref<100000x1024xf32, #tpu.memory_space<hbm>>) dst(%arg9 : memref<16x1024xf32, #tpu.memory_space<vmem>>)
    %parallel_loop3A_174 = arith.constant 0 : i32
    %parallel_loop3A_175 = arith.constant 16 : i32
    %parallel_loop3A_176 = arith.constant 1 : i32
    scf.for %parallel_loop3A_488 = %parallel_loop3A_174 to %parallel_loop3A_175 step %parallel_loop3A_176  : i32 {
      %parallel_loop3A_489 = arith.constant 0 : i32
      %parallel_loop3A_490 = arith.constant 64 : i32
      %parallel_loop3A_491 = arith.constant 1 : i32
      scf.for %parallel_loop3A_492 = %parallel_loop3A_489 to %parallel_loop3A_490 step %parallel_loop3A_491  : i32 {
        %parallel_loop3A_493 = arith.constant 16 : i32
        %parallel_loop3A_494 = arith.muli %parallel_loop3A_492, %parallel_loop3A_493 : i32
        %parallel_loop3A_495 = arith.index_cast %parallel_loop3A_488 : i32 to index
        %parallel_loop3A_496 = arith.index_cast %parallel_loop3A_494 : i32 to index
        %parallel_loop3A_497 = tpu.vector_load %arg8[%parallel_loop3A_495, %parallel_loop3A_496] {strides = array<i32>} : memref<16x1024xf32, #tpu.memory_space<vmem>>, vector<1x16xf32>,
        %parallel_loop3A_498 = vector.shape_cast %parallel_loop3A_497 : vector<1x16xf32> to vector<16xf32>
        %parallel_loop3A_499 = arith.constant 16 : i32
        %parallel_loop3A_500 = arith.muli %parallel_loop3A_492, %parallel_loop3A_499 : i32
        %parallel_loop3A_501 = arith.index_cast %parallel_loop3A_488 : i32 to index
        %parallel_loop3A_502 = arith.index_cast %parallel_loop3A_500 : i32 to index
        %parallel_loop3A_503 = tpu.vector_load %arg9[%parallel_loop3A_501, %parallel_loop3A_502] {strides = array<i32>} : memref<16x1024xf32, #tpu.memory_space<vmem>>, vector<1x16xf32>,
        %parallel_loop3A_504 = vector.shape_cast %parallel_loop3A_503 : vector<1x16xf32> to vector<16xf32>
        %parallel_loop3A_505 = vector.shape_cast %parallel_loop3A_498 : vector<16xf32> to vector<1x16xf32>
        tpu.vector_store %arg9[%parallel_loop3A_501, %parallel_loop3A_502], %parallel_loop3A_505 {add = true, strides = array<i32>} : memref<16x1024xf32, #tpu.memory_space<vmem>>, vector<1x16xf32>,
      } {sc.loop_unroll_factor = 16 : i64, sc.parallel_access}
    } {sc.loop_unroll_factor = 1 : i64, sc.parallel_access}
    %add3A_177 = arith.constant 512 : i32
    %add3A_178 = arith.addi %add3A_177, %multiple_of3A : i32
    %dma_start3A_179 = arith.constant 0 : i32
    %dma_start3A_180 = tpu.memref_slice %arg5[%add3A_178, %dma_start3A_179] : memref<8192x1024xf32, #tpu.memory_space<hbm>> -> memref<16x1024xf32, #tpu.memory_space<hbm>>
    %dma_start3A_181 = arith.constant 0 : i32
    %dma_start3A_182 = tpu.memref_slice %arg5[%add3A_178, %dma_start3A_181] : memref<8192x1024xf32, #tpu.memory_space<hbm>> -> memref<16x1024xf32, #tpu.memory_space<hbm>>
    tpu.enqueue_dma source(%arg9 : memref<16x1024xf32, #tpu.memory_space<vmem>>) target(%dma_start3A_182 : memref<16x1024xf32, #tpu.memory_space<hbm>>) target_semaphore(%arg20 : memref<!tpu.dma_semaphore, #tpu.memory_space<semaphore_mem>>)
    %dma_wait3A_183 = arith.constant 0 : i32
    %dma_wait3A_184 = tpu.memref_slice %arg5[%add3A_141, %dma_wait3A_183] : memref<8192x1024xf32, #tpu.memory_space<hbm>> -> memref<16x1024xf32, #tpu.memory_space<hbm>>
    %dma_wait3A_185 = arith.constant 0 : i32
    %dma_wait3A_186 = tpu.memref_slice %arg5[%add3A_141, %dma_wait3A_185] : memref<8192x1024xf32, #tpu.memory_space<hbm>> -> memref<16x1024xf32, #tpu.memory_space<hbm>>
    tpu.wait_dma2 semaphore(%arg23 : memref<!tpu.dma_semaphore, #tpu.memory_space<semaphore_mem>>) src(%arg12 : memref<16x1024xf32, #tpu.memory_space<vmem>>) dst(%dma_wait3A_186 : memref<16x1024xf32, #tpu.memory_space<hbm>>)
    %dma_start3A_187 = arith.constant 13 : i32
    %dma_start3A_188 = arith.constant 0 : i32
    %dma_start3A_189 = tpu.memref_slice %arg6[%dma_start3A_187, %dma_start3A_188] : memref<16x16xi32, #tpu.memory_space<vmem>> -> memref<1x16xi32, #tpu.memory_space<vmem>>
    %dma_start3A_190 = tpu.memref_squeeze %dma_start3A_189 : memref<1x16xi32, #tpu.memory_space<vmem>> -> memref<16xi32, #tpu.memory_space<vmem>>
    %dma_start3A_191 = arith.constant 0 : i32
    %dma_start3A_192 = arith.constant 0 : i32
    %dma_start3A_193 = tpu.memref_slice %arg3[%dma_start3A_191, %dma_start3A_192] : memref<100000x1024xf32, #tpu.memory_space<hbm>> -> memref<100000x1024xf32, #tpu.memory_space<hbm>>
    tpu.enqueue_indirect_dma source(%dma_start3A_193 : memref<100000x1024xf32, #tpu.memory_space<hbm>>) target(%arg12 : memref<16x1024xf32, #tpu.memory_space<vmem>>) offsets(%dma_start3A_190 : memref<16xi32, #tpu.memory_space<vmem>>) semaphore(%arg19 : memref<!tpu.dma_semaphore, #tpu.memory_space<semaphore_mem>>)
    %dma_wait3A_194 = arith.constant 5 : i32
    %dma_wait3A_195 = arith.constant 0 : i32
    %dma_wait3A_196 = tpu.memref_slice %arg6[%dma_wait3A_194, %dma_wait3A_195] : memref<16x16xi32, #tpu.memory_space<vmem>> -> memref<1x16xi32, #tpu.memory_space<vmem>>
    %dma_wait3A_197 = tpu.memref_squeeze %dma_wait3A_196 : memref<1x16xi32, #tpu.memory_space<vmem>> -> memref<16xi32, #tpu.memory_space<vmem>>
    %dma_wait3A_198 = arith.constant 0 : i32
    %dma_wait3A_199 = arith.constant 0 : i32
    %dma_wait3A_200 = tpu.memref_slice %arg3[%dma_wait3A_198, %dma_wait3A_199] : memref<100000x1024xf32, #tpu.memory_space<hbm>> -> memref<100000x1024xf32, #tpu.memory_space<hbm>>
    tpu.wait_indirect_dma semaphore(%arg17 : memref<!tpu.dma_semaphore, #tpu.memory_space<semaphore_mem>>) src(%dma_wait3A_200 : memref<100000x1024xf32, #tpu.memory_space<hbm>>) dst(%arg10 : memref<16x1024xf32, #tpu.memory_space<vmem>>)
    %parallel_loop3A_201 = arith.constant 0 : i32
    %parallel_loop3A_202 = arith.constant 16 : i32
    %parallel_loop3A_203 = arith.constant 1 : i32
    scf.for %parallel_loop3A_488 = %parallel_loop3A_201 to %parallel_loop3A_202 step %parallel_loop3A_203  : i32 {
      %parallel_loop3A_489 = arith.constant 0 : i32
      %parallel_loop3A_490 = arith.constant 64 : i32
      %parallel_loop3A_491 = arith.constant 1 : i32
      scf.for %parallel_loop3A_492 = %parallel_loop3A_489 to %parallel_loop3A_490 step %parallel_loop3A_491  : i32 {
        %parallel_loop3A_493 = arith.constant 16 : i32
        %parallel_loop3A_494 = arith.muli %parallel_loop3A_492, %parallel_loop3A_493 : i32
        %parallel_loop3A_495 = arith.index_cast %parallel_loop3A_488 : i32 to index
        %parallel_loop3A_496 = arith.index_cast %parallel_loop3A_494 : i32 to index
        %parallel_loop3A_497 = tpu.vector_load %arg8[%parallel_loop3A_495, %parallel_loop3A_496] {strides = array<i32>} : memref<16x1024xf32, #tpu.memory_space<vmem>>, vector<1x16xf32>,
        %parallel_loop3A_498 = vector.shape_cast %parallel_loop3A_497 : vector<1x16xf32> to vector<16xf32>
        %parallel_loop3A_499 = arith.constant 16 : i32
        %parallel_loop3A_500 = arith.muli %parallel_loop3A_492, %parallel_loop3A_499 : i32
        %parallel_loop3A_501 = arith.index_cast %parallel_loop3A_488 : i32 to index
        %parallel_loop3A_502 = arith.index_cast %parallel_loop3A_500 : i32 to index
        %parallel_loop3A_503 = tpu.vector_load %arg10[%parallel_loop3A_501, %parallel_loop3A_502] {strides = array<i32>} : memref<16x1024xf32, #tpu.memory_space<vmem>>, vector<1x16xf32>,
        %parallel_loop3A_504 = vector.shape_cast %parallel_loop3A_503 : vector<1x16xf32> to vector<16xf32>
        %parallel_loop3A_505 = vector.shape_cast %parallel_loop3A_498 : vector<16xf32> to vector<1x16xf32>
        tpu.vector_store %arg10[%parallel_loop3A_501, %parallel_loop3A_502], %parallel_loop3A_505 {add = true, strides = array<i32>} : memref<16x1024xf32, #tpu.memory_space<vmem>>, vector<1x16xf32>,
      } {sc.loop_unroll_factor = 16 : i64, sc.parallel_access}
    } {sc.loop_unroll_factor = 1 : i64, sc.parallel_access}
    %add3A_204 = arith.constant 2560 : i32
    %add3A_205 = arith.addi %add3A_204, %multiple_of3A : i32
    %dma_start3A_206 = arith.constant 0 : i32
    %dma_start3A_207 = tpu.memref_slice %arg5[%add3A_205, %dma_start3A_206] : memref<8192x1024xf32, #tpu.memory_space<hbm>> -> memref<16x1024xf32, #tpu.memory_space<hbm>>
    %dma_start3A_208 = arith.constant 0 : i32
    %dma_start3A_209 = tpu.memref_slice %arg5[%add3A_205, %dma_start3A_208] : memref<8192x1024xf32, #tpu.memory_space<hbm>> -> memref<16x1024xf32, #tpu.memory_space<hbm>>
    tpu.enqueue_dma source(%arg10 : memref<16x1024xf32, #tpu.memory_space<vmem>>) target(%dma_start3A_209 : memref<16x1024xf32, #tpu.memory_space<hbm>>) target_semaphore(%arg21 : memref<!tpu.dma_semaphore, #tpu.memory_space<semaphore_mem>>)
    %dma_wait3A_210 = arith.constant 0 : i32
    %dma_wait3A_211 = tpu.memref_slice %arg5[%add3A_178, %dma_wait3A_210] : memref<8192x1024xf32, #tpu.memory_space<hbm>> -> memref<16x1024xf32, #tpu.memory_space<hbm>>
    %dma_wait3A_212 = arith.constant 0 : i32
    %dma_wait3A_213 = tpu.memref_slice %arg5[%add3A_178, %dma_wait3A_212] : memref<8192x1024xf32, #tpu.memory_space<hbm>> -> memref<16x1024xf32, #tpu.memory_space<hbm>>
    tpu.wait_dma2 semaphore(%arg20 : memref<!tpu.dma_semaphore, #tpu.memory_space<semaphore_mem>>) src(%arg9 : memref<16x1024xf32, #tpu.memory_space<vmem>>) dst(%dma_wait3A_213 : memref<16x1024xf32, #tpu.memory_space<hbm>>)
    %dma_start3A_214 = arith.constant 2 : i32
    %dma_start3A_215 = arith.constant 0 : i32
    %dma_start3A_216 = tpu.memref_slice %arg6[%dma_start3A_214, %dma_start3A_215] : memref<16x16xi32, #tpu.memory_space<vmem>> -> memref<1x16xi32, #tpu.memory_space<vmem>>
    %dma_start3A_217 = tpu.memref_squeeze %dma_start3A_216 : memref<1x16xi32, #tpu.memory_space<vmem>> -> memref<16xi32, #tpu.memory_space<vmem>>
    %dma_start3A_218 = arith.constant 0 : i32
    %dma_start3A_219 = arith.constant 0 : i32
    %dma_start3A_220 = tpu.memref_slice %arg3[%dma_start3A_218, %dma_start3A_219] : memref<100000x1024xf32, #tpu.memory_space<hbm>> -> memref<100000x1024xf32, #tpu.memory_space<hbm>>
    tpu.enqueue_indirect_dma source(%dma_start3A_220 : memref<100000x1024xf32, #tpu.memory_space<hbm>>) target(%arg9 : memref<16x1024xf32, #tpu.memory_space<vmem>>) offsets(%dma_start3A_217 : memref<16xi32, #tpu.memory_space<vmem>>) semaphore(%arg16 : memref<!tpu.dma_semaphore, #tpu.memory_space<semaphore_mem>>)
    %dma_wait3A_221 = arith.constant 9 : i32
    %dma_wait3A_222 = arith.constant 0 : i32
    %dma_wait3A_223 = tpu.memref_slice %arg6[%dma_wait3A_221, %dma_wait3A_222] : memref<16x16xi32, #tpu.memory_space<vmem>> -> memref<1x16xi32, #tpu.memory_space<vmem>>
    %dma_wait3A_224 = tpu.memref_squeeze %dma_wait3A_223 : memref<1x16xi32, #tpu.memory_space<vmem>> -> memref<16xi32, #tpu.memory_space<vmem>>
    %dma_wait3A_225 = arith.constant 0 : i32
    %dma_wait3A_226 = arith.constant 0 : i32
    %dma_wait3A_227 = tpu.memref_slice %arg3[%dma_wait3A_225, %dma_wait3A_226] : memref<100000x1024xf32, #tpu.memory_space<hbm>> -> memref<100000x1024xf32, #tpu.memory_space<hbm>>
    tpu.wait_indirect_dma semaphore(%arg18 : memref<!tpu.dma_semaphore, #tpu.memory_space<semaphore_mem>>) src(%dma_wait3A_227 : memref<100000x1024xf32, #tpu.memory_space<hbm>>) dst(%arg11 : memref<16x1024xf32, #tpu.memory_space<vmem>>)
    %parallel_loop3A_228 = arith.constant 0 : i32
    %parallel_loop3A_229 = arith.constant 16 : i32
    %parallel_loop3A_230 = arith.constant 1 : i32
    scf.for %parallel_loop3A_488 = %parallel_loop3A_228 to %parallel_loop3A_229 step %parallel_loop3A_230  : i32 {
      %parallel_loop3A_489 = arith.constant 0 : i32
      %parallel_loop3A_490 = arith.constant 64 : i32
      %parallel_loop3A_491 = arith.constant 1 : i32
      scf.for %parallel_loop3A_492 = %parallel_loop3A_489 to %parallel_loop3A_490 step %parallel_loop3A_491  : i32 {
        %parallel_loop3A_493 = arith.constant 16 : i32
        %parallel_loop3A_494 = arith.muli %parallel_loop3A_492, %parallel_loop3A_493 : i32
        %parallel_loop3A_495 = arith.index_cast %parallel_loop3A_488 : i32 to index
        %parallel_loop3A_496 = arith.index_cast %parallel_loop3A_494 : i32 to index
        %parallel_loop3A_497 = tpu.vector_load %arg8[%parallel_loop3A_495, %parallel_loop3A_496] {strides = array<i32>} : memref<16x1024xf32, #tpu.memory_space<vmem>>, vector<1x16xf32>,
        %parallel_loop3A_498 = vector.shape_cast %parallel_loop3A_497 : vector<1x16xf32> to vector<16xf32>
        %parallel_loop3A_499 = arith.constant 16 : i32
        %parallel_loop3A_500 = arith.muli %parallel_loop3A_492, %parallel_loop3A_499 : i32
        %parallel_loop3A_501 = arith.index_cast %parallel_loop3A_488 : i32 to index
        %parallel_loop3A_502 = arith.index_cast %parallel_loop3A_500 : i32 to index
        %parallel_loop3A_503 = tpu.vector_load %arg11[%parallel_loop3A_501, %parallel_loop3A_502] {strides = array<i32>} : memref<16x1024xf32, #tpu.memory_space<vmem>>, vector<1x16xf32>,
        %parallel_loop3A_504 = vector.shape_cast %parallel_loop3A_503 : vector<1x16xf32> to vector<16xf32>
        %parallel_loop3A_505 = vector.shape_cast %parallel_loop3A_498 : vector<16xf32> to vector<1x16xf32>
        tpu.vector_store %arg11[%parallel_loop3A_501, %parallel_loop3A_502], %parallel_loop3A_505 {add = true, strides = array<i32>} : memref<16x1024xf32, #tpu.memory_space<vmem>>, vector<1x16xf32>,
      } {sc.loop_unroll_factor = 16 : i64, sc.parallel_access}
    } {sc.loop_unroll_factor = 1 : i64, sc.parallel_access}
    %add3A_231 = arith.constant 4608 : i32
    %add3A_232 = arith.addi %add3A_231, %multiple_of3A : i32
    %dma_start3A_233 = arith.constant 0 : i32
    %dma_start3A_234 = tpu.memref_slice %arg5[%add3A_232, %dma_start3A_233] : memref<8192x1024xf32, #tpu.memory_space<hbm>> -> memref<16x1024xf32, #tpu.memory_space<hbm>>
    %dma_start3A_235 = arith.constant 0 : i32
    %dma_start3A_236 = tpu.memref_slice %arg5[%add3A_232, %dma_start3A_235] : memref<8192x1024xf32, #tpu.memory_space<hbm>> -> memref<16x1024xf32, #tpu.memory_space<hbm>>
    tpu.enqueue_dma source(%arg11 : memref<16x1024xf32, #tpu.memory_space<vmem>>) target(%dma_start3A_236 : memref<16x1024xf32, #tpu.memory_space<hbm>>) target_semaphore(%arg22 : memref<!tpu.dma_semaphore, #tpu.memory_space<semaphore_mem>>)
    %dma_wait3A_237 = arith.constant 0 : i32
    %dma_wait3A_238 = tpu.memref_slice %arg5[%add3A_205, %dma_wait3A_237] : memref<8192x1024xf32, #tpu.memory_space<hbm>> -> memref<16x1024xf32, #tpu.memory_space<hbm>>
    %dma_wait3A_239 = arith.constant 0 : i32
    %dma_wait3A_240 = tpu.memref_slice %arg5[%add3A_205, %dma_wait3A_239] : memref<8192x1024xf32, #tpu.memory_space<hbm>> -> memref<16x1024xf32, #tpu.memory_space<hbm>>
    tpu.wait_dma2 semaphore(%arg21 : memref<!tpu.dma_semaphore, #tpu.memory_space<semaphore_mem>>) src(%arg10 : memref<16x1024xf32, #tpu.memory_space<vmem>>) dst(%dma_wait3A_240 : memref<16x1024xf32, #tpu.memory_space<hbm>>)
    %dma_start3A_241 = arith.constant 6 : i32
    %dma_start3A_242 = arith.constant 0 : i32
    %dma_start3A_243 = tpu.memref_slice %arg6[%dma_start3A_241, %dma_start3A_242] : memref<16x16xi32, #tpu.memory_space<vmem>> -> memref<1x16xi32, #tpu.memory_space<vmem>>
    %dma_start3A_244 = tpu.memref_squeeze %dma_start3A_243 : memref<1x16xi32, #tpu.memory_space<vmem>> -> memref<16xi32, #tpu.memory_space<vmem>>
    %dma_start3A_245 = arith.constant 0 : i32
    %dma_start3A_246 = arith.constant 0 : i32
    %dma_start3A_247 = tpu.memref_slice %arg3[%dma_start3A_245, %dma_start3A_246] : memref<100000x1024xf32, #tpu.memory_space<hbm>> -> memref<100000x1024xf32, #tpu.memory_space<hbm>>
    tpu.enqueue_indirect_dma source(%dma_start3A_247 : memref<100000x1024xf32, #tpu.memory_space<hbm>>) target(%arg10 : memref<16x1024xf32, #tpu.memory_space<vmem>>) offsets(%dma_start3A_244 : memref<16xi32, #tpu.memory_space<vmem>>) semaphore(%arg17 : memref<!tpu.dma_semaphore, #tpu.memory_space<semaphore_mem>>)
    %dma_wait3A_248 = arith.constant 13 : i32
    %dma_wait3A_249 = arith.constant 0 : i32
    %dma_wait3A_250 = tpu.memref_slice %arg6[%dma_wait3A_248, %dma_wait3A_249] : memref<16x16xi32, #tpu.memory_space<vmem>> -> memref<1x16xi32, #tpu.memory_space<vmem>>
    %dma_wait3A_251 = tpu.memref_squeeze %dma_wait3A_250 : memref<1x16xi32, #tpu.memory_space<vmem>> -> memref<16xi32, #tpu.memory_space<vmem>>
    %dma_wait3A_252 = arith.constant 0 : i32
    %dma_wait3A_253 = arith.constant 0 : i32
    %dma_wait3A_254 = tpu.memref_slice %arg3[%dma_wait3A_252, %dma_wait3A_253] : memref<100000x1024xf32, #tpu.memory_space<hbm>> -> memref<100000x1024xf32, #tpu.memory_space<hbm>>
    tpu.wait_indirect_dma semaphore(%arg19 : memref<!tpu.dma_semaphore, #tpu.memory_space<semaphore_mem>>) src(%dma_wait3A_254 : memref<100000x1024xf32, #tpu.memory_space<hbm>>) dst(%arg12 : memref<16x1024xf32, #tpu.memory_space<vmem>>)
    %parallel_loop3A_255 = arith.constant 0 : i32
    %parallel_loop3A_256 = arith.constant 16 : i32
    %parallel_loop3A_257 = arith.constant 1 : i32
    scf.for %parallel_loop3A_488 = %parallel_loop3A_255 to %parallel_loop3A_256 step %parallel_loop3A_257  : i32 {
      %parallel_loop3A_489 = arith.constant 0 : i32
      %parallel_loop3A_490 = arith.constant 64 : i32
      %parallel_loop3A_491 = arith.constant 1 : i32
      scf.for %parallel_loop3A_492 = %parallel_loop3A_489 to %parallel_loop3A_490 step %parallel_loop3A_491  : i32 {
        %parallel_loop3A_493 = arith.constant 16 : i32
        %parallel_loop3A_494 = arith.muli %parallel_loop3A_492, %parallel_loop3A_493 : i32
        %parallel_loop3A_495 = arith.index_cast %parallel_loop3A_488 : i32 to index
        %parallel_loop3A_496 = arith.index_cast %parallel_loop3A_494 : i32 to index
        %parallel_loop3A_497 = tpu.vector_load %arg8[%parallel_loop3A_495, %parallel_loop3A_496] {strides = array<i32>} : memref<16x1024xf32, #tpu.memory_space<vmem>>, vector<1x16xf32>,
        %parallel_loop3A_498 = vector.shape_cast %parallel_loop3A_497 : vector<1x16xf32> to vector<16xf32>
        %parallel_loop3A_499 = arith.constant 16 : i32
        %parallel_loop3A_500 = arith.muli %parallel_loop3A_492, %parallel_loop3A_499 : i32
        %parallel_loop3A_501 = arith.index_cast %parallel_loop3A_488 : i32 to index
        %parallel_loop3A_502 = arith.index_cast %parallel_loop3A_500 : i32 to index
        %parallel_loop3A_503 = tpu.vector_load %arg12[%parallel_loop3A_501, %parallel_loop3A_502] {strides = array<i32>} : memref<16x1024xf32, #tpu.memory_space<vmem>>, vector<1x16xf32>,
        %parallel_loop3A_504 = vector.shape_cast %parallel_loop3A_503 : vector<1x16xf32> to vector<16xf32>
        %parallel_loop3A_505 = vector.shape_cast %parallel_loop3A_498 : vector<16xf32> to vector<1x16xf32>
        tpu.vector_store %arg12[%parallel_loop3A_501, %parallel_loop3A_502], %parallel_loop3A_505 {add = true, strides = array<i32>} : memref<16x1024xf32, #tpu.memory_space<vmem>>, vector<1x16xf32>,
      } {sc.loop_unroll_factor = 16 : i64, sc.parallel_access}
    } {sc.loop_unroll_factor = 1 : i64, sc.parallel_access}
    %add3A_258 = arith.constant 6656 : i32
    %add3A_259 = arith.addi %add3A_258, %multiple_of3A : i32
    %dma_start3A_260 = arith.constant 0 : i32
    %dma_start3A_261 = tpu.memref_slice %arg5[%add3A_259, %dma_start3A_260] : memref<8192x1024xf32, #tpu.memory_space<hbm>> -> memref<16x1024xf32, #tpu.memory_space<hbm>>
    %dma_start3A_262 = arith.constant 0 : i32
    %dma_start3A_263 = tpu.memref_slice %arg5[%add3A_259, %dma_start3A_262] : memref<8192x1024xf32, #tpu.memory_space<hbm>> -> memref<16x1024xf32, #tpu.memory_space<hbm>>
    tpu.enqueue_dma source(%arg12 : memref<16x1024xf32, #tpu.memory_space<vmem>>) target(%dma_start3A_263 : memref<16x1024xf32, #tpu.memory_space<hbm>>) target_semaphore(%arg23 : memref<!tpu.dma_semaphore, #tpu.memory_space<semaphore_mem>>)
    %dma_wait3A_264 = arith.constant 0 : i32
    %dma_wait3A_265 = tpu.memref_slice %arg5[%add3A_232, %dma_wait3A_264] : memref<8192x1024xf32, #tpu.memory_space<hbm>> -> memref<16x1024xf32, #tpu.memory_space<hbm>>
    %dma_wait3A_266 = arith.constant 0 : i32
    %dma_wait3A_267 = tpu.memref_slice %arg5[%add3A_232, %dma_wait3A_266] : memref<8192x1024xf32, #tpu.memory_space<hbm>> -> memref<16x1024xf32, #tpu.memory_space<hbm>>
    tpu.wait_dma2 semaphore(%arg22 : memref<!tpu.dma_semaphore, #tpu.memory_space<semaphore_mem>>) src(%arg11 : memref<16x1024xf32, #tpu.memory_space<vmem>>) dst(%dma_wait3A_267 : memref<16x1024xf32, #tpu.memory_space<hbm>>)
    %dma_start3A_268 = arith.constant 10 : i32
    %dma_start3A_269 = arith.constant 0 : i32
    %dma_start3A_270 = tpu.memref_slice %arg6[%dma_start3A_268, %dma_start3A_269] : memref<16x16xi32, #tpu.memory_space<vmem>> -> memref<1x16xi32, #tpu.memory_space<vmem>>
    %dma_start3A_271 = tpu.memref_squeeze %dma_start3A_270 : memref<1x16xi32, #tpu.memory_space<vmem>> -> memref<16xi32, #tpu.memory_space<vmem>>
    %dma_start3A_272 = arith.constant 0 : i32
    %dma_start3A_273 = arith.constant 0 : i32
    %dma_start3A_274 = tpu.memref_slice %arg3[%dma_start3A_272, %dma_start3A_273] : memref<100000x1024xf32, #tpu.memory_space<hbm>> -> memref<100000x1024xf32, #tpu.memory_space<hbm>>
    tpu.enqueue_indirect_dma source(%dma_start3A_274 : memref<100000x1024xf32, #tpu.memory_space<hbm>>) target(%arg11 : memref<16x1024xf32, #tpu.memory_space<vmem>>) offsets(%dma_start3A_271 : memref<16xi32, #tpu.memory_space<vmem>>) semaphore(%arg18 : memref<!tpu.dma_semaphore, #tpu.memory_space<semaphore_mem>>)
    %dma_wait3A_275 = arith.constant 0 : i32
    %dma_wait3A_276 = tpu.memref_slice %arg4[%add3A_162, %dma_wait3A_275] : memref<2048x1024xf32, #tpu.memory_space<hbm>> -> memref<16x1024xf32, #tpu.memory_space<hbm>>
    %dma_wait3A_277 = arith.constant 0 : i32
    %dma_wait3A_278 = tpu.memref_slice %arg4[%add3A_162, %dma_wait3A_277] : memref<2048x1024xf32, #tpu.memory_space<hbm>> -> memref<16x1024xf32, #tpu.memory_space<hbm>>
    tpu.wait_dma2 semaphore(%arg14 : memref<!tpu.dma_semaphore, #tpu.memory_space<semaphore_mem>>) src(%dma_wait3A_278 : memref<16x1024xf32, #tpu.memory_space<hbm>>) dst(%arg7 : memref<16x1024xf32, #tpu.memory_space<vmem>>)
    %add3A_279 = arith.constant 1536 : i32
    %add3A_280 = arith.addi %add3A_279, %multiple_of3A : i32
    %dma_start3A_281 = arith.constant 0 : i32
    %dma_start3A_282 = tpu.memref_slice %arg4[%add3A_280, %dma_start3A_281] : memref<2048x1024xf32, #tpu.memory_space<hbm>> -> memref<16x1024xf32, #tpu.memory_space<hbm>>
    %dma_start3A_283 = arith.constant 0 : i32
    %dma_start3A_284 = tpu.memref_slice %arg4[%add3A_280, %dma_start3A_283] : memref<2048x1024xf32, #tpu.memory_space<hbm>> -> memref<16x1024xf32, #tpu.memory_space<hbm>>
    tpu.enqueue_dma source(%dma_start3A_284 : memref<16x1024xf32, #tpu.memory_space<hbm>>) target(%arg8 : memref<16x1024xf32, #tpu.memory_space<vmem>>) target_semaphore(%arg15 : memref<!tpu.dma_semaphore, #tpu.memory_space<semaphore_mem>>)
    %dma_wait3A_285 = arith.constant 2 : i32
    %dma_wait3A_286 = arith.constant 0 : i32
    %dma_wait3A_287 = tpu.memref_slice %arg6[%dma_wait3A_285, %dma_wait3A_286] : memref<16x16xi32, #tpu.memory_space<vmem>> -> memref<1x16xi32, #tpu.memory_space<vmem>>
    %dma_wait3A_288 = tpu.memref_squeeze %dma_wait3A_287 : memref<1x16xi32, #tpu.memory_space<vmem>> -> memref<16xi32, #tpu.memory_space<vmem>>
    %dma_wait3A_289 = arith.constant 0 : i32
    %dma_wait3A_290 = arith.constant 0 : i32
    %dma_wait3A_291 = tpu.memref_slice %arg3[%dma_wait3A_289, %dma_wait3A_290] : memref<100000x1024xf32, #tpu.memory_space<hbm>> -> memref<100000x1024xf32, #tpu.memory_space<hbm>>
    tpu.wait_indirect_dma semaphore(%arg16 : memref<!tpu.dma_semaphore, #tpu.memory_space<semaphore_mem>>) src(%dma_wait3A_291 : memref<100000x1024xf32, #tpu.memory_space<hbm>>) dst(%arg9 : memref<16x1024xf32, #tpu.memory_space<vmem>>)
    %parallel_loop3A_292 = arith.constant 0 : i32
    %parallel_loop3A_293 = arith.constant 16 : i32
    %parallel_loop3A_294 = arith.constant 1 : i32
    scf.for %parallel_loop3A_488 = %parallel_loop3A_292 to %parallel_loop3A_293 step %parallel_loop3A_294  : i32 {
      %parallel_loop3A_489 = arith.constant 0 : i32
      %parallel_loop3A_490 = arith.constant 64 : i32
      %parallel_loop3A_491 = arith.constant 1 : i32
      scf.for %parallel_loop3A_492 = %parallel_loop3A_489 to %parallel_loop3A_490 step %parallel_loop3A_491  : i32 {
        %parallel_loop3A_493 = arith.constant 16 : i32
        %parallel_loop3A_494 = arith.muli %parallel_loop3A_492, %parallel_loop3A_493 : i32
        %parallel_loop3A_495 = arith.index_cast %parallel_loop3A_488 : i32 to index
        %parallel_loop3A_496 = arith.index_cast %parallel_loop3A_494 : i32 to index
        %parallel_loop3A_497 = tpu.vector_load %arg7[%parallel_loop3A_495, %parallel_loop3A_496] {strides = array<i32>} : memref<16x1024xf32, #tpu.memory_space<vmem>>, vector<1x16xf32>,
        %parallel_loop3A_498 = vector.shape_cast %parallel_loop3A_497 : vector<1x16xf32> to vector<16xf32>
        %parallel_loop3A_499 = arith.constant 16 : i32
        %parallel_loop3A_500 = arith.muli %parallel_loop3A_492, %parallel_loop3A_499 : i32
        %parallel_loop3A_501 = arith.index_cast %parallel_loop3A_488 : i32 to index
        %parallel_loop3A_502 = arith.index_cast %parallel_loop3A_500 : i32 to index
        %parallel_loop3A_503 = tpu.vector_load %arg9[%parallel_loop3A_501, %parallel_loop3A_502] {strides = array<i32>} : memref<16x1024xf32, #tpu.memory_space<vmem>>, vector<1x16xf32>,
        %parallel_loop3A_504 = vector.shape_cast %parallel_loop3A_503 : vector<1x16xf32> to vector<16xf32>
        %parallel_loop3A_505 = vector.shape_cast %parallel_loop3A_498 : vector<16xf32> to vector<1x16xf32>
        tpu.vector_store %arg9[%parallel_loop3A_501, %parallel_loop3A_502], %parallel_loop3A_505 {add = true, strides = array<i32>} : memref<16x1024xf32, #tpu.memory_space<vmem>>, vector<1x16xf32>,
      } {sc.loop_unroll_factor = 16 : i64, sc.parallel_access}
    } {sc.loop_unroll_factor = 1 : i64, sc.parallel_access}
    %add3A_295 = arith.constant 1024 : i32
    %add3A_296 = arith.addi %add3A_295, %multiple_of3A : i32
    %dma_start3A_297 = arith.constant 0 : i32
    %dma_start3A_298 = tpu.memref_slice %arg5[%add3A_296, %dma_start3A_297] : memref<8192x1024xf32, #tpu.memory_space<hbm>> -> memref<16x1024xf32, #tpu.memory_space<hbm>>
    %dma_start3A_299 = arith.constant 0 : i32
    %dma_start3A_300 = tpu.memref_slice %arg5[%add3A_296, %dma_start3A_299] : memref<8192x1024xf32, #tpu.memory_space<hbm>> -> memref<16x1024xf32, #tpu.memory_space<hbm>>
    tpu.enqueue_dma source(%arg9 : memref<16x1024xf32, #tpu.memory_space<vmem>>) target(%dma_start3A_300 : memref<16x1024xf32, #tpu.memory_space<hbm>>) target_semaphore(%arg20 : memref<!tpu.dma_semaphore, #tpu.memory_space<semaphore_mem>>)
    %dma_wait3A_301 = arith.constant 0 : i32
    %dma_wait3A_302 = tpu.memref_slice %arg5[%add3A_259, %dma_wait3A_301] : memref<8192x1024xf32, #tpu.memory_space<hbm>> -> memref<16x1024xf32, #tpu.memory_space<hbm>>
    %dma_wait3A_303 = arith.constant 0 : i32
    %dma_wait3A_304 = tpu.memref_slice %arg5[%add3A_259, %dma_wait3A_303] : memref<8192x1024xf32, #tpu.memory_space<hbm>> -> memref<16x1024xf32, #tpu.memory_space<hbm>>
    tpu.wait_dma2 semaphore(%arg23 : memref<!tpu.dma_semaphore, #tpu.memory_space<semaphore_mem>>) src(%arg12 : memref<16x1024xf32, #tpu.memory_space<vmem>>) dst(%dma_wait3A_304 : memref<16x1024xf32, #tpu.memory_space<hbm>>)
    %dma_start3A_305 = arith.constant 14 : i32
    %dma_start3A_306 = arith.constant 0 : i32
    %dma_start3A_307 = tpu.memref_slice %arg6[%dma_start3A_305, %dma_start3A_306] : memref<16x16xi32, #tpu.memory_space<vmem>> -> memref<1x16xi32, #tpu.memory_space<vmem>>
    %dma_start3A_308 = tpu.memref_squeeze %dma_start3A_307 : memref<1x16xi32, #tpu.memory_space<vmem>> -> memref<16xi32, #tpu.memory_space<vmem>>
    %dma_start3A_309 = arith.constant 0 : i32
    %dma_start3A_310 = arith.constant 0 : i32
    %dma_start3A_311 = tpu.memref_slice %arg3[%dma_start3A_309, %dma_start3A_310] : memref<100000x1024xf32, #tpu.memory_space<hbm>> -> memref<100000x1024xf32, #tpu.memory_space<hbm>>
    tpu.enqueue_indirect_dma source(%dma_start3A_311 : memref<100000x1024xf32, #tpu.memory_space<hbm>>) target(%arg12 : memref<16x1024xf32, #tpu.memory_space<vmem>>) offsets(%dma_start3A_308 : memref<16xi32, #tpu.memory_space<vmem>>) semaphore(%arg19 : memref<!tpu.dma_semaphore, #tpu.memory_space<semaphore_mem>>)
    %dma_wait3A_312 = arith.constant 6 : i32
    %dma_wait3A_313 = arith.constant 0 : i32
    %dma_wait3A_314 = tpu.memref_slice %arg6[%dma_wait3A_312, %dma_wait3A_313] : memref<16x16xi32, #tpu.memory_space<vmem>> -> memref<1x16xi32, #tpu.memory_space<vmem>>
    %dma_wait3A_315 = tpu.memref_squeeze %dma_wait3A_314 : memref<1x16xi32, #tpu.memory_space<vmem>> -> memref<16xi32, #tpu.memory_space<vmem>>
    %dma_wait3A_316 = arith.constant 0 : i32
    %dma_wait3A_317 = arith.constant 0 : i32
    %dma_wait3A_318 = tpu.memref_slice %arg3[%dma_wait3A_316, %dma_wait3A_317] : memref<100000x1024xf32, #tpu.memory_space<hbm>> -> memref<100000x1024xf32, #tpu.memory_space<hbm>>
    tpu.wait_indirect_dma semaphore(%arg17 : memref<!tpu.dma_semaphore, #tpu.memory_space<semaphore_mem>>) src(%dma_wait3A_318 : memref<100000x1024xf32, #tpu.memory_space<hbm>>) dst(%arg10 : memref<16x1024xf32, #tpu.memory_space<vmem>>)
    %parallel_loop3A_319 = arith.constant 0 : i32
    %parallel_loop3A_320 = arith.constant 16 : i32
    %parallel_loop3A_321 = arith.constant 1 : i32
    scf.for %parallel_loop3A_488 = %parallel_loop3A_319 to %parallel_loop3A_320 step %parallel_loop3A_321  : i32 {
      %parallel_loop3A_489 = arith.constant 0 : i32
      %parallel_loop3A_490 = arith.constant 64 : i32
      %parallel_loop3A_491 = arith.constant 1 : i32
      scf.for %parallel_loop3A_492 = %parallel_loop3A_489 to %parallel_loop3A_490 step %parallel_loop3A_491  : i32 {
        %parallel_loop3A_493 = arith.constant 16 : i32
        %parallel_loop3A_494 = arith.muli %parallel_loop3A_492, %parallel_loop3A_493 : i32
        %parallel_loop3A_495 = arith.index_cast %parallel_loop3A_488 : i32 to index
        %parallel_loop3A_496 = arith.index_cast %parallel_loop3A_494 : i32 to index
        %parallel_loop3A_497 = tpu.vector_load %arg7[%parallel_loop3A_495, %parallel_loop3A_496] {strides = array<i32>} : memref<16x1024xf32, #tpu.memory_space<vmem>>, vector<1x16xf32>,
        %parallel_loop3A_498 = vector.shape_cast %parallel_loop3A_497 : vector<1x16xf32> to vector<16xf32>
        %parallel_loop3A_499 = arith.constant 16 : i32
        %parallel_loop3A_500 = arith.muli %parallel_loop3A_492, %parallel_loop3A_499 : i32
        %parallel_loop3A_501 = arith.index_cast %parallel_loop3A_488 : i32 to index
        %parallel_loop3A_502 = arith.index_cast %parallel_loop3A_500 : i32 to index
        %parallel_loop3A_503 = tpu.vector_load %arg10[%parallel_loop3A_501, %parallel_loop3A_502] {strides = array<i32>} : memref<16x1024xf32, #tpu.memory_space<vmem>>, vector<1x16xf32>,
        %parallel_loop3A_504 = vector.shape_cast %parallel_loop3A_503 : vector<1x16xf32> to vector<16xf32>
        %parallel_loop3A_505 = vector.shape_cast %parallel_loop3A_498 : vector<16xf32> to vector<1x16xf32>
        tpu.vector_store %arg10[%parallel_loop3A_501, %parallel_loop3A_502], %parallel_loop3A_505 {add = true, strides = array<i32>} : memref<16x1024xf32, #tpu.memory_space<vmem>>, vector<1x16xf32>,
      } {sc.loop_unroll_factor = 16 : i64, sc.parallel_access}
    } {sc.loop_unroll_factor = 1 : i64, sc.parallel_access}
    %add3A_322 = arith.constant 3072 : i32
    %add3A_323 = arith.addi %add3A_322, %multiple_of3A : i32
    %dma_start3A_324 = arith.constant 0 : i32
    %dma_start3A_325 = tpu.memref_slice %arg5[%add3A_323, %dma_start3A_324] : memref<8192x1024xf32, #tpu.memory_space<hbm>> -> memref<16x1024xf32, #tpu.memory_space<hbm>>
    %dma_start3A_326 = arith.constant 0 : i32
    %dma_start3A_327 = tpu.memref_slice %arg5[%add3A_323, %dma_start3A_326] : memref<8192x1024xf32, #tpu.memory_space<hbm>> -> memref<16x1024xf32, #tpu.memory_space<hbm>>
    tpu.enqueue_dma source(%arg10 : memref<16x1024xf32, #tpu.memory_space<vmem>>) target(%dma_start3A_327 : memref<16x1024xf32, #tpu.memory_space<hbm>>) target_semaphore(%arg21 : memref<!tpu.dma_semaphore, #tpu.memory_space<semaphore_mem>>)
    %dma_wait3A_328 = arith.constant 0 : i32
    %dma_wait3A_329 = tpu.memref_slice %arg5[%add3A_296, %dma_wait3A_328] : memref<8192x1024xf32, #tpu.memory_space<hbm>> -> memref<16x1024xf32, #tpu.memory_space<hbm>>
    %dma_wait3A_330 = arith.constant 0 : i32
    %dma_wait3A_331 = tpu.memref_slice %arg5[%add3A_296, %dma_wait3A_330] : memref<8192x1024xf32, #tpu.memory_space<hbm>> -> memref<16x1024xf32, #tpu.memory_space<hbm>>
    tpu.wait_dma2 semaphore(%arg20 : memref<!tpu.dma_semaphore, #tpu.memory_space<semaphore_mem>>) src(%arg9 : memref<16x1024xf32, #tpu.memory_space<vmem>>) dst(%dma_wait3A_331 : memref<16x1024xf32, #tpu.memory_space<hbm>>)
    %dma_start3A_332 = arith.constant 3 : i32
    %dma_start3A_333 = arith.constant 0 : i32
    %dma_start3A_334 = tpu.memref_slice %arg6[%dma_start3A_332, %dma_start3A_333] : memref<16x16xi32, #tpu.memory_space<vmem>> -> memref<1x16xi32, #tpu.memory_space<vmem>>
    %dma_start3A_335 = tpu.memref_squeeze %dma_start3A_334 : memref<1x16xi32, #tpu.memory_space<vmem>> -> memref<16xi32, #tpu.memory_space<vmem>>
    %dma_start3A_336 = arith.constant 0 : i32
    %dma_start3A_337 = arith.constant 0 : i32
    %dma_start3A_338 = tpu.memref_slice %arg3[%dma_start3A_336, %dma_start3A_337] : memref<100000x1024xf32, #tpu.memory_space<hbm>> -> memref<100000x1024xf32, #tpu.memory_space<hbm>>
    tpu.enqueue_indirect_dma source(%dma_start3A_338 : memref<100000x1024xf32, #tpu.memory_space<hbm>>) target(%arg9 : memref<16x1024xf32, #tpu.memory_space<vmem>>) offsets(%dma_start3A_335 : memref<16xi32, #tpu.memory_space<vmem>>) semaphore(%arg16 : memref<!tpu.dma_semaphore, #tpu.memory_space<semaphore_mem>>)
    %dma_wait3A_339 = arith.constant 10 : i32
    %dma_wait3A_340 = arith.constant 0 : i32
    %dma_wait3A_341 = tpu.memref_slice %arg6[%dma_wait3A_339, %dma_wait3A_340] : memref<16x16xi32, #tpu.memory_space<vmem>> -> memref<1x16xi32, #tpu.memory_space<vmem>>
    %dma_wait3A_342 = tpu.memref_squeeze %dma_wait3A_341 : memref<1x16xi32, #tpu.memory_space<vmem>> -> memref<16xi32, #tpu.memory_space<vmem>>
    %dma_wait3A_343 = arith.constant 0 : i32
    %dma_wait3A_344 = arith.constant 0 : i32
    %dma_wait3A_345 = tpu.memref_slice %arg3[%dma_wait3A_343, %dma_wait3A_344] : memref<100000x1024xf32, #tpu.memory_space<hbm>> -> memref<100000x1024xf32, #tpu.memory_space<hbm>>
    tpu.wait_indirect_dma semaphore(%arg18 : memref<!tpu.dma_semaphore, #tpu.memory_space<semaphore_mem>>) src(%dma_wait3A_345 : memref<100000x1024xf32, #tpu.memory_space<hbm>>) dst(%arg11 : memref<16x1024xf32, #tpu.memory_space<vmem>>)
    %parallel_loop3A_346 = arith.constant 0 : i32
    %parallel_loop3A_347 = arith.constant 16 : i32
    %parallel_loop3A_348 = arith.constant 1 : i32
    scf.for %parallel_loop3A_488 = %parallel_loop3A_346 to %parallel_loop3A_347 step %parallel_loop3A_348  : i32 {
      %parallel_loop3A_489 = arith.constant 0 : i32
      %parallel_loop3A_490 = arith.constant 64 : i32
      %parallel_loop3A_491 = arith.constant 1 : i32
      scf.for %parallel_loop3A_492 = %parallel_loop3A_489 to %parallel_loop3A_490 step %parallel_loop3A_491  : i32 {
        %parallel_loop3A_493 = arith.constant 16 : i32
        %parallel_loop3A_494 = arith.muli %parallel_loop3A_492, %parallel_loop3A_493 : i32
        %parallel_loop3A_495 = arith.index_cast %parallel_loop3A_488 : i32 to index
        %parallel_loop3A_496 = arith.index_cast %parallel_loop3A_494 : i32 to index
        %parallel_loop3A_497 = tpu.vector_load %arg7[%parallel_loop3A_495, %parallel_loop3A_496] {strides = array<i32>} : memref<16x1024xf32, #tpu.memory_space<vmem>>, vector<1x16xf32>,
        %parallel_loop3A_498 = vector.shape_cast %parallel_loop3A_497 : vector<1x16xf32> to vector<16xf32>
        %parallel_loop3A_499 = arith.constant 16 : i32
        %parallel_loop3A_500 = arith.muli %parallel_loop3A_492, %parallel_loop3A_499 : i32
        %parallel_loop3A_501 = arith.index_cast %parallel_loop3A_488 : i32 to index
        %parallel_loop3A_502 = arith.index_cast %parallel_loop3A_500 : i32 to index
        %parallel_loop3A_503 = tpu.vector_load %arg11[%parallel_loop3A_501, %parallel_loop3A_502] {strides = array<i32>} : memref<16x1024xf32, #tpu.memory_space<vmem>>, vector<1x16xf32>,
        %parallel_loop3A_504 = vector.shape_cast %parallel_loop3A_503 : vector<1x16xf32> to vector<16xf32>
        %parallel_loop3A_505 = vector.shape_cast %parallel_loop3A_498 : vector<16xf32> to vector<1x16xf32>
        tpu.vector_store %arg11[%parallel_loop3A_501, %parallel_loop3A_502], %parallel_loop3A_505 {add = true, strides = array<i32>} : memref<16x1024xf32, #tpu.memory_space<vmem>>, vector<1x16xf32>,
      } {sc.loop_unroll_factor = 16 : i64, sc.parallel_access}
    } {sc.loop_unroll_factor = 1 : i64, sc.parallel_access}
    %add3A_349 = arith.constant 5120 : i32
    %add3A_350 = arith.addi %add3A_349, %multiple_of3A : i32
    %dma_start3A_351 = arith.constant 0 : i32
    %dma_start3A_352 = tpu.memref_slice %arg5[%add3A_350, %dma_start3A_351] : memref<8192x1024xf32, #tpu.memory_space<hbm>> -> memref<16x1024xf32, #tpu.memory_space<hbm>>
    %dma_start3A_353 = arith.constant 0 : i32
    %dma_start3A_354 = tpu.memref_slice %arg5[%add3A_350, %dma_start3A_353] : memref<8192x1024xf32, #tpu.memory_space<hbm>> -> memref<16x1024xf32, #tpu.memory_space<hbm>>
    tpu.enqueue_dma source(%arg11 : memref<16x1024xf32, #tpu.memory_space<vmem>>) target(%dma_start3A_354 : memref<16x1024xf32, #tpu.memory_space<hbm>>) target_semaphore(%arg22 : memref<!tpu.dma_semaphore, #tpu.memory_space<semaphore_mem>>)
    %dma_wait3A_355 = arith.constant 0 : i32
    %dma_wait3A_356 = tpu.memref_slice %arg5[%add3A_323, %dma_wait3A_355] : memref<8192x1024xf32, #tpu.memory_space<hbm>> -> memref<16x1024xf32, #tpu.memory_space<hbm>>
    %dma_wait3A_357 = arith.constant 0 : i32
    %dma_wait3A_358 = tpu.memref_slice %arg5[%add3A_323, %dma_wait3A_357] : memref<8192x1024xf32, #tpu.memory_space<hbm>> -> memref<16x1024xf32, #tpu.memory_space<hbm>>
    tpu.wait_dma2 semaphore(%arg21 : memref<!tpu.dma_semaphore, #tpu.memory_space<semaphore_mem>>) src(%arg10 : memref<16x1024xf32, #tpu.memory_space<vmem>>) dst(%dma_wait3A_358 : memref<16x1024xf32, #tpu.memory_space<hbm>>)
    %dma_start3A_359 = arith.constant 7 : i32
    %dma_start3A_360 = arith.constant 0 : i32
    %dma_start3A_361 = tpu.memref_slice %arg6[%dma_start3A_359, %dma_start3A_360] : memref<16x16xi32, #tpu.memory_space<vmem>> -> memref<1x16xi32, #tpu.memory_space<vmem>>
    %dma_start3A_362 = tpu.memref_squeeze %dma_start3A_361 : memref<1x16xi32, #tpu.memory_space<vmem>> -> memref<16xi32, #tpu.memory_space<vmem>>
    %dma_start3A_363 = arith.constant 0 : i32
    %dma_start3A_364 = arith.constant 0 : i32
    %dma_start3A_365 = tpu.memref_slice %arg3[%dma_start3A_363, %dma_start3A_364] : memref<100000x1024xf32, #tpu.memory_space<hbm>> -> memref<100000x1024xf32, #tpu.memory_space<hbm>>
    tpu.enqueue_indirect_dma source(%dma_start3A_365 : memref<100000x1024xf32, #tpu.memory_space<hbm>>) target(%arg10 : memref<16x1024xf32, #tpu.memory_space<vmem>>) offsets(%dma_start3A_362 : memref<16xi32, #tpu.memory_space<vmem>>) semaphore(%arg17 : memref<!tpu.dma_semaphore, #tpu.memory_space<semaphore_mem>>)
    %dma_wait3A_366 = arith.constant 14 : i32
    %dma_wait3A_367 = arith.constant 0 : i32
    %dma_wait3A_368 = tpu.memref_slice %arg6[%dma_wait3A_366, %dma_wait3A_367] : memref<16x16xi32, #tpu.memory_space<vmem>> -> memref<1x16xi32, #tpu.memory_space<vmem>>
    %dma_wait3A_369 = tpu.memref_squeeze %dma_wait3A_368 : memref<1x16xi32, #tpu.memory_space<vmem>> -> memref<16xi32, #tpu.memory_space<vmem>>
    %dma_wait3A_370 = arith.constant 0 : i32
    %dma_wait3A_371 = arith.constant 0 : i32
    %dma_wait3A_372 = tpu.memref_slice %arg3[%dma_wait3A_370, %dma_wait3A_371] : memref<100000x1024xf32, #tpu.memory_space<hbm>> -> memref<100000x1024xf32, #tpu.memory_space<hbm>>
    tpu.wait_indirect_dma semaphore(%arg19 : memref<!tpu.dma_semaphore, #tpu.memory_space<semaphore_mem>>) src(%dma_wait3A_372 : memref<100000x1024xf32, #tpu.memory_space<hbm>>) dst(%arg12 : memref<16x1024xf32, #tpu.memory_space<vmem>>)
    %parallel_loop3A_373 = arith.constant 0 : i32
    %parallel_loop3A_374 = arith.constant 16 : i32
    %parallel_loop3A_375 = arith.constant 1 : i32
    scf.for %parallel_loop3A_488 = %parallel_loop3A_373 to %parallel_loop3A_374 step %parallel_loop3A_375  : i32 {
      %parallel_loop3A_489 = arith.constant 0 : i32
      %parallel_loop3A_490 = arith.constant 64 : i32
      %parallel_loop3A_491 = arith.constant 1 : i32
      scf.for %parallel_loop3A_492 = %parallel_loop3A_489 to %parallel_loop3A_490 step %parallel_loop3A_491  : i32 {
        %parallel_loop3A_493 = arith.constant 16 : i32
        %parallel_loop3A_494 = arith.muli %parallel_loop3A_492, %parallel_loop3A_493 : i32
        %parallel_loop3A_495 = arith.index_cast %parallel_loop3A_488 : i32 to index
        %parallel_loop3A_496 = arith.index_cast %parallel_loop3A_494 : i32 to index
        %parallel_loop3A_497 = tpu.vector_load %arg7[%parallel_loop3A_495, %parallel_loop3A_496] {strides = array<i32>} : memref<16x1024xf32, #tpu.memory_space<vmem>>, vector<1x16xf32>,
        %parallel_loop3A_498 = vector.shape_cast %parallel_loop3A_497 : vector<1x16xf32> to vector<16xf32>
        %parallel_loop3A_499 = arith.constant 16 : i32
        %parallel_loop3A_500 = arith.muli %parallel_loop3A_492, %parallel_loop3A_499 : i32
        %parallel_loop3A_501 = arith.index_cast %parallel_loop3A_488 : i32 to index
        %parallel_loop3A_502 = arith.index_cast %parallel_loop3A_500 : i32 to index
        %parallel_loop3A_503 = tpu.vector_load %arg12[%parallel_loop3A_501, %parallel_loop3A_502] {strides = array<i32>} : memref<16x1024xf32, #tpu.memory_space<vmem>>, vector<1x16xf32>,
        %parallel_loop3A_504 = vector.shape_cast %parallel_loop3A_503 : vector<1x16xf32> to vector<16xf32>
        %parallel_loop3A_505 = vector.shape_cast %parallel_loop3A_498 : vector<16xf32> to vector<1x16xf32>
        tpu.vector_store %arg12[%parallel_loop3A_501, %parallel_loop3A_502], %parallel_loop3A_505 {add = true, strides = array<i32>} : memref<16x1024xf32, #tpu.memory_space<vmem>>, vector<1x16xf32>,
      } {sc.loop_unroll_factor = 16 : i64, sc.parallel_access}
    } {sc.loop_unroll_factor = 1 : i64, sc.parallel_access}
    %add3A_376 = arith.constant 7168 : i32
    %add3A_377 = arith.addi %add3A_376, %multiple_of3A : i32
    %dma_start3A_378 = arith.constant 0 : i32
    %dma_start3A_379 = tpu.memref_slice %arg5[%add3A_377, %dma_start3A_378] : memref<8192x1024xf32, #tpu.memory_space<hbm>> -> memref<16x1024xf32, #tpu.memory_space<hbm>>
    %dma_start3A_380 = arith.constant 0 : i32
    %dma_start3A_381 = tpu.memref_slice %arg5[%add3A_377, %dma_start3A_380] : memref<8192x1024xf32, #tpu.memory_space<hbm>> -> memref<16x1024xf32, #tpu.memory_space<hbm>>
    tpu.enqueue_dma source(%arg12 : memref<16x1024xf32, #tpu.memory_space<vmem>>) target(%dma_start3A_381 : memref<16x1024xf32, #tpu.memory_space<hbm>>) target_semaphore(%arg23 : memref<!tpu.dma_semaphore, #tpu.memory_space<semaphore_mem>>)
    %dma_wait3A_382 = arith.constant 0 : i32
    %dma_wait3A_383 = tpu.memref_slice %arg5[%add3A_350, %dma_wait3A_382] : memref<8192x1024xf32, #tpu.memory_space<hbm>> -> memref<16x1024xf32, #tpu.memory_space<hbm>>
    %dma_wait3A_384 = arith.constant 0 : i32
    %dma_wait3A_385 = tpu.memref_slice %arg5[%add3A_350, %dma_wait3A_384] : memref<8192x1024xf32, #tpu.memory_space<hbm>> -> memref<16x1024xf32, #tpu.memory_space<hbm>>
    tpu.wait_dma2 semaphore(%arg22 : memref<!tpu.dma_semaphore, #tpu.memory_space<semaphore_mem>>) src(%arg11 : memref<16x1024xf32, #tpu.memory_space<vmem>>) dst(%dma_wait3A_385 : memref<16x1024xf32, #tpu.memory_space<hbm>>)
    %dma_start3A_386 = arith.constant 11 : i32
    %dma_start3A_387 = arith.constant 0 : i32
    %dma_start3A_388 = tpu.memref_slice %arg6[%dma_start3A_386, %dma_start3A_387] : memref<16x16xi32, #tpu.memory_space<vmem>> -> memref<1x16xi32, #tpu.memory_space<vmem>>
    %dma_start3A_389 = tpu.memref_squeeze %dma_start3A_388 : memref<1x16xi32, #tpu.memory_space<vmem>> -> memref<16xi32, #tpu.memory_space<vmem>>
    %dma_start3A_390 = arith.constant 0 : i32
    %dma_start3A_391 = arith.constant 0 : i32
    %dma_start3A_392 = tpu.memref_slice %arg3[%dma_start3A_390, %dma_start3A_391] : memref<100000x1024xf32, #tpu.memory_space<hbm>> -> memref<100000x1024xf32, #tpu.memory_space<hbm>>
    tpu.enqueue_indirect_dma source(%dma_start3A_392 : memref<100000x1024xf32, #tpu.memory_space<hbm>>) target(%arg11 : memref<16x1024xf32, #tpu.memory_space<vmem>>) offsets(%dma_start3A_389 : memref<16xi32, #tpu.memory_space<vmem>>) semaphore(%arg18 : memref<!tpu.dma_semaphore, #tpu.memory_space<semaphore_mem>>)
    %dma_wait3A_393 = arith.constant 0 : i32
    %dma_wait3A_394 = tpu.memref_slice %arg4[%add3A_280, %dma_wait3A_393] : memref<2048x1024xf32, #tpu.memory_space<hbm>> -> memref<16x1024xf32, #tpu.memory_space<hbm>>
    %dma_wait3A_395 = arith.constant 0 : i32
    %dma_wait3A_396 = tpu.memref_slice %arg4[%add3A_280, %dma_wait3A_395] : memref<2048x1024xf32, #tpu.memory_space<hbm>> -> memref<16x1024xf32, #tpu.memory_space<hbm>>
    tpu.wait_dma2 semaphore(%arg15 : memref<!tpu.dma_semaphore, #tpu.memory_space<semaphore_mem>>) src(%dma_wait3A_396 : memref<16x1024xf32, #tpu.memory_space<hbm>>) dst(%arg8 : memref<16x1024xf32, #tpu.memory_space<vmem>>)
    %dma_wait3A_397 = arith.constant 3 : i32
    %dma_wait3A_398 = arith.constant 0 : i32
    %dma_wait3A_399 = tpu.memref_slice %arg6[%dma_wait3A_397, %dma_wait3A_398] : memref<16x16xi32, #tpu.memory_space<vmem>> -> memref<1x16xi32, #tpu.memory_space<vmem>>
    %dma_wait3A_400 = tpu.memref_squeeze %dma_wait3A_399 : memref<1x16xi32, #tpu.memory_space<vmem>> -> memref<16xi32, #tpu.memory_space<vmem>>
    %dma_wait3A_401 = arith.constant 0 : i32
    %dma_wait3A_402 = arith.constant 0 : i32
    %dma_wait3A_403 = tpu.memref_slice %arg3[%dma_wait3A_401, %dma_wait3A_402] : memref<100000x1024xf32, #tpu.memory_space<hbm>> -> memref<100000x1024xf32, #tpu.memory_space<hbm>>
    tpu.wait_indirect_dma semaphore(%arg16 : memref<!tpu.dma_semaphore, #tpu.memory_space<semaphore_mem>>) src(%dma_wait3A_403 : memref<100000x1024xf32, #tpu.memory_space<hbm>>) dst(%arg9 : memref<16x1024xf32, #tpu.memory_space<vmem>>)
    %parallel_loop3A_404 = arith.constant 0 : i32
    %parallel_loop3A_405 = arith.constant 16 : i32
    %parallel_loop3A_406 = arith.constant 1 : i32
    scf.for %parallel_loop3A_488 = %parallel_loop3A_404 to %parallel_loop3A_405 step %parallel_loop3A_406  : i32 {
      %parallel_loop3A_489 = arith.constant 0 : i32
      %parallel_loop3A_490 = arith.constant 64 : i32
      %parallel_loop3A_491 = arith.constant 1 : i32
      scf.for %parallel_loop3A_492 = %parallel_loop3A_489 to %parallel_loop3A_490 step %parallel_loop3A_491  : i32 {
        %parallel_loop3A_493 = arith.constant 16 : i32
        %parallel_loop3A_494 = arith.muli %parallel_loop3A_492, %parallel_loop3A_493 : i32
        %parallel_loop3A_495 = arith.index_cast %parallel_loop3A_488 : i32 to index
        %parallel_loop3A_496 = arith.index_cast %parallel_loop3A_494 : i32 to index
        %parallel_loop3A_497 = tpu.vector_load %arg8[%parallel_loop3A_495, %parallel_loop3A_496] {strides = array<i32>} : memref<16x1024xf32, #tpu.memory_space<vmem>>, vector<1x16xf32>,
        %parallel_loop3A_498 = vector.shape_cast %parallel_loop3A_497 : vector<1x16xf32> to vector<16xf32>
        %parallel_loop3A_499 = arith.constant 16 : i32
        %parallel_loop3A_500 = arith.muli %parallel_loop3A_492, %parallel_loop3A_499 : i32
        %parallel_loop3A_501 = arith.index_cast %parallel_loop3A_488 : i32 to index
        %parallel_loop3A_502 = arith.index_cast %parallel_loop3A_500 : i32 to index
        %parallel_loop3A_503 = tpu.vector_load %arg9[%parallel_loop3A_501, %parallel_loop3A_502] {strides = array<i32>} : memref<16x1024xf32, #tpu.memory_space<vmem>>, vector<1x16xf32>,
        %parallel_loop3A_504 = vector.shape_cast %parallel_loop3A_503 : vector<1x16xf32> to vector<16xf32>
        %parallel_loop3A_505 = vector.shape_cast %parallel_loop3A_498 : vector<16xf32> to vector<1x16xf32>
        tpu.vector_store %arg9[%parallel_loop3A_501, %parallel_loop3A_502], %parallel_loop3A_505 {add = true, strides = array<i32>} : memref<16x1024xf32, #tpu.memory_space<vmem>>, vector<1x16xf32>,
      } {sc.loop_unroll_factor = 16 : i64, sc.parallel_access}
    } {sc.loop_unroll_factor = 1 : i64, sc.parallel_access}
    %add3A_407 = arith.constant 1536 : i32
    %add3A_408 = arith.addi %add3A_407, %multiple_of3A : i32
    %dma_start3A_409 = arith.constant 0 : i32
    %dma_start3A_410 = tpu.memref_slice %arg5[%add3A_408, %dma_start3A_409] : memref<8192x1024xf32, #tpu.memory_space<hbm>> -> memref<16x1024xf32, #tpu.memory_space<hbm>>
    %dma_start3A_411 = arith.constant 0 : i32
    %dma_start3A_412 = tpu.memref_slice %arg5[%add3A_408, %dma_start3A_411] : memref<8192x1024xf32, #tpu.memory_space<hbm>> -> memref<16x1024xf32, #tpu.memory_space<hbm>>
    tpu.enqueue_dma source(%arg9 : memref<16x1024xf32, #tpu.memory_space<vmem>>) target(%dma_start3A_412 : memref<16x1024xf32, #tpu.memory_space<hbm>>) target_semaphore(%arg20 : memref<!tpu.dma_semaphore, #tpu.memory_space<semaphore_mem>>)
    %dma_wait3A_413 = arith.constant 0 : i32
    %dma_wait3A_414 = tpu.memref_slice %arg5[%add3A_377, %dma_wait3A_413] : memref<8192x1024xf32, #tpu.memory_space<hbm>> -> memref<16x1024xf32, #tpu.memory_space<hbm>>
    %dma_wait3A_415 = arith.constant 0 : i32
    %dma_wait3A_416 = tpu.memref_slice %arg5[%add3A_377, %dma_wait3A_415] : memref<8192x1024xf32, #tpu.memory_space<hbm>> -> memref<16x1024xf32, #tpu.memory_space<hbm>>
    tpu.wait_dma2 semaphore(%arg23 : memref<!tpu.dma_semaphore, #tpu.memory_space<semaphore_mem>>) src(%arg12 : memref<16x1024xf32, #tpu.memory_space<vmem>>) dst(%dma_wait3A_416 : memref<16x1024xf32, #tpu.memory_space<hbm>>)
    %dma_start3A_417 = arith.constant 15 : i32
    %dma_start3A_418 = arith.constant 0 : i32
    %dma_start3A_419 = tpu.memref_slice %arg6[%dma_start3A_417, %dma_start3A_418] : memref<16x16xi32, #tpu.memory_space<vmem>> -> memref<1x16xi32, #tpu.memory_space<vmem>>
    %dma_start3A_420 = tpu.memref_squeeze %dma_start3A_419 : memref<1x16xi32, #tpu.memory_space<vmem>> -> memref<16xi32, #tpu.memory_space<vmem>>
    %dma_start3A_421 = arith.constant 0 : i32
    %dma_start3A_422 = arith.constant 0 : i32
    %dma_start3A_423 = tpu.memref_slice %arg3[%dma_start3A_421, %dma_start3A_422] : memref<100000x1024xf32, #tpu.memory_space<hbm>> -> memref<100000x1024xf32, #tpu.memory_space<hbm>>
    tpu.enqueue_indirect_dma source(%dma_start3A_423 : memref<100000x1024xf32, #tpu.memory_space<hbm>>) target(%arg12 : memref<16x1024xf32, #tpu.memory_space<vmem>>) offsets(%dma_start3A_420 : memref<16xi32, #tpu.memory_space<vmem>>) semaphore(%arg19 : memref<!tpu.dma_semaphore, #tpu.memory_space<semaphore_mem>>)
    %dma_wait3A_424 = arith.constant 7 : i32
    %dma_wait3A_425 = arith.constant 0 : i32
    %dma_wait3A_426 = tpu.memref_slice %arg6[%dma_wait3A_424, %dma_wait3A_425] : memref<16x16xi32, #tpu.memory_space<vmem>> -> memref<1x16xi32, #tpu.memory_space<vmem>>
    %dma_wait3A_427 = tpu.memref_squeeze %dma_wait3A_426 : memref<1x16xi32, #tpu.memory_space<vmem>> -> memref<16xi32, #tpu.memory_space<vmem>>
    %dma_wait3A_428 = arith.constant 0 : i32
    %dma_wait3A_429 = arith.constant 0 : i32
    %dma_wait3A_430 = tpu.memref_slice %arg3[%dma_wait3A_428, %dma_wait3A_429] : memref<100000x1024xf32, #tpu.memory_space<hbm>> -> memref<100000x1024xf32, #tpu.memory_space<hbm>>
    tpu.wait_indirect_dma semaphore(%arg17 : memref<!tpu.dma_semaphore, #tpu.memory_space<semaphore_mem>>) src(%dma_wait3A_430 : memref<100000x1024xf32, #tpu.memory_space<hbm>>) dst(%arg10 : memref<16x1024xf32, #tpu.memory_space<vmem>>)
    %parallel_loop3A_431 = arith.constant 0 : i32
    %parallel_loop3A_432 = arith.constant 16 : i32
    %parallel_loop3A_433 = arith.constant 1 : i32
    scf.for %parallel_loop3A_488 = %parallel_loop3A_431 to %parallel_loop3A_432 step %parallel_loop3A_433  : i32 {
      %parallel_loop3A_489 = arith.constant 0 : i32
      %parallel_loop3A_490 = arith.constant 64 : i32
      %parallel_loop3A_491 = arith.constant 1 : i32
      scf.for %parallel_loop3A_492 = %parallel_loop3A_489 to %parallel_loop3A_490 step %parallel_loop3A_491  : i32 {
        %parallel_loop3A_493 = arith.constant 16 : i32
        %parallel_loop3A_494 = arith.muli %parallel_loop3A_492, %parallel_loop3A_493 : i32
        %parallel_loop3A_495 = arith.index_cast %parallel_loop3A_488 : i32 to index
        %parallel_loop3A_496 = arith.index_cast %parallel_loop3A_494 : i32 to index
        %parallel_loop3A_497 = tpu.vector_load %arg8[%parallel_loop3A_495, %parallel_loop3A_496] {strides = array<i32>} : memref<16x1024xf32, #tpu.memory_space<vmem>>, vector<1x16xf32>,
        %parallel_loop3A_498 = vector.shape_cast %parallel_loop3A_497 : vector<1x16xf32> to vector<16xf32>
        %parallel_loop3A_499 = arith.constant 16 : i32
        %parallel_loop3A_500 = arith.muli %parallel_loop3A_492, %parallel_loop3A_499 : i32
        %parallel_loop3A_501 = arith.index_cast %parallel_loop3A_488 : i32 to index
        %parallel_loop3A_502 = arith.index_cast %parallel_loop3A_500 : i32 to index
        %parallel_loop3A_503 = tpu.vector_load %arg10[%parallel_loop3A_501, %parallel_loop3A_502] {strides = array<i32>} : memref<16x1024xf32, #tpu.memory_space<vmem>>, vector<1x16xf32>,
        %parallel_loop3A_504 = vector.shape_cast %parallel_loop3A_503 : vector<1x16xf32> to vector<16xf32>
        %parallel_loop3A_505 = vector.shape_cast %parallel_loop3A_498 : vector<16xf32> to vector<1x16xf32>
        tpu.vector_store %arg10[%parallel_loop3A_501, %parallel_loop3A_502], %parallel_loop3A_505 {add = true, strides = array<i32>} : memref<16x1024xf32, #tpu.memory_space<vmem>>, vector<1x16xf32>,
      } {sc.loop_unroll_factor = 16 : i64, sc.parallel_access}
    } {sc.loop_unroll_factor = 1 : i64, sc.parallel_access}
    %add3A_434 = arith.constant 3584 : i32
    %add3A_435 = arith.addi %add3A_434, %multiple_of3A : i32
    %dma_start3A_436 = arith.constant 0 : i32
    %dma_start3A_437 = tpu.memref_slice %arg5[%add3A_435, %dma_start3A_436] : memref<8192x1024xf32, #tpu.memory_space<hbm>> -> memref<16x1024xf32, #tpu.memory_space<hbm>>
    %dma_start3A_438 = arith.constant 0 : i32
    %dma_start3A_439 = tpu.memref_slice %arg5[%add3A_435, %dma_start3A_438] : memref<8192x1024xf32, #tpu.memory_space<hbm>> -> memref<16x1024xf32, #tpu.memory_space<hbm>>
    tpu.enqueue_dma source(%arg10 : memref<16x1024xf32, #tpu.memory_space<vmem>>) target(%dma_start3A_439 : memref<16x1024xf32, #tpu.memory_space<hbm>>) target_semaphore(%arg21 : memref<!tpu.dma_semaphore, #tpu.memory_space<semaphore_mem>>)
    %dma_wait3A_440 = arith.constant 11 : i32
    %dma_wait3A_441 = arith.constant 0 : i32
    %dma_wait3A_442 = tpu.memref_slice %arg6[%dma_wait3A_440, %dma_wait3A_441] : memref<16x16xi32, #tpu.memory_space<vmem>> -> memref<1x16xi32, #tpu.memory_space<vmem>>
    %dma_wait3A_443 = tpu.memref_squeeze %dma_wait3A_442 : memref<1x16xi32, #tpu.memory_space<vmem>> -> memref<16xi32, #tpu.memory_space<vmem>>
    %dma_wait3A_444 = arith.constant 0 : i32
    %dma_wait3A_445 = arith.constant 0 : i32
    %dma_wait3A_446 = tpu.memref_slice %arg3[%dma_wait3A_444, %dma_wait3A_445] : memref<100000x1024xf32, #tpu.memory_space<hbm>> -> memref<100000x1024xf32, #tpu.memory_space<hbm>>
    tpu.wait_indirect_dma semaphore(%arg18 : memref<!tpu.dma_semaphore, #tpu.memory_space<semaphore_mem>>) src(%dma_wait3A_446 : memref<100000x1024xf32, #tpu.memory_space<hbm>>) dst(%arg11 : memref<16x1024xf32, #tpu.memory_space<vmem>>)
    %parallel_loop3A_447 = arith.constant 0 : i32
    %parallel_loop3A_448 = arith.constant 16 : i32
    %parallel_loop3A_449 = arith.constant 1 : i32
    scf.for %parallel_loop3A_488 = %parallel_loop3A_447 to %parallel_loop3A_448 step %parallel_loop3A_449  : i32 {
      %parallel_loop3A_489 = arith.constant 0 : i32
      %parallel_loop3A_490 = arith.constant 64 : i32
      %parallel_loop3A_491 = arith.constant 1 : i32
      scf.for %parallel_loop3A_492 = %parallel_loop3A_489 to %parallel_loop3A_490 step %parallel_loop3A_491  : i32 {
        %parallel_loop3A_493 = arith.constant 16 : i32
        %parallel_loop3A_494 = arith.muli %parallel_loop3A_492, %parallel_loop3A_493 : i32
        %parallel_loop3A_495 = arith.index_cast %parallel_loop3A_488 : i32 to index
        %parallel_loop3A_496 = arith.index_cast %parallel_loop3A_494 : i32 to index
        %parallel_loop3A_497 = tpu.vector_load %arg8[%parallel_loop3A_495, %parallel_loop3A_496] {strides = array<i32>} : memref<16x1024xf32, #tpu.memory_space<vmem>>, vector<1x16xf32>,
        %parallel_loop3A_498 = vector.shape_cast %parallel_loop3A_497 : vector<1x16xf32> to vector<16xf32>
        %parallel_loop3A_499 = arith.constant 16 : i32
        %parallel_loop3A_500 = arith.muli %parallel_loop3A_492, %parallel_loop3A_499 : i32
        %parallel_loop3A_501 = arith.index_cast %parallel_loop3A_488 : i32 to index
        %parallel_loop3A_502 = arith.index_cast %parallel_loop3A_500 : i32 to index
        %parallel_loop3A_503 = tpu.vector_load %arg11[%parallel_loop3A_501, %parallel_loop3A_502] {strides = array<i32>} : memref<16x1024xf32, #tpu.memory_space<vmem>>, vector<1x16xf32>,
        %parallel_loop3A_504 = vector.shape_cast %parallel_loop3A_503 : vector<1x16xf32> to vector<16xf32>
        %parallel_loop3A_505 = vector.shape_cast %parallel_loop3A_498 : vector<16xf32> to vector<1x16xf32>
        tpu.vector_store %arg11[%parallel_loop3A_501, %parallel_loop3A_502], %parallel_loop3A_505 {add = true, strides = array<i32>} : memref<16x1024xf32, #tpu.memory_space<vmem>>, vector<1x16xf32>,
      } {sc.loop_unroll_factor = 16 : i64, sc.parallel_access}
    } {sc.loop_unroll_factor = 1 : i64, sc.parallel_access}
    %add3A_450 = arith.constant 5632 : i32
    %add3A_451 = arith.addi %add3A_450, %multiple_of3A : i32
    %dma_start3A_452 = arith.constant 0 : i32
    %dma_start3A_453 = tpu.memref_slice %arg5[%add3A_451, %dma_start3A_452] : memref<8192x1024xf32, #tpu.memory_space<hbm>> -> memref<16x1024xf32, #tpu.memory_space<hbm>>
    %dma_start3A_454 = arith.constant 0 : i32
    %dma_start3A_455 = tpu.memref_slice %arg5[%add3A_451, %dma_start3A_454] : memref<8192x1024xf32, #tpu.memory_space<hbm>> -> memref<16x1024xf32, #tpu.memory_space<hbm>>
    tpu.enqueue_dma source(%arg11 : memref<16x1024xf32, #tpu.memory_space<vmem>>) target(%dma_start3A_455 : memref<16x1024xf32, #tpu.memory_space<hbm>>) target_semaphore(%arg22 : memref<!tpu.dma_semaphore, #tpu.memory_space<semaphore_mem>>)
    %dma_wait3A_456 = arith.constant 15 : i32
    %dma_wait3A_457 = arith.constant 0 : i32
    %dma_wait3A_458 = tpu.memref_slice %arg6[%dma_wait3A_456, %dma_wait3A_457] : memref<16x16xi32, #tpu.memory_space<vmem>> -> memref<1x16xi32, #tpu.memory_space<vmem>>
    %dma_wait3A_459 = tpu.memref_squeeze %dma_wait3A_458 : memref<1x16xi32, #tpu.memory_space<vmem>> -> memref<16xi32, #tpu.memory_space<vmem>>
    %dma_wait3A_460 = arith.constant 0 : i32
    %dma_wait3A_461 = arith.constant 0 : i32
    %dma_wait3A_462 = tpu.memref_slice %arg3[%dma_wait3A_460, %dma_wait3A_461] : memref<100000x1024xf32, #tpu.memory_space<hbm>> -> memref<100000x1024xf32, #tpu.memory_space<hbm>>
    tpu.wait_indirect_dma semaphore(%arg19 : memref<!tpu.dma_semaphore, #tpu.memory_space<semaphore_mem>>) src(%dma_wait3A_462 : memref<100000x1024xf32, #tpu.memory_space<hbm>>) dst(%arg12 : memref<16x1024xf32, #tpu.memory_space<vmem>>)
    %parallel_loop3A_463 = arith.constant 0 : i32
    %parallel_loop3A_464 = arith.constant 16 : i32
    %parallel_loop3A_465 = arith.constant 1 : i32
    scf.for %parallel_loop3A_488 = %parallel_loop3A_463 to %parallel_loop3A_464 step %parallel_loop3A_465  : i32 {
      %parallel_loop3A_489 = arith.constant 0 : i32
      %parallel_loop3A_490 = arith.constant 64 : i32
      %parallel_loop3A_491 = arith.constant 1 : i32
      scf.for %parallel_loop3A_492 = %parallel_loop3A_489 to %parallel_loop3A_490 step %parallel_loop3A_491  : i32 {
        %parallel_loop3A_493 = arith.constant 16 : i32
        %parallel_loop3A_494 = arith.muli %parallel_loop3A_492, %parallel_loop3A_493 : i32
        %parallel_loop3A_495 = arith.index_cast %parallel_loop3A_488 : i32 to index
        %parallel_loop3A_496 = arith.index_cast %parallel_loop3A_494 : i32 to index
        %parallel_loop3A_497 = tpu.vector_load %arg8[%parallel_loop3A_495, %parallel_loop3A_496] {strides = array<i32>} : memref<16x1024xf32, #tpu.memory_space<vmem>>, vector<1x16xf32>,
        %parallel_loop3A_498 = vector.shape_cast %parallel_loop3A_497 : vector<1x16xf32> to vector<16xf32>
        %parallel_loop3A_499 = arith.constant 16 : i32
        %parallel_loop3A_500 = arith.muli %parallel_loop3A_492, %parallel_loop3A_499 : i32
        %parallel_loop3A_501 = arith.index_cast %parallel_loop3A_488 : i32 to index
        %parallel_loop3A_502 = arith.index_cast %parallel_loop3A_500 : i32 to index
        %parallel_loop3A_503 = tpu.vector_load %arg12[%parallel_loop3A_501, %parallel_loop3A_502] {strides = array<i32>} : memref<16x1024xf32, #tpu.memory_space<vmem>>, vector<1x16xf32>,
        %parallel_loop3A_504 = vector.shape_cast %parallel_loop3A_503 : vector<1x16xf32> to vector<16xf32>
        %parallel_loop3A_505 = vector.shape_cast %parallel_loop3A_498 : vector<16xf32> to vector<1x16xf32>
        tpu.vector_store %arg12[%parallel_loop3A_501, %parallel_loop3A_502], %parallel_loop3A_505 {add = true, strides = array<i32>} : memref<16x1024xf32, #tpu.memory_space<vmem>>, vector<1x16xf32>,
      } {sc.loop_unroll_factor = 16 : i64, sc.parallel_access}
    } {sc.loop_unroll_factor = 1 : i64, sc.parallel_access}
    %add3A_466 = arith.constant 7680 : i32
    %add3A_467 = arith.addi %add3A_466, %multiple_of3A : i32
    %dma_start3A_468 = arith.constant 0 : i32
    %dma_start3A_469 = tpu.memref_slice %arg5[%add3A_467, %dma_start3A_468] : memref<8192x1024xf32, #tpu.memory_space<hbm>> -> memref<16x1024xf32, #tpu.memory_space<hbm>>
    %dma_start3A_470 = arith.constant 0 : i32
    %dma_start3A_471 = tpu.memref_slice %arg5[%add3A_467, %dma_start3A_470] : memref<8192x1024xf32, #tpu.memory_space<hbm>> -> memref<16x1024xf32, #tpu.memory_space<hbm>>
    tpu.enqueue_dma source(%arg12 : memref<16x1024xf32, #tpu.memory_space<vmem>>) target(%dma_start3A_471 : memref<16x1024xf32, #tpu.memory_space<hbm>>) target_semaphore(%arg23 : memref<!tpu.dma_semaphore, #tpu.memory_space<semaphore_mem>>)
    %dma_wait3A_472 = arith.constant 0 : i32
    %dma_wait3A_473 = tpu.memref_slice %arg5[%add3A_408, %dma_wait3A_472] : memref<8192x1024xf32, #tpu.memory_space<hbm>> -> memref<16x1024xf32, #tpu.memory_space<hbm>>
    %dma_wait3A_474 = arith.constant 0 : i32
    %dma_wait3A_475 = tpu.memref_slice %arg5[%add3A_408, %dma_wait3A_474] : memref<8192x1024xf32, #tpu.memory_space<hbm>> -> memref<16x1024xf32, #tpu.memory_space<hbm>>
    tpu.wait_dma2 semaphore(%arg20 : memref<!tpu.dma_semaphore, #tpu.memory_space<semaphore_mem>>) src(%arg9 : memref<16x1024xf32, #tpu.memory_space<vmem>>) dst(%dma_wait3A_475 : memref<16x1024xf32, #tpu.memory_space<hbm>>)
    %dma_wait3A_476 = arith.constant 0 : i32
    %dma_wait3A_477 = tpu.memref_slice %arg5[%add3A_435, %dma_wait3A_476] : memref<8192x1024xf32, #tpu.memory_space<hbm>> -> memref<16x1024xf32, #tpu.memory_space<hbm>>
    %dma_wait3A_478 = arith.constant 0 : i32
    %dma_wait3A_479 = tpu.memref_slice %arg5[%add3A_435, %dma_wait3A_478] : memref<8192x1024xf32, #tpu.memory_space<hbm>> -> memref<16x1024xf32, #tpu.memory_space<hbm>>
    tpu.wait_dma2 semaphore(%arg21 : memref<!tpu.dma_semaphore, #tpu.memory_space<semaphore_mem>>) src(%arg10 : memref<16x1024xf32, #tpu.memory_space<vmem>>) dst(%dma_wait3A_479 : memref<16x1024xf32, #tpu.memory_space<hbm>>)
    %dma_wait3A_480 = arith.constant 0 : i32
    %dma_wait3A_481 = tpu.memref_slice %arg5[%add3A_451, %dma_wait3A_480] : memref<8192x1024xf32, #tpu.memory_space<hbm>> -> memref<16x1024xf32, #tpu.memory_space<hbm>>
    %dma_wait3A_482 = arith.constant 0 : i32
    %dma_wait3A_483 = tpu.memref_slice %arg5[%add3A_451, %dma_wait3A_482] : memref<8192x1024xf32, #tpu.memory_space<hbm>> -> memref<16x1024xf32, #tpu.memory_space<hbm>>
    tpu.wait_dma2 semaphore(%arg22 : memref<!tpu.dma_semaphore, #tpu.memory_space<semaphore_mem>>) src(%arg11 : memref<16x1024xf32, #tpu.memory_space<vmem>>) dst(%dma_wait3A_483 : memref<16x1024xf32, #tpu.memory_space<hbm>>)
    %dma_wait3A_484 = arith.constant 0 : i32
    %dma_wait3A_485 = tpu.memref_slice %arg5[%add3A_467, %dma_wait3A_484] : memref<8192x1024xf32, #tpu.memory_space<hbm>> -> memref<16x1024xf32, #tpu.memory_space<hbm>>
    %dma_wait3A_486 = arith.constant 0 : i32
    %dma_wait3A_487 = tpu.memref_slice %arg5[%add3A_467, %dma_wait3A_486] : memref<8192x1024xf32, #tpu.memory_space<hbm>> -> memref<16x1024xf32, #tpu.memory_space<hbm>>
    tpu.wait_dma2 semaphore(%arg23 : memref<!tpu.dma_semaphore, #tpu.memory_space<semaphore_mem>>) src(%arg12 : memref<16x1024xf32, #tpu.memory_space<vmem>>) dst(%dma_wait3A_487 : memref<16x1024xf32, #tpu.memory_space<hbm>>)
    return
  }
}

</mosaic_0001>

<sc_bundles>
// kernel: _embed.3.cloned.1.call-start
scs
__scs_entry_jumppad:
0x0: {  	(pc) =	sbr.rel $0x88, $3  }
0x1: {  	(tag) =	ssettag $0x0;
	lr =	simm.s32 $0x1  }
0x2: {  	[smem:$0x3F9E] =	sst lr;
	_ =	strace $0xD0000000  }
0x3: {  	_ = 	snop  }
0x4: {  	_ = 	snop  }
0x5: {  	_ = 	snop  }
0x6: {  	_ = 	snop  }
0x7: {  	_ = 	snop  }
__scs_overlays_trampoline_lowered:
0x8: {  	[smem:$0x3FAD] =	sst s0  }
0x9: {  	[smem:$0x3FAE] =	sst s1  }
0xa: {  	[smem:$0x3FAF] =	sst s2  }
0xb: {  	[smem:$0x3FB0] =	sst s3  }
0xc: {  	[smem:$0x3FB1] =	sst s4  }
0xd: {  	[smem:$0x3FB2] =	sst s5  }
0xe: {  	[smem:$0x3FB3] =	sst s6  }
0xf: {  	[smem:$0x3FB4] =	sst s7  }
0x10: {  	[smem:$0x3FB5] =	sst s8  }
0x11: {  	[smem:$0x3FB6] =	sst s9;
	s0 =	simm.s32 @!p0 $0x0  }
0x12: {  	s1 =	sld [smem:$0x3F9C];
	s0 =	simm.s32 @p0 $0x1  }
0x13: {  	[smem:$0x3FB7] =	sst s0;
	s0 =	simm.s32 @!p1 $0x0  }
0x14: {  	s2 =	sld [smem:$0x3F9B];
	s0 =	simm.s32 @p1 $0x1  }
0x15: {  	[smem:$0x3FB8] =	sst s0;
	s0 =	simm.s32 @!p2 $0x0  }
0x16: {  	s3 =	sld [smem:$0x3FDB];
	s0 =	simm.s32 @p2 $0x1  }
0x17: {  	s4 =	simm.s32 $0x1BF5;
	[smem:$0x3FBA] =	sst s0  }
0x18: {  	s0 =	sld [smem:$0x3F9D];
	_ =	swait.ge [sflag:s4], $0x0  }
0x19: {  	s7 =	sld [smem:$0x3F9E]  }
0x1a: {  	s8 =	sadd.s32 $0xFFFFE003, lr  }
0x1b: {  	s9 =	sadd.s32 $0xFFFFFEF7, lr;
	s5 =	simm.s32 $0xFFFFFFFF;
	p2 =	slt.u32 s8, $0xFFFFF086  }
0x1c: {  	p1 =	slt.u32 s9, $0xF7A;
	s5 =	simm.s32 @!p2 $0x0  }
0x1d: {  	s5 =	simm.s32 @p1 $0x1;
	p0 =	seq.s32 s7, s2  }
0x1e: {  	s7 =	smul.u32 @!p0 $0xF7A, s2;
	p2 =	seq.s32 @!p0 s5, $0x0  }
0x1f: {  	s9 =	smul.u32 $0xF7A, s1;
	s8 =	simm.s32 @!p0 $0x1BF5;
	p2 =	por !p2, p0  }
0x20: {  	[sflag:s8] =	ssyncset.s32 @!p0 $0xFFFFF086;
	s6 =	sadd.s32 @!p0 s3, s7;
	s7 =	simm.s32 @!p0 $0x108  }
0x21: {  	s3 =	sadd.s32 s3, s9;
	s6 =	sadd.s32 @!p0 $0x88, s6;
	s7 =	simm.s32 @p2 $0x1082  }
0x22: {  	[simem:s7], [sflag:s8] =	dma.local @!p0 [hbm:s6], $0xF7A  }
0x23: {  	s9 =	sor.u32 $0xD0000000, s2;
	s6 =	simm.s32 $0x108;
	_ =	swait.ge @!p0 [sflag:s8], $0x0  }
0x24: {  	s3 =	sadd.s32 $0x88, s3;
	s6 =	simm.s32 @!p1 $0x1082;
	[sflag:s4] =	ssyncset.s32 $0xFFFFF086  }
0x25: {  	[simem:s6], [sflag:s4] =	dma.local [hbm:s3], $0xF7A  }
0x26: {  	[smem:$0x3F9E] =	sst s1;
	(tag) =	ssettag s2;
	_ =	strace s9  }
0x27: {  	s1 =	sld [smem:$0x3FAE]  }
0x28: {  	s2 =	sld [smem:$0x3FAF]  }
0x29: {  	s4 =	sld [smem:$0x3FB1]  }
0x2a: {  	p0 =	seq.s32 s5, $0x0;
	s5 =	sld [smem:$0x3FB2]  }
0x2b: {  	s6 =	sld [smem:$0x3FB3]  }
0x2c: {  	s7 =	sld [smem:$0x3FB4]  }
0x2d: {  	s3 =	simm.s32 $0x108;
	s8 =	sld [smem:$0x3FB5]  }
0x2e: {  	s3 =	simm.s32 @!p0 $0x1082;
	s9 =	sld [smem:$0x3FB6]  }
0x2f: {  	lr =	sadd.s32 s0, s3;
	s0 =	sld [smem:$0x3FAD]  }
0x30: {  	s3 =	sld [smem:$0x3FB0]  }
0x31: {  	[smem:$0x3FB9] =	sst s10  }
0x32: {  	s10 =	sld [smem:$0x3FB7];
	_ =	sdelay $0x3  }
0x33: {  	p0 =	seq.s32 s10, $0x1;
	s10 =	sld [smem:$0x3FB9];
	_ =	sdelay $0x3  }
0x34: {  	[smem:$0x3FB9] =	sst s10  }
0x35: {  	s10 =	sld [smem:$0x3FB8];
	_ =	sdelay $0x3  }
0x36: {  	p1 =	seq.s32 s10, $0x1;
	s10 =	sld [smem:$0x3FB9];
	_ =	sdelay $0x3  }
0x37: {  	[smem:$0x3FB9] =	sst s10  }
0x38: {  	s10 =	sld [smem:$0x3FBA]  }
0x39: {  	_ = 	snop;
	(pc) =	sbr.ind lr, $3  }
0x3a: {  	_ = 	snop  }
0x3b: {  	_ = 	snop  }
0x3c: {  	p2 =	seq.s32 s10, $0x1;
	s10 =	sld [smem:$0x3FB9]  }
0x3d: {  	_ =	shalt  }
0x3e: {  	_ =	shalt  }
0x3f: {  	_ =	shalt  }
0x40: {  	_ =	shalt  }
0x41: {  	_ =	shalt  }
0x42: {  	_ =	shalt  }
0x43: {  	_ =	shalt  }
0x44: {  	_ =	shalt  }
0x45: {  	_ =	shalt  }
0x46: {  	_ =	shalt  }
0x47: {  	_ =	shalt  }
0x48: {  	_ =	shalt  }
0x49: {  	_ =	shalt  }
0x4a: {  	_ =	shalt  }
0x4b: {  	_ =	shalt  }
0x4c: {  	_ =	shalt  }
0x4d: {  	_ =	shalt  }
0x4e: {  	_ =	shalt  }
0x4f: {  	_ =	shalt  }
0x50: {  	_ =	shalt  }
0x51: {  	_ =	shalt  }
0x52: {  	_ =	shalt  }
0x53: {  	_ =	shalt  }
0x54: {  	_ =	shalt  }
0x55: {  	_ =	shalt  }
0x56: {  	_ =	shalt  }
0x57: {  	_ =	shalt  }
0x58: {  	_ =	shalt  }
0x59: {  	_ =	shalt  }
0x5a: {  	_ =	shalt  }
0x5b: {  	_ =	shalt  }
0x5c: {  	_ =	shalt  }
0x5d: {  	_ =	shalt  }
0x5e: {  	_ =	shalt  }
0x5f: {  	_ =	shalt  }
0x60: {  	_ =	shalt  }
0x61: {  	_ =	shalt  }
0x62: {  	_ =	shalt  }
0x63: {  	_ =	shalt  }
0x64: {  	_ =	shalt  }
0x65: {  	_ =	shalt  }
0x66: {  	_ =	shalt  }
0x67: {  	_ =	shalt  }
0x68: {  	_ =	shalt  }
0x69: {  	_ =	shalt  }
0x6a: {  	_ =	shalt  }
0x6b: {  	_ =	shalt  }
0x6c: {  	_ =	shalt  }
0x6d: {  	_ =	shalt  }
0x6e: {  	_ =	shalt  }
0x6f: {  	_ =	shalt  }
0x70: {  	_ =	shalt  }
0x71: {  	_ =	shalt  }
0x72: {  	_ =	shalt  }
0x73: {  	_ =	shalt  }
0x74: {  	_ =	shalt  }
0x75: {  	_ =	shalt  }
0x76: {  	_ =	shalt  }
0x77: {  	_ =	shalt  }
0x78: {  	_ =	shalt  }
0x79: {  	_ =	shalt  }
0x7a: {  	_ =	shalt  }
0x7b: {  	_ =	shalt  }
0x7c: {  	_ =	shalt  }
0x7d: {  	_ =	shalt  }
0x7e: {  	_ =	shalt  }
0x7f: {  	_ =	shalt  }
0x80: {  	_ =	shalt  }
0x81: {  	_ =	shalt  }
0x82: {  	_ =	shalt  }
0x83: {  	_ =	shalt  }
0x84: {  	_ =	shalt  }
0x85: {  	_ =	shalt  }
0x86: {  	_ =	shalt  }
0x87: {  	_ =	shalt  }
.Lfunc_end0:
.L_simem_size_0:
called_computation_lowered:
.L_overlay_start_0:
0x88: {  	s2 =	sld [smem:$0x3FD9]  }
0x89: {  	s3 =	sld [smem:$0x3FFE];
	_ =	sdelay $0x1  }
0x8a: {  	s1 =	srdreg.scid  }
0x8b: {  	s0 =	sand.u32 $0x1, s1  }
0x8c: {  	s17 =	sshll.u32 s0, $0xA;
	s2 =	sadd.s32 s3, s2  }
0x8d: {  	s2 =	sadd.s32 s2, s17  }
0x8e: {  	[smem:$0x3FC5] =	sst s2  }
0x8f: {  	_ = 	snop  }
0x90: {  	s2 =	sld [smem:$0x3FC8]  }
0x91: {  	s18 =	sld [smem:$0x3FC7]  }
0x92: {  	s4 =	sld [smem:$0x3FD0];
	(tm) =	ssettm $0x1  }
0x93: {  	s5 =	sld [smem:$0x3FFB];
	_ =	sdelay $0x3  }
0x94: {  	_ =	strace s5  }
0x95: {  	s5 =	sld [smem:$0x3FFC];
	_ =	sdelay $0x3  }
0x96: {  	_ =	strace s5  }
0x97: {  	s5 =	sld [smem:$0x3FFD];
	_ =	sdelay $0x3  }
0x98: {  	_ =	strace s5  }
0x99: {  	_ =	strace $0x8FFFFFFF  }
0x9a: {  	s19 =	sld [smem:$0x3FDB];
	_ =	sdelay $0x1  }
0x9b: {  	s6 =	simm.s32 $_scs_section_size  }
0x9c: {  	s7 =	simm.s32 $_size__tile_overlayer_lowered;
	s8 =	simm.s32 $_tile_overlayer_lowered  }
0x9d: {  	s22 =	simm.s32 $0x1BFF;
	s21 =	sshll.u32 s8, $0x1;
	s5 =	sadd.s32 s6, s19  }
0x9e: {  	s9 =	simm.s32 $0x0;
	s20 =	sshll.u32 s7, $0x1;
	s7 =	sadd.s32 s21, s5  }
0x9f: {  	[timem:s9], [sflag:s22] =	dma.local [hbm:s7], s20  }
0xa0: {  	_ =	swait.ge [sflag:s22], s20  }
0xa1: {  	s6 =	ssub.s32 $0x0, s20;
	[sflag:s22] =	ssyncset.done $0x0  }
0xa2: {  	[sflag:s22] =	ssyncadd.s32 s6;
	_ =	sdelay $0x1  }
0xa3: {  	s23 =	simm.s32 $0x1B8B  }
0xa4: {  	_ =	swait.ge [sflag:s23], $0x1  }
0xa5: {  	[sflag:s23] =	ssyncset.done $0x0  }
0xa6: {  	s25 =	simm.s32 $0x1B8E;
	s24 =	sld [smem:$0x3FFE];
	[sflag:s23] =	ssyncadd.s32 $0xFFFFFFFF  }
0xa7: {  	s26 =	simm.s32 $execute0_lowered;
	[smem:$0x3FD2] =	sst s25  }
0xa8: {  	s7 =	sshll.u32 s26, $0x1;
	_ =	strace $0x80000046;
	[dreg:$0x1] =	wrdreg $0xFFFFFFFF  }
0xa9: {  	s28 =	simm.s32 $_size_execute0_lowered;
	s5 =	sadd.s32 s5, s7;
	[dreg:$0x0] =	wrdreg $0x0  }
0xaa: {  	s7 =	sshll.u32 s28, $0x1;
	[dreg:$0x2] =	wrdreg s5  }
0xab: {  	[dreg:$0x3] =	wrdreg s7  }
0xac: {  	[dreg:$0x4] =	wrdreg $0xC0  }
0xad: {  	_ =	task [dreg:s9], $0x5FFFF  }
0xae: {  	[dreg:$0x1] =	wrdreg $0xFFFFFFFF  }
0xaf: {  	[dreg:$0x0] =	wrdreg $0x60  }
0xb0: {  	[dreg:$0x2] =	wrdreg s24  }
0xb1: {  	[dreg:$0x3] =	wrdreg s2  }
0xb2: {  	[dreg:$0x4] =	wrdreg s18  }
0xb3: {  	[dreg:$0x5] =	wrdreg s4  }
0xb4: {  	[dreg:$0x6] =	wrdreg $0x9  }
0xb5: {  	_ =	task.clear_ibuf [dreg:s9], $0x7FFFF;
	_ =	strace $0x90000046  }
0xb6: {  	s29 =	simm.s32 $0x9;
	_ =	strace $0x80000048  }
0xb7: {  	_ =	swait.ge [sflag:s29], $0x1  }
0xb8: {  	[sflag:s29] =	ssyncadd.s32 $0xFFFFFFFF  }
0xb9: {  	_ =	strace $0x90000048  }
0xba: {  	_ =	sfence  }
0xbb: {  	s30 =	sld [smem:$0x0];
	_ =	sdelay $0x2  }
0xbc: {  	s31 =	sshll.u32 s1, $0xD;
	s1 =	sshrl.u32 s1, $0x2  }
0xbd: {  	s3 =	sand.u32 $0x4000, s31;
	s1 =	sadd.s32 s1, s30  }
0xbe: {  	s0 =	sor.u32 s3, s0;
	s1 =	sshll.u32 s1, $0x11  }
0xbf: {  	s0 =	sor.u32 s1, s0  }
0xc0: {  	s0 =	sadd.s32 $0x8F2B, s0  }
0xc1: {  	[sflag:s0] =	ssyncadd.remote.s32 $0x1  }
0xc2: {  	_ =	sfence.sel $0xFFFF  }
0xc3: {  	[dreg:$0x0] =	wrdreg $0xFFFFFFFF;
	(pc) =	sbr.abs _section_cstart, $3  }
0xc4: {  	[dreg:$0x1] =	wrdreg $0xFFFFFFFF  }
0xc5: {  	_ =	task.clear_ibuf [dreg:s9], $0x2FFFF;
	_ =	strace $0x9FFFFFFF  }
0xc6: {  	(tm) =	ssettm $0x7FFFFFFF  }
0xc7: {  	_ =	shalt  }
tec
execute0_lowered:
.L_overlay_start_1:
0x0: {  	(tag) =	ssettag $0x1  }
0x1: {  	s0 =	rddreg [dreg:$0x0]  }
0x2: {  	s5 =	srdreg.scid;
	s6 =	stileid.u32  }
0x3: {  	s1 =	rddreg [dreg:$0x1];
	s5 =	sand.u32 $0x1, s5;
	s6 =	sshll.u32 s6, $0x1  }
0x4: {  	s2 =	rddreg [dreg:$0x2];
	s3 =	simm.s32 $0x0;
	s6 =	sor.u32 s5, s6  }
0x5: {  	[smem:$0x7FF] =	sst s3;
	s7 =	sshll.u32 s6, $0x8;
	s6 =	sshll.u32 s6, $0xB  }
0x6: {  	s4 =	rddreg [dreg:$0x3];
	_ =	strace $0x80000047;
	s13 =	sadd.s32 s2, s6  }
0x7: {  	s0 =	sadd.s32 s7, s0;
	s11 =	sadd.s32 s4, s6;
	[dreg:$0x6] =	wrdreg s13  }
0x8: {  	s31 =	sor.u32 $0x10000, s6;
	s0 =	sadd.s32 $0x400, s0;
	[dreg:$0x8] =	wrdreg s11  }
0x9: {  	s14 =	sadd.s32 s2, s31;
	[dreg:$0x5] =	wrdreg s0  }
0xa: {  	s10 =	sadd.s32 $0x40000, s11;
	[dreg:$0x7] =	wrdreg s14  }
0xb: {  	s15 =	sadd.s32 $0x80000, s11;
	[dreg:$0x9] =	wrdreg s10  }
0xc: {  	s16 =	sor.u32 $0x20000, s6;
	s12 =	sadd.s32 $0xC0000, s11;
	[dreg:$0xa] =	wrdreg s15  }
0xd: {  	s17 =	sadd.s32 s2, s16;
	[dreg:$0xb] =	wrdreg s12  }
0xe: {  	s30 =	simm.s32 $0x14800;
	s18 =	sadd.s32 $0x50000, s11;
	[dreg:$0xc] =	wrdreg s17  }
0xf: {  	s8 =	sadd.s32 $0x200, s1;
	s19 =	sadd.s32 $0x90000, s11;
	[dreg:$0xe] =	wrdreg s18  }
0x10: {  	s20 =	sor.u32 $0x30000, s6;
	s21 =	sadd.s32 $0xD0000, s11;
	[dreg:$0xf] =	wrdreg s19  }
0x11: {  	s9 =	sadd.s32 $0x300, s1;
	s2 =	sadd.s32 s2, s20;
	[dreg:$0x10] =	wrdreg s21  }
0x12: {  	s5 =	ssub.s32 $0x2, s5;
	s22 =	sadd.s32 s4, s16;
	[dreg:$0x11] =	wrdreg s2  }
0x13: {  	s29 =	sshrl.u32 s5, $0x1;
	s23 =	sadd.s32 $0x60000, s11;
	[dreg:$0x12] =	wrdreg s22  }
0x14: {  	s5 =	ssub.s32 s5, s29;
	s24 =	sadd.s32 $0xA0000, s11;
	[dreg:$0x13] =	wrdreg s23  }
0x15: {  	s7 =	sadd.s32 $0x100, s1;
	s25 =	sadd.s32 $0xE0000, s11;
	[dreg:$0x14] =	wrdreg s24  }
0x16: {  	s26 =	smax.u32 s5, $0x1;
	s28 =	sadd.s32 $0x70000, s11;
	[dreg:$0x16] =	wrdreg s25  }
0x17: {  	s29 =	sadd.s32 $0xB0000, s11;
	s13 =	simm.s32 $0xC800;
	[dreg:$0x17] =	wrdreg s26  }
0x18: {  	s16 =	simm.s32 $0x8;
	s0 =	sadd.s32 s4, s31;
	[dreg:$0x18] =	wrdreg s28  }
0x19: {  	[dreg:$0x19] =	wrdreg s29;
	s31 =	sadd.s32 $0xF0000, s11;
	s2 =	simm.s32 $0x8800  }
0x1a: {  	s21 =	simm.s32 $0x10800;
	s10 =	simm.s32 $0x2;
	s11 =	simm.s32 $0x17000  }
0x1b: {  	s12 =	simm.s32 $0x17800;
	s14 =	simm.s32 $0x18000;
	s15 =	simm.s32 $0x5  }
0x1c: {  	s17 =	simm.s32 $0x6;
	s18 =	simm.s32 $0x9;
	s19 =	simm.s32 $0x7  }
0x1d: {  	v2 =	vlaneseq.u32;
	s22 =	simm.s32 $0x3;
	s23 =	simm.s32 $0xB;
	[dreg:$0xd] =	wrdreg s0  }
0x1e: {  	vm0 =	vmmov $0xffff;
	v1 =	vshrl.u32 v2, $0x3;
	s24 =	simm.s32 $0x0;
	s0 =	sadd.s32 s4, s20;
	[dreg:$0x1a] =	wrdreg s31  }
0x1f: {  	v0 =	vand.u32 $0x7, v2;
	v2 =	vor.u32 $0x8, v2;
	v1 =	vmul.u32 $0x8, v1;
	s20 =	simm.s32 $0xA;
	[dreg:$0x15] =	wrdreg s0;
	s0 =	simm.s32 $0x4  }
.LBB2_1:
0x20: {  	s4 =	rddreg [dreg:$0x5]  }
0x21: {  	[tilespmem:s3], [sflag:$0x1] =	stream.linear.gather [hbm4b:s4+s3], $0x800, $0x38;
	[tilespmem:$0x18800] =	vst v63  }
0x22: {  	s31 =	rddreg [dreg:$0x6];
	s5 =	simm.s32 $0x800  }
0x23: {  	[tilespmem:s5], [sflag:$0x2] =	stream.linear.gather [hbm4b:s31+s3], $0x4000, $0x38;
	[tilespmem:$0x18800] =	vst v63  }
0x24: {  	s6 =	simm.s32 $0x4800;
	s25 =	simm.s32 $0x1;
	s5 =	rddreg [dreg:$0x7]  }
0x25: {  	[tilespmem:s6], [sflag:$0x3] =	stream.linear.gather [hbm4b:s5+s3], $0x4000, $0x38;
	[tilespmem:$0x18800] =	vst v63  }
0x26: {  	_ =	swait.ge [sflag:s25], $0x800  }
0x27: {  	[sflag:s25] =	ssyncset.done $0x0  }
0x28: {  	[sflag:s25] =	ssyncadd.s32 $0xFFFFF800  }
0x29: {  	v3 =	vld [tilespmem:$0x0];
	_ =	sdelay $0x4  }
0x2a: {  	v4 =	vshll.u32 v3, $0x3  }
0x2b: {  	v3 =	vand.u32 $0x7, v3;
	v4 =	vand.u32 $0xFFFFFFC0, v4  }
0x2c: {  	v3 =	vor.u32 v3, v4  }
0x2d: {  	v4 =	vperm.xlane v3, v0;
	_ =	sdelay $0x1  }
0x2e: {  	v4 =	vadd.s32 v1, v4;
	_ =	sdelay $0x4  }
0x2f: {  	[tilespmem:s2], [sflag:$0x4] =	stream.indirect_vreg.gather [hbm4b:s1+s3], $0x80, v4, vm0, $0xb8;
	[tilespmem:$0x18800] =	vst v63  }
0x30: {  	s26 =	simm.s32 $0x9000;
	v3 =	vperm.xlane v3, v2  }
0x31: {  	[tilespmem:s26], [sflag:$0x4] =	stream.indirect_vreg.gather [hbm4b:s7+s3], $0x80, v4, vm0, $0xb8;
	[tilespmem:$0x18800] =	vst v63  }
0x32: {  	s29 =	simm.s32 $0x9800;
	v3 =	vadd.s32 v1, v3  }
0x33: {  	[tilespmem:s29], [sflag:$0x4] =	stream.indirect_vreg.gather [hbm4b:s8+s3], $0x80, v4, vm0, $0xb8;
	[tilespmem:$0x18800] =	vst v63  }
0x34: {  	s31 =	simm.s32 $0xA000  }
0x35: {  	[tilespmem:s31], [sflag:$0x4] =	stream.indirect_vreg.gather [hbm4b:s9+s3], $0x80, v4, vm0, $0xb8;
	[tilespmem:$0x18800] =	vst v63  }
0x36: {  	s5 =	simm.s32 $0xA800  }
0x37: {  	[tilespmem:s5], [sflag:$0x4] =	stream.indirect_vreg.gather [hbm4b:s1+s3], $0x80, v3, vm0, $0xb8;
	[tilespmem:$0x18800] =	vst v63  }
0x38: {  	s6 =	simm.s32 $0xB000  }
0x39: {  	[tilespmem:s6], [sflag:$0x4] =	stream.indirect_vreg.gather [hbm4b:s7+s3], $0x80, v3, vm0, $0xb8;
	[tilespmem:$0x18800] =	vst v63  }
0x3a: {  	s25 =	simm.s32 $0xB800  }
0x3b: {  	[tilespmem:s25], [sflag:$0x4] =	stream.indirect_vreg.gather [hbm4b:s8+s3], $0x80, v3, vm0, $0xb8;
	[tilespmem:$0x18800] =	vst v63  }
0x3c: {  	s26 =	simm.s32 $0xC000  }
0x3d: {  	[tilespmem:s26], [sflag:$0x4] =	stream.indirect_vreg.gather [hbm4b:s9+s3], $0x80, v3, vm0, $0xb8;
	[tilespmem:$0x18800] =	vst v63  }
0x3e: {  	v3 =	vld [tilespmem:$0x200];
	_ =	sdelay $0x4  }
0x3f: {  	v62 =	vshll.u32 v3, $0x3  }
0x40: {  	v3 =	vand.u32 $0x7, v3;
	v4 =	vand.u32 $0xFFFFFFC0, v62  }
0x41: {  	v3 =	vor.u32 v3, v4  }
0x42: {  	v4 =	vperm.xlane v3, v0;
	_ =	sdelay $0x1  }
0x43: {  	v4 =	vadd.s32 v1, v4;
	_ =	sdelay $0x4  }
0x44: {  	[tilespmem:s13], [sflag:$0x5] =	stream.indirect_vreg.gather [hbm4b:s1+s3], $0x80, v4, vm0, $0xb8;
	[tilespmem:$0x18800] =	vst v63  }
0x45: {  	s29 =	simm.s32 $0xD000;
	v3 =	vperm.xlane v3, v2  }
0x46: {  	[tilespmem:s29], [sflag:$0x5] =	stream.indirect_vreg.gather [hbm4b:s7+s3], $0x80, v4, vm0, $0xb8;
	[tilespmem:$0x18800] =	vst v63  }
0x47: {  	s31 =	simm.s32 $0xD800;
	v3 =	vadd.s32 v1, v3  }
0x48: {  	[tilespmem:s31], [sflag:$0x5] =	stream.indirect_vreg.gather [hbm4b:s8+s3], $0x80, v4, vm0, $0xb8;
	[tilespmem:$0x18800] =	vst v63  }
0x49: {  	s5 =	simm.s32 $0xE000  }
0x4a: {  	[tilespmem:s5], [sflag:$0x5] =	stream.indirect_vreg.gather [hbm4b:s9+s3], $0x80, v4, vm0, $0xb8;
	[tilespmem:$0x18800] =	vst v63  }
0x4b: {  	s6 =	simm.s32 $0xE800  }
0x4c: {  	[tilespmem:s6], [sflag:$0x5] =	stream.indirect_vreg.gather [hbm4b:s1+s3], $0x80, v3, vm0, $0xb8;
	[tilespmem:$0x18800] =	vst v63  }
0x4d: {  	s25 =	simm.s32 $0xF000  }
0x4e: {  	[tilespmem:s25], [sflag:$0x5] =	stream.indirect_vreg.gather [hbm4b:s7+s3], $0x80, v3, vm0, $0xb8;
	[tilespmem:$0x18800] =	vst v63  }
0x4f: {  	s26 =	simm.s32 $0xF800  }
0x50: {  	[tilespmem:s26], [sflag:$0x5] =	stream.indirect_vreg.gather [hbm4b:s8+s3], $0x80, v3, vm0, $0xb8;
	[tilespmem:$0x18800] =	vst v63  }
0x51: {  	s29 =	simm.s32 $0x10000  }
0x52: {  	[tilespmem:s29], [sflag:$0x5] =	stream.indirect_vreg.gather [hbm4b:s9+s3], $0x80, v3, vm0, $0xb8;
	[tilespmem:$0x18800] =	vst v63  }
0x53: {  	v3 =	vld [tilespmem:$0x400];
	_ =	sdelay $0x4  }
0x54: {  	v63 =	vshll.u32 v3, $0x3  }
0x55: {  	v3 =	vand.u32 $0x7, v3;
	v4 =	vand.u32 $0xFFFFFFC0, v63  }
0x56: {  	v3 =	vor.u32 v3, v4  }
0x57: {  	v4 =	vperm.xlane v3, v0;
	_ =	sdelay $0x1  }
0x58: {  	v4 =	vadd.s32 v1, v4;
	_ =	sdelay $0x4  }
0x59: {  	[tilespmem:s21], [sflag:$0x6] =	stream.indirect_vreg.gather [hbm4b:s1+s3], $0x80, v4, vm0, $0xb8;
	[tilespmem:$0x18800] =	vst v63  }
0x5a: {  	s31 =	simm.s32 $0x11000;
	v3 =	vperm.xlane v3, v2  }
0x5b: {  	[tilespmem:s31], [sflag:$0x6] =	stream.indirect_vreg.gather [hbm4b:s7+s3], $0x80, v4, vm0, $0xb8;
	[tilespmem:$0x18800] =	vst v63  }
0x5c: {  	s5 =	simm.s32 $0x11800;
	v3 =	vadd.s32 v1, v3  }
0x5d: {  	[tilespmem:s5], [sflag:$0x6] =	stream.indirect_vreg.gather [hbm4b:s8+s3], $0x80, v4, vm0, $0xb8;
	[tilespmem:$0x18800] =	vst v63  }
0x5e: {  	s6 =	simm.s32 $0x12000  }
0x5f: {  	[tilespmem:s6], [sflag:$0x6] =	stream.indirect_vreg.gather [hbm4b:s9+s3], $0x80, v4, vm0, $0xb8;
	[tilespmem:$0x18800] =	vst v63  }
0x60: {  	s25 =	simm.s32 $0x12800  }
0x61: {  	[tilespmem:s25], [sflag:$0x6] =	stream.indirect_vreg.gather [hbm4b:s1+s3], $0x80, v3, vm0, $0xb8;
	[tilespmem:$0x18800] =	vst v63  }
0x62: {  	s26 =	simm.s32 $0x13000  }
0x63: {  	[tilespmem:s26], [sflag:$0x6] =	stream.indirect_vreg.gather [hbm4b:s7+s3], $0x80, v3, vm0, $0xb8;
	[tilespmem:$0x18800] =	vst v63  }
0x64: {  	s29 =	simm.s32 $0x13800  }
0x65: {  	[tilespmem:s29], [sflag:$0x6] =	stream.indirect_vreg.gather [hbm4b:s8+s3], $0x80, v3, vm0, $0xb8;
	[tilespmem:$0x18800] =	vst v63  }
0x66: {  	s31 =	simm.s32 $0x14000  }
0x67: {  	[tilespmem:s31], [sflag:$0x6] =	stream.indirect_vreg.gather [hbm4b:s9+s3], $0x80, v3, vm0, $0xb8;
	[tilespmem:$0x18800] =	vst v63  }
0x68: {  	_ =	swait.ge [sflag:s10], $0x4000  }
0x69: {  	[sflag:s10] =	ssyncset.done $0x0  }
0x6a: {  	[sflag:s10] =	ssyncadd.s32 $0xFFFFC000  }
0x6b: {  	_ =	swait.ge [sflag:s0], $0x4000  }
0x6c: {  	s28 =	simm.s32 $0x0;
	[sflag:s0] =	ssyncset.done $0x0  }
0x6d: {  	s25 =	simm.s32 $0x0;
	s26 =	simm.s32 $0x0;
	[sflag:s0] =	ssyncadd.s32 $0xFFFFC000  }
.LBB2_2:
0x6e: {  	s4 =	sand.u32 $0x7, s26  }
0x6f: {  	s4 =	sshll.u32 s4, $0x9  }
0x70: {  	s29 =	sshrl.u32 s4, $0x2  }
0x71: {  	v3 =	vmov s29;
	_ =	sdelay $0x2  }
0x72: {  	s6 =	sand.u32 $0x3FFFE000, s25  }
0x73: {  	s5 =	sor.u32 $0xC70, s6  }
0x74: {  	v4 =	vld.idx.msk [tilespmem:v3+s5+$0x0 ss:$0x1], $0xffff  }
0x75: {  	v5 =	vld.idx.msk [tilespmem:v3+s5+$0xFFFFFBA0 ss:$0x1], $0xffff  }
0x76: {  	v6 =	vld.idx.msk [tilespmem:v3+s5+$0xFFFFFBB0 ss:$0x1], $0xffff  }
0x77: {  	v7 =	vld.idx.msk [tilespmem:v3+s5+$0xFFFFFBC0 ss:$0x1], $0xffff  }
0x78: {  	v8 =	vld.idx.msk [tilespmem:v3+s5+$0xFFFFFBD0 ss:$0x1], $0xffff  }
0x79: {  	v9 =	vld.idx.msk [tilespmem:v3+s5+$0xFFFFFBE0 ss:$0x1], $0xffff  }
0x7a: {  	v10 =	vld.idx.msk [tilespmem:v3+s5+$0xFFFFFC00 ss:$0x1], $0xffff  }
0x7b: {  	v11 =	vld.idx.msk [tilespmem:v3+s5+$0xFFFFFF90 ss:$0x1], $0xffff  }
0x7c: {  	v12 =	vld.idx.msk [tilespmem:v3+s5+$0xFFFFFFA0 ss:$0x1], $0xffff  }
0x7d: {  	v13 =	vld.idx.msk [tilespmem:v3+s5+$0xFFFFFFB0 ss:$0x1], $0xffff  }
0x7e: {  	v14 =	vld.idx.msk [tilespmem:v3+s5+$0xFFFFFFC0 ss:$0x1], $0xffff  }
0x7f: {  	v15 =	vld.idx.msk [tilespmem:v3+s5+$0xFFFFFFD0 ss:$0x1], $0xffff  }
0x80: {  	v16 =	vld.idx.msk [tilespmem:v3+s5+$0xFFFFFFE0 ss:$0x1], $0xffff  }
0x81: {  	s31 =	sadd.s32 $0x8800, s6;
	v17 =	vld.idx.msk [tilespmem:v3+s5+$0xFFFFFFF0 ss:$0x1], $0xffff  }
0x82: {  	s6 =	sadd.s32 s29, s31;
	v18 =	vld.idx.msk [tilespmem:v3+s5+$0xFFFFFB90 ss:$0x1], $0xffff  }
0x83: {  	[tilespmem:s6+$0x470] =	vst.add.f32.msk $0xffff, v4  }
0x84: {  	v4 =	vld.idx.msk [tilespmem:v3+s5+$0xFFFFFBF0 ss:$0x1], $0xffff  }
0x85: {  	[tilespmem:s6+$0x10] =	vst.add.f32.msk $0xffff, v5  }
0x86: {  	[tilespmem:s6+$0x20] =	vst.add.f32.msk $0xffff, v6  }
0x87: {  	[tilespmem:s6+$0x30] =	vst.add.f32.msk $0xffff, v7  }
0x88: {  	[tilespmem:s6+$0x40] =	vst.add.f32.msk $0xffff, v8  }
0x89: {  	[tilespmem:s6+$0x50] =	vst.add.f32.msk $0xffff, v9  }
0x8a: {  	[tilespmem:s6+$0x0] =	vst.add.f32.msk $0xffff, v18  }
0x8b: {  	[tilespmem:s6+$0x70] =	vst.add.f32.msk $0xffff, v10  }
0x8c: {  	[tilespmem:s6+$0x400] =	vst.add.f32.msk $0xffff, v11  }
0x8d: {  	[tilespmem:s6+$0x410] =	vst.add.f32.msk $0xffff, v12  }
0x8e: {  	[tilespmem:s6+$0x420] =	vst.add.f32.msk $0xffff, v13  }
0x8f: {  	[tilespmem:s6+$0x430] =	vst.add.f32.msk $0xffff, v14  }
0x90: {  	[tilespmem:s6+$0x440] =	vst.add.f32.msk $0xffff, v15  }
0x91: {  	[tilespmem:s6+$0x450] =	vst.add.f32.msk $0xffff, v16  }
0x92: {  	[tilespmem:s6+$0x460] =	vst.add.f32.msk $0xffff, v17  }
0x93: {  	s4 =	simm.s32 $0x0;
	s5 =	sadd.s32 $0x800, s5;
	[tilespmem:s6+$0x60] =	vst.add.f32.msk $0xffff, v4  }
.LBB2_3:
0x94: {  	v4 =	vld.idx.msk [tilespmem:v3+s5+$0x0 ss:$0x1], $0xffff;
	s4 =	sadd.s32 $0x10, s4  }
0x95: {  	v5 =	vld.idx.msk [tilespmem:v3+s5+$0xFFFFFBA0 ss:$0x1], $0xffff;
	p0 =	slt.u32 s4, $0x30  }
0x96: {  	v6 =	vld.idx.msk [tilespmem:v3+s5+$0xFFFFFBB0 ss:$0x1], $0xffff  }
0x97: {  	v7 =	vld.idx.msk [tilespmem:v3+s5+$0xFFFFFBC0 ss:$0x1], $0xffff  }
0x98: {  	s31 =	sadd.s32 $0x800, s31;
	v8 =	vld.idx.msk [tilespmem:v3+s5+$0xFFFFFBD0 ss:$0x1], $0xffff  }
0x99: {  	s6 =	sadd.s32 s29, s31;
	v9 =	vld.idx.msk [tilespmem:v3+s5+$0xFFFFFBE0 ss:$0x1], $0xffff  }
0x9a: {  	[tilespmem:s6+$0x470] =	vst.add.f32.msk $0xffff, v4  }
0x9b: {  	v4 =	vld.idx.msk [tilespmem:v3+s5+$0xFFFFFBF0 ss:$0x1], $0xffff  }
0x9c: {  	v10 =	vld.idx.msk [tilespmem:v3+s5+$0xFFFFFC00 ss:$0x1], $0xffff  }
0x9d: {  	v11 =	vld.idx.msk [tilespmem:v3+s5+$0xFFFFFF90 ss:$0x1], $0xffff  }
0x9e: {  	v12 =	vld.idx.msk [tilespmem:v3+s5+$0xFFFFFFA0 ss:$0x1], $0xffff  }
0x9f: {  	v13 =	vld.idx.msk [tilespmem:v3+s5+$0xFFFFFFB0 ss:$0x1], $0xffff  }
0xa0: {  	v14 =	vld.idx.msk [tilespmem:v3+s5+$0xFFFFFFC0 ss:$0x1], $0xffff  }
0xa1: {  	v15 =	vld.idx.msk [tilespmem:v3+s5+$0xFFFFFFD0 ss:$0x1], $0xffff  }
0xa2: {  	v16 =	vld.idx.msk [tilespmem:v3+s5+$0xFFFFFFE0 ss:$0x1], $0xffff  }
0xa3: {  	v17 =	vld.idx.msk [tilespmem:v3+s5+$0xFFFFFFF0 ss:$0x1], $0xffff  }
0xa4: {  	v18 =	vld.idx.msk [tilespmem:v3+s5+$0xFFFFFB90 ss:$0x1], $0xffff  }
0xa5: {  	[tilespmem:s6+$0x10] =	vst.add.f32.msk $0xffff, v5  }
0xa6: {  	[tilespmem:s6+$0x20] =	vst.add.f32.msk $0xffff, v6  }
0xa7: {  	[tilespmem:s6+$0x30] =	vst.add.f32.msk $0xffff, v7  }
0xa8: {  	[tilespmem:s6+$0x40] =	vst.add.f32.msk $0xffff, v8  }
0xa9: {  	[tilespmem:s6+$0x50] =	vst.add.f32.msk $0xffff, v9  }
0xaa: {  	[tilespmem:s6+$0x0] =	vst.add.f32.msk $0xffff, v18  }
0xab: {  	[tilespmem:s6+$0x60] =	vst.add.f32.msk $0xffff, v4  }
0xac: {  	[tilespmem:s6+$0x70] =	vst.add.f32.msk $0xffff, v10  }
0xad: {  	[tilespmem:s6+$0x400] =	vst.add.f32.msk $0xffff, v11  }
0xae: {  	[tilespmem:s6+$0x410] =	vst.add.f32.msk $0xffff, v12  }
.Ltmp0:
0xaf: {  	[tilespmem:s6+$0x420] =	vst.add.f32.msk $0xffff, v13;
	(pc) =	sbr.rel @p0 .LBB2_3-.Ltmp0, $4  }
0xb0: {  	[tilespmem:s6+$0x430] =	vst.add.f32.msk $0xffff, v14  }
0xb1: {  	[tilespmem:s6+$0x440] =	vst.add.f32.msk $0xffff, v15  }
0xb2: {  	[tilespmem:s6+$0x450] =	vst.add.f32.msk $0xffff, v16  }
0xb3: {  	s5 =	sadd.s32 $0x800, s5;
	[tilespmem:s6+$0x460] =	vst.add.f32.msk $0xffff, v17  }
0xb4: {  	s28 =	sadd.s32 $0x1, s28  }
0xb5: {  	p0 =	sne.s32 s28, $0x10  }
.Ltmp1:
0xb6: {  	_ = 	snop;
	(pc) =	sbr.rel @p0 .LBB2_2-.Ltmp1, $2  }
0xb7: {  	_ =	sdelay $0x2  }
0xb8: {  	s26 =	sadd.s32 $0x1, s26;
	s25 =	sadd.s32 $0x400, s25  }
0xb9: {  	s25 =	simm.s32 $0x0;
	s4 =	rddreg [dreg:$0x8]  }
0xba: {  	[hbm4b:s4+s25] =	stream.linear.scatter [tilespmem:s2], [sflag:$0x8], $0x4000, $0x38;
	[tilespmem:$0x18800] =	vst v63  }
0xbb: {  	v3 =	vld [tilespmem:$0x600];
	_ =	sdelay $0x4  }
0xbc: {  	v4 =	vshll.u32 v3, $0x3  }
0xbd: {  	v3 =	vand.u32 $0x7, v3;
	v4 =	vand.u32 $0xFFFFFFC0, v4  }
0xbe: {  	v3 =	vor.u32 v3, v4  }
0xbf: {  	v4 =	vperm.xlane v3, v0;
	_ =	sdelay $0x1  }
0xc0: {  	v4 =	vadd.s32 v1, v4;
	_ =	sdelay $0x4  }
0xc1: {  	[tilespmem:s30], [sflag:$0x7] =	stream.indirect_vreg.gather [hbm4b:s1+s25], $0x80, v4, vm0, $0xb8;
	[tilespmem:$0x18800] =	vst v63  }
0xc2: {  	s6 =	simm.s32 $0x15000;
	v3 =	vperm.xlane v3, v2  }
0xc3: {  	[tilespmem:s6], [sflag:$0x7] =	stream.indirect_vreg.gather [hbm4b:s7+s25], $0x80, v4, vm0, $0xb8;
	[tilespmem:$0x18800] =	vst v63  }
0xc4: {  	s26 =	simm.s32 $0x15800;
	v3 =	vadd.s32 v1, v3  }
0xc5: {  	[tilespmem:s26], [sflag:$0x7] =	stream.indirect_vreg.gather [hbm4b:s8+s25], $0x80, v4, vm0, $0xb8;
	[tilespmem:$0x18800] =	vst v63  }
0xc6: {  	s29 =	simm.s32 $0x16000  }
0xc7: {  	[tilespmem:s29], [sflag:$0x7] =	stream.indirect_vreg.gather [hbm4b:s9+s25], $0x80, v4, vm0, $0xb8;
	[tilespmem:$0x18800] =	vst v63  }
0xc8: {  	s31 =	simm.s32 $0x16800  }
0xc9: {  	[tilespmem:s31], [sflag:$0x7] =	stream.indirect_vreg.gather [hbm4b:s1+s25], $0x80, v3, vm0, $0xb8;
	[tilespmem:$0x18800] =	vst v63  }
0xca: {  	_ = 	snop  }
0xcb: {  	[tilespmem:s11], [sflag:$0x7] =	stream.indirect_vreg.gather [hbm4b:s7+s25], $0x80, v3, vm0, $0xb8;
	[tilespmem:$0x18800] =	vst v63  }
0xcc: {  	_ = 	snop  }
0xcd: {  	[tilespmem:s12], [sflag:$0x7] =	stream.indirect_vreg.gather [hbm4b:s8+s25], $0x80, v3, vm0, $0xb8;
	[tilespmem:$0x18800] =	vst v63  }
0xce: {  	_ = 	snop  }
0xcf: {  	[tilespmem:s14], [sflag:$0x7] =	stream.indirect_vreg.gather [hbm4b:s9+s25], $0x80, v3, vm0, $0xb8;
	[tilespmem:$0x18800] =	vst v63  }
0xd0: {  	_ =	swait.ge [sflag:s15], $0x4000  }
0xd1: {  	[sflag:s15] =	ssyncset.done $0x0  }
0xd2: {  	s28 =	simm.s32 $0x0;
	s26 =	simm.s32 $0x0;
	[sflag:s15] =	ssyncadd.s32 $0xFFFFC000  }
.LBB2_6:
0xd3: {  	s4 =	sand.u32 $0x7, s26  }
0xd4: {  	s4 =	sshll.u32 s4, $0x9  }
0xd5: {  	s29 =	sshrl.u32 s4, $0x2  }
0xd6: {  	v3 =	vmov s29;
	_ =	sdelay $0x2  }
0xd7: {  	s6 =	sand.u32 $0x3FFFE000, s25  }
0xd8: {  	s5 =	sor.u32 $0xC70, s6  }
0xd9: {  	v4 =	vld.idx.msk [tilespmem:v3+s5+$0x0 ss:$0x1], $0xffff  }
0xda: {  	v5 =	vld.idx.msk [tilespmem:v3+s5+$0xFFFFFBA0 ss:$0x1], $0xffff  }
0xdb: {  	v6 =	vld.idx.msk [tilespmem:v3+s5+$0xFFFFFBB0 ss:$0x1], $0xffff  }
0xdc: {  	v7 =	vld.idx.msk [tilespmem:v3+s5+$0xFFFFFBC0 ss:$0x1], $0xffff  }
0xdd: {  	v8 =	vld.idx.msk [tilespmem:v3+s5+$0xFFFFFBD0 ss:$0x1], $0xffff  }
0xde: {  	v9 =	vld.idx.msk [tilespmem:v3+s5+$0xFFFFFBE0 ss:$0x1], $0xffff  }
0xdf: {  	v10 =	vld.idx.msk [tilespmem:v3+s5+$0xFFFFFC00 ss:$0x1], $0xffff  }
0xe0: {  	v11 =	vld.idx.msk [tilespmem:v3+s5+$0xFFFFFF90 ss:$0x1], $0xffff  }
0xe1: {  	v12 =	vld.idx.msk [tilespmem:v3+s5+$0xFFFFFFA0 ss:$0x1], $0xffff  }
0xe2: {  	v13 =	vld.idx.msk [tilespmem:v3+s5+$0xFFFFFFB0 ss:$0x1], $0xffff  }
0xe3: {  	v14 =	vld.idx.msk [tilespmem:v3+s5+$0xFFFFFFC0 ss:$0x1], $0xffff  }
0xe4: {  	v15 =	vld.idx.msk [tilespmem:v3+s5+$0xFFFFFFD0 ss:$0x1], $0xffff  }
0xe5: {  	v16 =	vld.idx.msk [tilespmem:v3+s5+$0xFFFFFFE0 ss:$0x1], $0xffff  }
0xe6: {  	s31 =	sadd.s32 $0xC800, s6;
	v17 =	vld.idx.msk [tilespmem:v3+s5+$0xFFFFFFF0 ss:$0x1], $0xffff  }
0xe7: {  	s6 =	sadd.s32 s29, s31;
	v18 =	vld.idx.msk [tilespmem:v3+s5+$0xFFFFFB90 ss:$0x1], $0xffff  }
0xe8: {  	[tilespmem:s6+$0x470] =	vst.add.f32.msk $0xffff, v4  }
0xe9: {  	v4 =	vld.idx.msk [tilespmem:v3+s5+$0xFFFFFBF0 ss:$0x1], $0xffff  }
0xea: {  	[tilespmem:s6+$0x10] =	vst.add.f32.msk $0xffff, v5  }
0xeb: {  	[tilespmem:s6+$0x20] =	vst.add.f32.msk $0xffff, v6  }
0xec: {  	[tilespmem:s6+$0x30] =	vst.add.f32.msk $0xffff, v7  }
0xed: {  	[tilespmem:s6+$0x40] =	vst.add.f32.msk $0xffff, v8  }
0xee: {  	[tilespmem:s6+$0x50] =	vst.add.f32.msk $0xffff, v9  }
0xef: {  	[tilespmem:s6+$0x0] =	vst.add.f32.msk $0xffff, v18  }
0xf0: {  	[tilespmem:s6+$0x70] =	vst.add.f32.msk $0xffff, v10  }
0xf1: {  	[tilespmem:s6+$0x400] =	vst.add.f32.msk $0xffff, v11  }
0xf2: {  	[tilespmem:s6+$0x410] =	vst.add.f32.msk $0xffff, v12  }
0xf3: {  	[tilespmem:s6+$0x420] =	vst.add.f32.msk $0xffff, v13  }
0xf4: {  	[tilespmem:s6+$0x430] =	vst.add.f32.msk $0xffff, v14  }
0xf5: {  	[tilespmem:s6+$0x440] =	vst.add.f32.msk $0xffff, v15  }
0xf6: {  	[tilespmem:s6+$0x450] =	vst.add.f32.msk $0xffff, v16  }
0xf7: {  	[tilespmem:s6+$0x460] =	vst.add.f32.msk $0xffff, v17  }
0xf8: {  	s4 =	simm.s32 $0x0;
	s5 =	sadd.s32 $0x800, s5;
	[tilespmem:s6+$0x60] =	vst.add.f32.msk $0xffff, v4  }
.LBB2_7:
0xf9: {  	v4 =	vld.idx.msk [tilespmem:v3+s5+$0x0 ss:$0x1], $0xffff;
	s4 =	sadd.s32 $0x10, s4  }
0xfa: {  	v5 =	vld.idx.msk [tilespmem:v3+s5+$0xFFFFFBA0 ss:$0x1], $0xffff;
	p0 =	slt.u32 s4, $0x30  }
0xfb: {  	v6 =	vld.idx.msk [tilespmem:v3+s5+$0xFFFFFBB0 ss:$0x1], $0xffff  }
0xfc: {  	v7 =	vld.idx.msk [tilespmem:v3+s5+$0xFFFFFBC0 ss:$0x1], $0xffff  }
0xfd: {  	s31 =	sadd.s32 $0x800, s31;
	v8 =	vld.idx.msk [tilespmem:v3+s5+$0xFFFFFBD0 ss:$0x1], $0xffff  }
0xfe: {  	s6 =	sadd.s32 s29, s31;
	v9 =	vld.idx.msk [tilespmem:v3+s5+$0xFFFFFBE0 ss:$0x1], $0xffff  }
0xff: {  	[tilespmem:s6+$0x470] =	vst.add.f32.msk $0xffff, v4  }
0x100: {  	v4 =	vld.idx.msk [tilespmem:v3+s5+$0xFFFFFBF0 ss:$0x1], $0xffff  }
0x101: {  	v10 =	vld.idx.msk [tilespmem:v3+s5+$0xFFFFFC00 ss:$0x1], $0xffff  }
0x102: {  	v11 =	vld.idx.msk [tilespmem:v3+s5+$0xFFFFFF90 ss:$0x1], $0xffff  }
0x103: {  	v12 =	vld.idx.msk [tilespmem:v3+s5+$0xFFFFFFA0 ss:$0x1], $0xffff  }
0x104: {  	v13 =	vld.idx.msk [tilespmem:v3+s5+$0xFFFFFFB0 ss:$0x1], $0xffff  }
0x105: {  	v14 =	vld.idx.msk [tilespmem:v3+s5+$0xFFFFFFC0 ss:$0x1], $0xffff  }
0x106: {  	v15 =	vld.idx.msk [tilespmem:v3+s5+$0xFFFFFFD0 ss:$0x1], $0xffff  }
0x107: {  	v16 =	vld.idx.msk [tilespmem:v3+s5+$0xFFFFFFE0 ss:$0x1], $0xffff  }
0x108: {  	v17 =	vld.idx.msk [tilespmem:v3+s5+$0xFFFFFFF0 ss:$0x1], $0xffff  }
0x109: {  	v18 =	vld.idx.msk [tilespmem:v3+s5+$0xFFFFFB90 ss:$0x1], $0xffff  }
0x10a: {  	[tilespmem:s6+$0x10] =	vst.add.f32.msk $0xffff, v5  }
0x10b: {  	[tilespmem:s6+$0x20] =	vst.add.f32.msk $0xffff, v6  }
0x10c: {  	[tilespmem:s6+$0x30] =	vst.add.f32.msk $0xffff, v7  }
0x10d: {  	[tilespmem:s6+$0x40] =	vst.add.f32.msk $0xffff, v8  }
0x10e: {  	[tilespmem:s6+$0x50] =	vst.add.f32.msk $0xffff, v9  }
0x10f: {  	[tilespmem:s6+$0x0] =	vst.add.f32.msk $0xffff, v18  }
0x110: {  	[tilespmem:s6+$0x60] =	vst.add.f32.msk $0xffff, v4  }
0x111: {  	[tilespmem:s6+$0x70] =	vst.add.f32.msk $0xffff, v10  }
0x112: {  	[tilespmem:s6+$0x400] =	vst.add.f32.msk $0xffff, v11  }
0x113: {  	[tilespmem:s6+$0x410] =	vst.add.f32.msk $0xffff, v12  }
.Ltmp2:
0x114: {  	[tilespmem:s6+$0x420] =	vst.add.f32.msk $0xffff, v13;
	(pc) =	sbr.rel @p0 .LBB2_7-.Ltmp2, $4  }
0x115: {  	[tilespmem:s6+$0x430] =	vst.add.f32.msk $0xffff, v14  }
0x116: {  	[tilespmem:s6+$0x440] =	vst.add.f32.msk $0xffff, v15  }
0x117: {  	[tilespmem:s6+$0x450] =	vst.add.f32.msk $0xffff, v16  }
0x118: {  	s5 =	sadd.s32 $0x800, s5;
	[tilespmem:s6+$0x460] =	vst.add.f32.msk $0xffff, v17  }
0x119: {  	s28 =	sadd.s32 $0x1, s28  }
0x11a: {  	p0 =	sne.s32 s28, $0x10  }
.Ltmp3:
0x11b: {  	_ = 	snop;
	(pc) =	sbr.rel @p0 .LBB2_6-.Ltmp3, $2  }
0x11c: {  	_ =	sdelay $0x2  }
0x11d: {  	s26 =	sadd.s32 $0x1, s26;
	s25 =	sadd.s32 $0x400, s25  }
0x11e: {  	s25 =	simm.s32 $0x0;
	s4 =	rddreg [dreg:$0x9]  }
0x11f: {  	[hbm4b:s4+s25] =	stream.linear.scatter [tilespmem:s13], [sflag:$0x9], $0x4000, $0x38;
	[tilespmem:$0x18800] =	vst v63  }
0x120: {  	_ =	swait.ge [sflag:s16], $0x4000  }
0x121: {  	[sflag:s16] =	ssyncset.done $0x0  }
0x122: {  	[sflag:s16] =	ssyncadd.s32 $0xFFFFC000  }
0x123: {  	v3 =	vld [tilespmem:$0x80];
	_ =	sdelay $0x4  }
0x124: {  	v4 =	vshll.u32 v3, $0x3  }
0x125: {  	v3 =	vand.u32 $0x7, v3;
	v4 =	vand.u32 $0xFFFFFFC0, v4  }
0x126: {  	v3 =	vor.u32 v3, v4  }
0x127: {  	v4 =	vperm.xlane v3, v0;
	_ =	sdelay $0x1  }
0x128: {  	v4 =	vadd.s32 v1, v4;
	_ =	sdelay $0x4  }
0x129: {  	[tilespmem:s2], [sflag:$0x4] =	stream.indirect_vreg.gather [hbm4b:s1+s25], $0x80, v4, vm0, $0xb8;
	[tilespmem:$0x18800] =	vst v63  }
0x12a: {  	s29 =	simm.s32 $0x9000;
	v3 =	vperm.xlane v3, v2  }
0x12b: {  	[tilespmem:s29], [sflag:$0x4] =	stream.indirect_vreg.gather [hbm4b:s7+s25], $0x80, v4, vm0, $0xb8;
	[tilespmem:$0x18800] =	vst v63  }
0x12c: {  	s31 =	simm.s32 $0x9800;
	v3 =	vadd.s32 v1, v3  }
0x12d: {  	[tilespmem:s31], [sflag:$0x4] =	stream.indirect_vreg.gather [hbm4b:s8+s25], $0x80, v4, vm0, $0xb8;
	[tilespmem:$0x18800] =	vst v63  }
0x12e: {  	s5 =	simm.s32 $0xA000  }
0x12f: {  	[tilespmem:s5], [sflag:$0x4] =	stream.indirect_vreg.gather [hbm4b:s9+s25], $0x80, v4, vm0, $0xb8;
	[tilespmem:$0x18800] =	vst v63  }
0x130: {  	s6 =	simm.s32 $0xA800  }
0x131: {  	[tilespmem:s6], [sflag:$0x4] =	stream.indirect_vreg.gather [hbm4b:s1+s25], $0x80, v3, vm0, $0xb8;
	[tilespmem:$0x18800] =	vst v63  }
0x132: {  	s26 =	simm.s32 $0xB000  }
0x133: {  	[tilespmem:s26], [sflag:$0x4] =	stream.indirect_vreg.gather [hbm4b:s7+s25], $0x80, v3, vm0, $0xb8;
	[tilespmem:$0x18800] =	vst v63  }
0x134: {  	s29 =	simm.s32 $0xB800  }
0x135: {  	[tilespmem:s29], [sflag:$0x4] =	stream.indirect_vreg.gather [hbm4b:s8+s25], $0x80, v3, vm0, $0xb8;
	[tilespmem:$0x18800] =	vst v63  }
0x136: {  	s31 =	simm.s32 $0xC000  }
0x137: {  	[tilespmem:s31], [sflag:$0x4] =	stream.indirect_vreg.gather [hbm4b:s9+s25], $0x80, v3, vm0, $0xb8;
	[tilespmem:$0x18800] =	vst v63  }
0x138: {  	_ =	swait.ge [sflag:s17], $0x4000  }
0x139: {  	[sflag:s17] =	ssyncset.done $0x0  }
0x13a: {  	s28 =	simm.s32 $0x0;
	s26 =	simm.s32 $0x0;
	[sflag:s17] =	ssyncadd.s32 $0xFFFFC000  }
.LBB2_10:
0x13b: {  	s4 =	sand.u32 $0x7, s26  }
0x13c: {  	s4 =	sshll.u32 s4, $0x9  }
0x13d: {  	s29 =	sshrl.u32 s4, $0x2  }
0x13e: {  	v3 =	vmov s29;
	_ =	sdelay $0x2  }
0x13f: {  	s6 =	sand.u32 $0x3FFFE000, s25  }
0x140: {  	s5 =	sor.u32 $0xC70, s6  }
0x141: {  	v4 =	vld.idx.msk [tilespmem:v3+s5+$0x0 ss:$0x1], $0xffff  }
0x142: {  	v5 =	vld.idx.msk [tilespmem:v3+s5+$0xFFFFFBA0 ss:$0x1], $0xffff  }
0x143: {  	v6 =	vld.idx.msk [tilespmem:v3+s5+$0xFFFFFBB0 ss:$0x1], $0xffff  }
0x144: {  	v7 =	vld.idx.msk [tilespmem:v3+s5+$0xFFFFFBC0 ss:$0x1], $0xffff  }
0x145: {  	v8 =	vld.idx.msk [tilespmem:v3+s5+$0xFFFFFBD0 ss:$0x1], $0xffff  }
0x146: {  	v9 =	vld.idx.msk [tilespmem:v3+s5+$0xFFFFFBE0 ss:$0x1], $0xffff  }
0x147: {  	v10 =	vld.idx.msk [tilespmem:v3+s5+$0xFFFFFC00 ss:$0x1], $0xffff  }
0x148: {  	v11 =	vld.idx.msk [tilespmem:v3+s5+$0xFFFFFF90 ss:$0x1], $0xffff  }
0x149: {  	v12 =	vld.idx.msk [tilespmem:v3+s5+$0xFFFFFFA0 ss:$0x1], $0xffff  }
0x14a: {  	v13 =	vld.idx.msk [tilespmem:v3+s5+$0xFFFFFFB0 ss:$0x1], $0xffff  }
0x14b: {  	v14 =	vld.idx.msk [tilespmem:v3+s5+$0xFFFFFFC0 ss:$0x1], $0xffff  }
0x14c: {  	v15 =	vld.idx.msk [tilespmem:v3+s5+$0xFFFFFFD0 ss:$0x1], $0xffff  }
0x14d: {  	v16 =	vld.idx.msk [tilespmem:v3+s5+$0xFFFFFFE0 ss:$0x1], $0xffff  }
0x14e: {  	s31 =	sadd.s32 $0x10800, s6;
	v17 =	vld.idx.msk [tilespmem:v3+s5+$0xFFFFFFF0 ss:$0x1], $0xffff  }
0x14f: {  	s6 =	sadd.s32 s29, s31;
	v18 =	vld.idx.msk [tilespmem:v3+s5+$0xFFFFFB90 ss:$0x1], $0xffff  }
0x150: {  	[tilespmem:s6+$0x470] =	vst.add.f32.msk $0xffff, v4  }
0x151: {  	v4 =	vld.idx.msk [tilespmem:v3+s5+$0xFFFFFBF0 ss:$0x1], $0xffff  }
0x152: {  	[tilespmem:s6+$0x10] =	vst.add.f32.msk $0xffff, v5  }
0x153: {  	[tilespmem:s6+$0x20] =	vst.add.f32.msk $0xffff, v6  }
0x154: {  	[tilespmem:s6+$0x30] =	vst.add.f32.msk $0xffff, v7  }
0x155: {  	[tilespmem:s6+$0x40] =	vst.add.f32.msk $0xffff, v8  }
0x156: {  	[tilespmem:s6+$0x50] =	vst.add.f32.msk $0xffff, v9  }
0x157: {  	[tilespmem:s6+$0x0] =	vst.add.f32.msk $0xffff, v18  }
0x158: {  	[tilespmem:s6+$0x70] =	vst.add.f32.msk $0xffff, v10  }
0x159: {  	[tilespmem:s6+$0x400] =	vst.add.f32.msk $0xffff, v11  }
0x15a: {  	[tilespmem:s6+$0x410] =	vst.add.f32.msk $0xffff, v12  }
0x15b: {  	[tilespmem:s6+$0x420] =	vst.add.f32.msk $0xffff, v13  }
0x15c: {  	[tilespmem:s6+$0x430] =	vst.add.f32.msk $0xffff, v14  }
0x15d: {  	[tilespmem:s6+$0x440] =	vst.add.f32.msk $0xffff, v15  }
0x15e: {  	[tilespmem:s6+$0x450] =	vst.add.f32.msk $0xffff, v16  }
0x15f: {  	[tilespmem:s6+$0x460] =	vst.add.f32.msk $0xffff, v17  }
0x160: {  	s4 =	simm.s32 $0x0;
	s5 =	sadd.s32 $0x800, s5;
	[tilespmem:s6+$0x60] =	vst.add.f32.msk $0xffff, v4  }
.LBB2_11:
0x161: {  	v4 =	vld.idx.msk [tilespmem:v3+s5+$0x0 ss:$0x1], $0xffff;
	s4 =	sadd.s32 $0x10, s4  }
0x162: {  	v5 =	vld.idx.msk [tilespmem:v3+s5+$0xFFFFFBA0 ss:$0x1], $0xffff;
	p0 =	slt.u32 s4, $0x30  }
0x163: {  	v6 =	vld.idx.msk [tilespmem:v3+s5+$0xFFFFFBB0 ss:$0x1], $0xffff  }
0x164: {  	v7 =	vld.idx.msk [tilespmem:v3+s5+$0xFFFFFBC0 ss:$0x1], $0xffff  }
0x165: {  	s31 =	sadd.s32 $0x800, s31;
	v8 =	vld.idx.msk [tilespmem:v3+s5+$0xFFFFFBD0 ss:$0x1], $0xffff  }
0x166: {  	s6 =	sadd.s32 s29, s31;
	v9 =	vld.idx.msk [tilespmem:v3+s5+$0xFFFFFBE0 ss:$0x1], $0xffff  }
0x167: {  	[tilespmem:s6+$0x470] =	vst.add.f32.msk $0xffff, v4  }
0x168: {  	v4 =	vld.idx.msk [tilespmem:v3+s5+$0xFFFFFBF0 ss:$0x1], $0xffff  }
0x169: {  	v10 =	vld.idx.msk [tilespmem:v3+s5+$0xFFFFFC00 ss:$0x1], $0xffff  }
0x16a: {  	v11 =	vld.idx.msk [tilespmem:v3+s5+$0xFFFFFF90 ss:$0x1], $0xffff  }
0x16b: {  	v12 =	vld.idx.msk [tilespmem:v3+s5+$0xFFFFFFA0 ss:$0x1], $0xffff  }
0x16c: {  	v13 =	vld.idx.msk [tilespmem:v3+s5+$0xFFFFFFB0 ss:$0x1], $0xffff  }
0x16d: {  	v14 =	vld.idx.msk [tilespmem:v3+s5+$0xFFFFFFC0 ss:$0x1], $0xffff  }
0x16e: {  	v15 =	vld.idx.msk [tilespmem:v3+s5+$0xFFFFFFD0 ss:$0x1], $0xffff  }
0x16f: {  	v16 =	vld.idx.msk [tilespmem:v3+s5+$0xFFFFFFE0 ss:$0x1], $0xffff  }
0x170: {  	v17 =	vld.idx.msk [tilespmem:v3+s5+$0xFFFFFFF0 ss:$0x1], $0xffff  }
0x171: {  	v18 =	vld.idx.msk [tilespmem:v3+s5+$0xFFFFFB90 ss:$0x1], $0xffff  }
0x172: {  	[tilespmem:s6+$0x10] =	vst.add.f32.msk $0xffff, v5  }
0x173: {  	[tilespmem:s6+$0x20] =	vst.add.f32.msk $0xffff, v6  }
0x174: {  	[tilespmem:s6+$0x30] =	vst.add.f32.msk $0xffff, v7  }
0x175: {  	[tilespmem:s6+$0x40] =	vst.add.f32.msk $0xffff, v8  }
0x176: {  	[tilespmem:s6+$0x50] =	vst.add.f32.msk $0xffff, v9  }
0x177: {  	[tilespmem:s6+$0x0] =	vst.add.f32.msk $0xffff, v18  }
0x178: {  	[tilespmem:s6+$0x60] =	vst.add.f32.msk $0xffff, v4  }
0x179: {  	[tilespmem:s6+$0x70] =	vst.add.f32.msk $0xffff, v10  }
0x17a: {  	[tilespmem:s6+$0x400] =	vst.add.f32.msk $0xffff, v11  }
0x17b: {  	[tilespmem:s6+$0x410] =	vst.add.f32.msk $0xffff, v12  }
.Ltmp4:
0x17c: {  	[tilespmem:s6+$0x420] =	vst.add.f32.msk $0xffff, v13;
	(pc) =	sbr.rel @p0 .LBB2_11-.Ltmp4, $4  }
0x17d: {  	[tilespmem:s6+$0x430] =	vst.add.f32.msk $0xffff, v14  }
0x17e: {  	[tilespmem:s6+$0x440] =	vst.add.f32.msk $0xffff, v15  }
0x17f: {  	[tilespmem:s6+$0x450] =	vst.add.f32.msk $0xffff, v16  }
0x180: {  	s5 =	sadd.s32 $0x800, s5;
	[tilespmem:s6+$0x460] =	vst.add.f32.msk $0xffff, v17  }
0x181: {  	s28 =	sadd.s32 $0x1, s28  }
0x182: {  	p0 =	sne.s32 s28, $0x10  }
.Ltmp5:
0x183: {  	_ = 	snop;
	(pc) =	sbr.rel @p0 .LBB2_10-.Ltmp5, $2  }
0x184: {  	_ =	sdelay $0x2  }
0x185: {  	s26 =	sadd.s32 $0x1, s26;
	s25 =	sadd.s32 $0x400, s25  }
0x186: {  	s25 =	simm.s32 $0x0;
	s4 =	rddreg [dreg:$0xa]  }
0x187: {  	[hbm4b:s4+s25] =	stream.linear.scatter [tilespmem:s21], [sflag:$0xA], $0x4000, $0x38;
	[tilespmem:$0x18800] =	vst v63  }
0x188: {  	_ =	swait.ge [sflag:s18], $0x4000  }
0x189: {  	[sflag:s18] =	ssyncset.done $0x0  }
0x18a: {  	[sflag:s18] =	ssyncadd.s32 $0xFFFFC000  }
0x18b: {  	v3 =	vld [tilespmem:$0x280];
	_ =	sdelay $0x4  }
0x18c: {  	v4 =	vshll.u32 v3, $0x3  }
0x18d: {  	v3 =	vand.u32 $0x7, v3;
	v4 =	vand.u32 $0xFFFFFFC0, v4  }
0x18e: {  	v3 =	vor.u32 v3, v4  }
0x18f: {  	v4 =	vperm.xlane v3, v0;
	_ =	sdelay $0x1  }
0x190: {  	v4 =	vadd.s32 v1, v4;
	_ =	sdelay $0x4  }
0x191: {  	[tilespmem:s13], [sflag:$0x5] =	stream.indirect_vreg.gather [hbm4b:s1+s25], $0x80, v4, vm0, $0xb8;
	[tilespmem:$0x18800] =	vst v63  }
0x192: {  	s29 =	simm.s32 $0xD000;
	v3 =	vperm.xlane v3, v2  }
0x193: {  	[tilespmem:s29], [sflag:$0x5] =	stream.indirect_vreg.gather [hbm4b:s7+s25], $0x80, v4, vm0, $0xb8;
	[tilespmem:$0x18800] =	vst v63  }
0x194: {  	s31 =	simm.s32 $0xD800;
	v3 =	vadd.s32 v1, v3  }
0x195: {  	[tilespmem:s31], [sflag:$0x5] =	stream.indirect_vreg.gather [hbm4b:s8+s25], $0x80, v4, vm0, $0xb8;
	[tilespmem:$0x18800] =	vst v63  }
0x196: {  	s5 =	simm.s32 $0xE000  }
0x197: {  	[tilespmem:s5], [sflag:$0x5] =	stream.indirect_vreg.gather [hbm4b:s9+s25], $0x80, v4, vm0, $0xb8;
	[tilespmem:$0x18800] =	vst v63  }
0x198: {  	s6 =	simm.s32 $0xE800  }
0x199: {  	[tilespmem:s6], [sflag:$0x5] =	stream.indirect_vreg.gather [hbm4b:s1+s25], $0x80, v3, vm0, $0xb8;
	[tilespmem:$0x18800] =	vst v63  }
0x19a: {  	s26 =	simm.s32 $0xF000  }
0x19b: {  	[tilespmem:s26], [sflag:$0x5] =	stream.indirect_vreg.gather [hbm4b:s7+s25], $0x80, v3, vm0, $0xb8;
	[tilespmem:$0x18800] =	vst v63  }
0x19c: {  	s29 =	simm.s32 $0xF800  }
0x19d: {  	[tilespmem:s29], [sflag:$0x5] =	stream.indirect_vreg.gather [hbm4b:s8+s25], $0x80, v3, vm0, $0xb8;
	[tilespmem:$0x18800] =	vst v63  }
0x19e: {  	s31 =	simm.s32 $0x10000  }
0x19f: {  	[tilespmem:s31], [sflag:$0x5] =	stream.indirect_vreg.gather [hbm4b:s9+s25], $0x80, v3, vm0, $0xb8;
	[tilespmem:$0x18800] =	vst v63  }
0x1a0: {  	_ =	swait.ge [sflag:s19], $0x4000  }
0x1a1: {  	[sflag:s19] =	ssyncset.done $0x0  }
0x1a2: {  	s28 =	simm.s32 $0x0;
	s26 =	simm.s32 $0x0;
	[sflag:s19] =	ssyncadd.s32 $0xFFFFC000  }
.LBB2_14:
0x1a3: {  	s4 =	sand.u32 $0x7, s26  }
0x1a4: {  	s4 =	sshll.u32 s4, $0x9  }
0x1a5: {  	s29 =	sshrl.u32 s4, $0x2  }
0x1a6: {  	v3 =	vmov s29;
	_ =	sdelay $0x2  }
0x1a7: {  	s6 =	sand.u32 $0x3FFFE000, s25  }
0x1a8: {  	s5 =	sor.u32 $0xC70, s6  }
0x1a9: {  	v4 =	vld.idx.msk [tilespmem:v3+s5+$0x0 ss:$0x1], $0xffff  }
0x1aa: {  	v5 =	vld.idx.msk [tilespmem:v3+s5+$0xFFFFFBA0 ss:$0x1], $0xffff  }
0x1ab: {  	v6 =	vld.idx.msk [tilespmem:v3+s5+$0xFFFFFBB0 ss:$0x1], $0xffff  }
0x1ac: {  	v7 =	vld.idx.msk [tilespmem:v3+s5+$0xFFFFFBC0 ss:$0x1], $0xffff  }
0x1ad: {  	v8 =	vld.idx.msk [tilespmem:v3+s5+$0xFFFFFBD0 ss:$0x1], $0xffff  }
0x1ae: {  	v9 =	vld.idx.msk [tilespmem:v3+s5+$0xFFFFFBE0 ss:$0x1], $0xffff  }
0x1af: {  	v10 =	vld.idx.msk [tilespmem:v3+s5+$0xFFFFFC00 ss:$0x1], $0xffff  }
0x1b0: {  	v11 =	vld.idx.msk [tilespmem:v3+s5+$0xFFFFFF90 ss:$0x1], $0xffff  }
0x1b1: {  	v12 =	vld.idx.msk [tilespmem:v3+s5+$0xFFFFFFA0 ss:$0x1], $0xffff  }
0x1b2: {  	v13 =	vld.idx.msk [tilespmem:v3+s5+$0xFFFFFFB0 ss:$0x1], $0xffff  }
0x1b3: {  	v14 =	vld.idx.msk [tilespmem:v3+s5+$0xFFFFFFC0 ss:$0x1], $0xffff  }
0x1b4: {  	v15 =	vld.idx.msk [tilespmem:v3+s5+$0xFFFFFFD0 ss:$0x1], $0xffff  }
0x1b5: {  	v16 =	vld.idx.msk [tilespmem:v3+s5+$0xFFFFFFE0 ss:$0x1], $0xffff  }
0x1b6: {  	s31 =	sadd.s32 $0x14800, s6;
	v17 =	vld.idx.msk [tilespmem:v3+s5+$0xFFFFFFF0 ss:$0x1], $0xffff  }
0x1b7: {  	s6 =	sadd.s32 s29, s31;
	v18 =	vld.idx.msk [tilespmem:v3+s5+$0xFFFFFB90 ss:$0x1], $0xffff  }
0x1b8: {  	[tilespmem:s6+$0x470] =	vst.add.f32.msk $0xffff, v4  }
0x1b9: {  	v4 =	vld.idx.msk [tilespmem:v3+s5+$0xFFFFFBF0 ss:$0x1], $0xffff  }
0x1ba: {  	[tilespmem:s6+$0x10] =	vst.add.f32.msk $0xffff, v5  }
0x1bb: {  	[tilespmem:s6+$0x20] =	vst.add.f32.msk $0xffff, v6  }
0x1bc: {  	[tilespmem:s6+$0x30] =	vst.add.f32.msk $0xffff, v7  }
0x1bd: {  	[tilespmem:s6+$0x40] =	vst.add.f32.msk $0xffff, v8  }
0x1be: {  	[tilespmem:s6+$0x50] =	vst.add.f32.msk $0xffff, v9  }
0x1bf: {  	[tilespmem:s6+$0x0] =	vst.add.f32.msk $0xffff, v18  }
0x1c0: {  	[tilespmem:s6+$0x70] =	vst.add.f32.msk $0xffff, v10  }
0x1c1: {  	[tilespmem:s6+$0x400] =	vst.add.f32.msk $0xffff, v11  }
0x1c2: {  	[tilespmem:s6+$0x410] =	vst.add.f32.msk $0xffff, v12  }
0x1c3: {  	[tilespmem:s6+$0x420] =	vst.add.f32.msk $0xffff, v13  }
0x1c4: {  	[tilespmem:s6+$0x430] =	vst.add.f32.msk $0xffff, v14  }
0x1c5: {  	[tilespmem:s6+$0x440] =	vst.add.f32.msk $0xffff, v15  }
0x1c6: {  	[tilespmem:s6+$0x450] =	vst.add.f32.msk $0xffff, v16  }
0x1c7: {  	[tilespmem:s6+$0x460] =	vst.add.f32.msk $0xffff, v17  }
0x1c8: {  	s4 =	simm.s32 $0x0;
	s5 =	sadd.s32 $0x800, s5;
	[tilespmem:s6+$0x60] =	vst.add.f32.msk $0xffff, v4  }
.LBB2_15:
0x1c9: {  	v4 =	vld.idx.msk [tilespmem:v3+s5+$0x0 ss:$0x1], $0xffff;
	s4 =	sadd.s32 $0x10, s4  }
0x1ca: {  	v5 =	vld.idx.msk [tilespmem:v3+s5+$0xFFFFFBA0 ss:$0x1], $0xffff;
	p0 =	slt.u32 s4, $0x30  }
0x1cb: {  	v6 =	vld.idx.msk [tilespmem:v3+s5+$0xFFFFFBB0 ss:$0x1], $0xffff  }
0x1cc: {  	v7 =	vld.idx.msk [tilespmem:v3+s5+$0xFFFFFBC0 ss:$0x1], $0xffff  }
0x1cd: {  	s31 =	sadd.s32 $0x800, s31;
	v8 =	vld.idx.msk [tilespmem:v3+s5+$0xFFFFFBD0 ss:$0x1], $0xffff  }
0x1ce: {  	s6 =	sadd.s32 s29, s31;
	v9 =	vld.idx.msk [tilespmem:v3+s5+$0xFFFFFBE0 ss:$0x1], $0xffff  }
0x1cf: {  	[tilespmem:s6+$0x470] =	vst.add.f32.msk $0xffff, v4  }
0x1d0: {  	v4 =	vld.idx.msk [tilespmem:v3+s5+$0xFFFFFBF0 ss:$0x1], $0xffff  }
0x1d1: {  	v10 =	vld.idx.msk [tilespmem:v3+s5+$0xFFFFFC00 ss:$0x1], $0xffff  }
0x1d2: {  	v11 =	vld.idx.msk [tilespmem:v3+s5+$0xFFFFFF90 ss:$0x1], $0xffff  }
0x1d3: {  	v12 =	vld.idx.msk [tilespmem:v3+s5+$0xFFFFFFA0 ss:$0x1], $0xffff  }
0x1d4: {  	v13 =	vld.idx.msk [tilespmem:v3+s5+$0xFFFFFFB0 ss:$0x1], $0xffff  }
0x1d5: {  	v14 =	vld.idx.msk [tilespmem:v3+s5+$0xFFFFFFC0 ss:$0x1], $0xffff  }
0x1d6: {  	v15 =	vld.idx.msk [tilespmem:v3+s5+$0xFFFFFFD0 ss:$0x1], $0xffff  }
0x1d7: {  	v16 =	vld.idx.msk [tilespmem:v3+s5+$0xFFFFFFE0 ss:$0x1], $0xffff  }
0x1d8: {  	v17 =	vld.idx.msk [tilespmem:v3+s5+$0xFFFFFFF0 ss:$0x1], $0xffff  }
0x1d9: {  	v18 =	vld.idx.msk [tilespmem:v3+s5+$0xFFFFFB90 ss:$0x1], $0xffff  }
0x1da: {  	[tilespmem:s6+$0x10] =	vst.add.f32.msk $0xffff, v5  }
0x1db: {  	[tilespmem:s6+$0x20] =	vst.add.f32.msk $0xffff, v6  }
0x1dc: {  	[tilespmem:s6+$0x30] =	vst.add.f32.msk $0xffff, v7  }
0x1dd: {  	[tilespmem:s6+$0x40] =	vst.add.f32.msk $0xffff, v8  }
0x1de: {  	[tilespmem:s6+$0x50] =	vst.add.f32.msk $0xffff, v9  }
0x1df: {  	[tilespmem:s6+$0x0] =	vst.add.f32.msk $0xffff, v18  }
0x1e0: {  	[tilespmem:s6+$0x60] =	vst.add.f32.msk $0xffff, v4  }
0x1e1: {  	[tilespmem:s6+$0x70] =	vst.add.f32.msk $0xffff, v10  }
0x1e2: {  	[tilespmem:s6+$0x400] =	vst.add.f32.msk $0xffff, v11  }
0x1e3: {  	[tilespmem:s6+$0x410] =	vst.add.f32.msk $0xffff, v12  }
.Ltmp6:
0x1e4: {  	[tilespmem:s6+$0x420] =	vst.add.f32.msk $0xffff, v13;
	(pc) =	sbr.rel @p0 .LBB2_15-.Ltmp6, $4  }
0x1e5: {  	[tilespmem:s6+$0x430] =	vst.add.f32.msk $0xffff, v14  }
0x1e6: {  	[tilespmem:s6+$0x440] =	vst.add.f32.msk $0xffff, v15  }
0x1e7: {  	[tilespmem:s6+$0x450] =	vst.add.f32.msk $0xffff, v16  }
0x1e8: {  	s5 =	sadd.s32 $0x800, s5;
	[tilespmem:s6+$0x460] =	vst.add.f32.msk $0xffff, v17  }
0x1e9: {  	s28 =	sadd.s32 $0x1, s28  }
0x1ea: {  	p0 =	sne.s32 s28, $0x10  }
.Ltmp7:
0x1eb: {  	_ = 	snop;
	(pc) =	sbr.rel @p0 .LBB2_14-.Ltmp7, $2  }
0x1ec: {  	_ =	sdelay $0x2  }
0x1ed: {  	s26 =	sadd.s32 $0x1, s26;
	s25 =	sadd.s32 $0x400, s25  }
0x1ee: {  	s25 =	simm.s32 $0x0;
	s4 =	rddreg [dreg:$0xb]  }
0x1ef: {  	[hbm4b:s4+s25] =	stream.linear.scatter [tilespmem:s30], [sflag:$0xB], $0x4000, $0x38;
	[tilespmem:$0x18800] =	vst v63  }
0x1f0: {  	_ =	swait.ge [sflag:s20], $0x4000  }
0x1f1: {  	[sflag:s20] =	ssyncset.done $0x0  }
0x1f2: {  	[sflag:s20] =	ssyncadd.s32 $0xFFFFC000  }
0x1f3: {  	v3 =	vld [tilespmem:$0x480];
	_ =	sdelay $0x4  }
0x1f4: {  	v4 =	vshll.u32 v3, $0x3  }
0x1f5: {  	v3 =	vand.u32 $0x7, v3;
	v4 =	vand.u32 $0xFFFFFFC0, v4  }
0x1f6: {  	v3 =	vor.u32 v3, v4  }
0x1f7: {  	v4 =	vperm.xlane v3, v0;
	_ =	sdelay $0x1  }
0x1f8: {  	v4 =	vadd.s32 v1, v4;
	_ =	sdelay $0x4  }
0x1f9: {  	[tilespmem:s21], [sflag:$0x6] =	stream.indirect_vreg.gather [hbm4b:s1+s25], $0x80, v4, vm0, $0xb8;
	[tilespmem:$0x18800] =	vst v63  }
0x1fa: {  	s26 =	simm.s32 $0x11000;
	v3 =	vperm.xlane v3, v2  }
0x1fb: {  	[tilespmem:s26], [sflag:$0x6] =	stream.indirect_vreg.gather [hbm4b:s7+s25], $0x80, v4, vm0, $0xb8;
	[tilespmem:$0x18800] =	vst v63  }
0x1fc: {  	s29 =	simm.s32 $0x11800;
	v3 =	vadd.s32 v1, v3  }
0x1fd: {  	[tilespmem:s29], [sflag:$0x6] =	stream.indirect_vreg.gather [hbm4b:s8+s25], $0x80, v4, vm0, $0xb8;
	[tilespmem:$0x18800] =	vst v63  }
0x1fe: {  	s31 =	simm.s32 $0x12000  }
0x1ff: {  	[tilespmem:s31], [sflag:$0x6] =	stream.indirect_vreg.gather [hbm4b:s9+s25], $0x80, v4, vm0, $0xb8;
	[tilespmem:$0x18800] =	vst v63  }
0x200: {  	s5 =	simm.s32 $0x12800  }
0x201: {  	[tilespmem:s5], [sflag:$0x6] =	stream.indirect_vreg.gather [hbm4b:s1+s25], $0x80, v3, vm0, $0xb8;
	[tilespmem:$0x18800] =	vst v63  }
0x202: {  	s6 =	simm.s32 $0x13000  }
0x203: {  	[tilespmem:s6], [sflag:$0x6] =	stream.indirect_vreg.gather [hbm4b:s7+s25], $0x80, v3, vm0, $0xb8;
	[tilespmem:$0x18800] =	vst v63  }
0x204: {  	s26 =	simm.s32 $0x13800  }
0x205: {  	[tilespmem:s26], [sflag:$0x6] =	stream.indirect_vreg.gather [hbm4b:s8+s25], $0x80, v3, vm0, $0xb8;
	[tilespmem:$0x18800] =	vst v63  }
0x206: {  	s29 =	simm.s32 $0x14000  }
0x207: {  	[tilespmem:s29], [sflag:$0x6] =	stream.indirect_vreg.gather [hbm4b:s9+s25], $0x80, v3, vm0, $0xb8;
	[tilespmem:$0x18800] =	vst v63  }
0x208: {  	_ =	swait.ge [sflag:s22], $0x4000  }
0x209: {  	[sflag:s22] =	ssyncset.done $0x0  }
0x20a: {  	s5 =	simm.s32 $0x800;
	s31 =	rddreg [dreg:$0xc];
	[sflag:s22] =	ssyncadd.s32 $0xFFFFC000  }
0x20b: {  	[tilespmem:s5], [sflag:$0x2] =	stream.linear.gather [hbm4b:s31+s25], $0x4000, $0x38;
	[tilespmem:$0x18800] =	vst v63  }
0x20c: {  	_ =	swait.ge [sflag:s0], $0x4000  }
0x20d: {  	[sflag:s0] =	ssyncset.done $0x0  }
0x20e: {  	s28 =	simm.s32 $0x0;
	s26 =	simm.s32 $0x0;
	[sflag:s0] =	ssyncadd.s32 $0xFFFFC000  }
.LBB2_18:
0x20f: {  	s4 =	sand.u32 $0x7, s26  }
0x210: {  	s4 =	sshll.u32 s4, $0x9  }
0x211: {  	s29 =	sshrl.u32 s4, $0x2  }
0x212: {  	v3 =	vmov s29;
	_ =	sdelay $0x2  }
0x213: {  	s6 =	sand.u32 $0x3FFFE000, s25  }
0x214: {  	s5 =	sadd.s32 $0x4C70, s6  }
0x215: {  	v4 =	vld.idx.msk [tilespmem:v3+s5+$0x0 ss:$0x1], $0xffff  }
0x216: {  	v5 =	vld.idx.msk [tilespmem:v3+s5+$0xFFFFFBA0 ss:$0x1], $0xffff  }
0x217: {  	v6 =	vld.idx.msk [tilespmem:v3+s5+$0xFFFFFBB0 ss:$0x1], $0xffff  }
0x218: {  	v7 =	vld.idx.msk [tilespmem:v3+s5+$0xFFFFFBC0 ss:$0x1], $0xffff  }
0x219: {  	v8 =	vld.idx.msk [tilespmem:v3+s5+$0xFFFFFBD0 ss:$0x1], $0xffff  }
0x21a: {  	v9 =	vld.idx.msk [tilespmem:v3+s5+$0xFFFFFBE0 ss:$0x1], $0xffff  }
0x21b: {  	v10 =	vld.idx.msk [tilespmem:v3+s5+$0xFFFFFC00 ss:$0x1], $0xffff  }
0x21c: {  	v11 =	vld.idx.msk [tilespmem:v3+s5+$0xFFFFFF90 ss:$0x1], $0xffff  }
0x21d: {  	v12 =	vld.idx.msk [tilespmem:v3+s5+$0xFFFFFFA0 ss:$0x1], $0xffff  }
0x21e: {  	v13 =	vld.idx.msk [tilespmem:v3+s5+$0xFFFFFFB0 ss:$0x1], $0xffff  }
0x21f: {  	v14 =	vld.idx.msk [tilespmem:v3+s5+$0xFFFFFFC0 ss:$0x1], $0xffff  }
0x220: {  	v15 =	vld.idx.msk [tilespmem:v3+s5+$0xFFFFFFD0 ss:$0x1], $0xffff  }
0x221: {  	v16 =	vld.idx.msk [tilespmem:v3+s5+$0xFFFFFFE0 ss:$0x1], $0xffff  }
0x222: {  	s31 =	sadd.s32 $0x8800, s6;
	v17 =	vld.idx.msk [tilespmem:v3+s5+$0xFFFFFFF0 ss:$0x1], $0xffff  }
0x223: {  	s6 =	sadd.s32 s29, s31;
	v18 =	vld.idx.msk [tilespmem:v3+s5+$0xFFFFFB90 ss:$0x1], $0xffff  }
0x224: {  	[tilespmem:s6+$0x470] =	vst.add.f32.msk $0xffff, v4  }
0x225: {  	v4 =	vld.idx.msk [tilespmem:v3+s5+$0xFFFFFBF0 ss:$0x1], $0xffff  }
0x226: {  	[tilespmem:s6+$0x10] =	vst.add.f32.msk $0xffff, v5  }
0x227: {  	[tilespmem:s6+$0x20] =	vst.add.f32.msk $0xffff, v6  }
0x228: {  	[tilespmem:s6+$0x30] =	vst.add.f32.msk $0xffff, v7  }
0x229: {  	[tilespmem:s6+$0x40] =	vst.add.f32.msk $0xffff, v8  }
0x22a: {  	[tilespmem:s6+$0x50] =	vst.add.f32.msk $0xffff, v9  }
0x22b: {  	[tilespmem:s6+$0x0] =	vst.add.f32.msk $0xffff, v18  }
0x22c: {  	[tilespmem:s6+$0x70] =	vst.add.f32.msk $0xffff, v10  }
0x22d: {  	[tilespmem:s6+$0x400] =	vst.add.f32.msk $0xffff, v11  }
0x22e: {  	[tilespmem:s6+$0x410] =	vst.add.f32.msk $0xffff, v12  }
0x22f: {  	[tilespmem:s6+$0x420] =	vst.add.f32.msk $0xffff, v13  }
0x230: {  	[tilespmem:s6+$0x430] =	vst.add.f32.msk $0xffff, v14  }
0x231: {  	[tilespmem:s6+$0x440] =	vst.add.f32.msk $0xffff, v15  }
0x232: {  	[tilespmem:s6+$0x450] =	vst.add.f32.msk $0xffff, v16  }
0x233: {  	[tilespmem:s6+$0x460] =	vst.add.f32.msk $0xffff, v17  }
0x234: {  	s4 =	simm.s32 $0x0;
	s5 =	sadd.s32 $0x800, s5;
	[tilespmem:s6+$0x60] =	vst.add.f32.msk $0xffff, v4  }
.LBB2_19:
0x235: {  	v4 =	vld.idx.msk [tilespmem:v3+s5+$0x0 ss:$0x1], $0xffff;
	s4 =	sadd.s32 $0x10, s4  }
0x236: {  	v5 =	vld.idx.msk [tilespmem:v3+s5+$0xFFFFFBA0 ss:$0x1], $0xffff;
	p0 =	slt.u32 s4, $0x30  }
0x237: {  	v6 =	vld.idx.msk [tilespmem:v3+s5+$0xFFFFFBB0 ss:$0x1], $0xffff  }
0x238: {  	v7 =	vld.idx.msk [tilespmem:v3+s5+$0xFFFFFBC0 ss:$0x1], $0xffff  }
0x239: {  	s31 =	sadd.s32 $0x800, s31;
	v8 =	vld.idx.msk [tilespmem:v3+s5+$0xFFFFFBD0 ss:$0x1], $0xffff  }
0x23a: {  	s6 =	sadd.s32 s29, s31;
	v9 =	vld.idx.msk [tilespmem:v3+s5+$0xFFFFFBE0 ss:$0x1], $0xffff  }
0x23b: {  	[tilespmem:s6+$0x470] =	vst.add.f32.msk $0xffff, v4  }
0x23c: {  	v4 =	vld.idx.msk [tilespmem:v3+s5+$0xFFFFFBF0 ss:$0x1], $0xffff  }
0x23d: {  	v10 =	vld.idx.msk [tilespmem:v3+s5+$0xFFFFFC00 ss:$0x1], $0xffff  }
0x23e: {  	v11 =	vld.idx.msk [tilespmem:v3+s5+$0xFFFFFF90 ss:$0x1], $0xffff  }
0x23f: {  	v12 =	vld.idx.msk [tilespmem:v3+s5+$0xFFFFFFA0 ss:$0x1], $0xffff  }
0x240: {  	v13 =	vld.idx.msk [tilespmem:v3+s5+$0xFFFFFFB0 ss:$0x1], $0xffff  }
0x241: {  	v14 =	vld.idx.msk [tilespmem:v3+s5+$0xFFFFFFC0 ss:$0x1], $0xffff  }
0x242: {  	v15 =	vld.idx.msk [tilespmem:v3+s5+$0xFFFFFFD0 ss:$0x1], $0xffff  }
0x243: {  	v16 =	vld.idx.msk [tilespmem:v3+s5+$0xFFFFFFE0 ss:$0x1], $0xffff  }
0x244: {  	v17 =	vld.idx.msk [tilespmem:v3+s5+$0xFFFFFFF0 ss:$0x1], $0xffff  }
0x245: {  	v18 =	vld.idx.msk [tilespmem:v3+s5+$0xFFFFFB90 ss:$0x1], $0xffff  }
0x246: {  	[tilespmem:s6+$0x10] =	vst.add.f32.msk $0xffff, v5  }
0x247: {  	[tilespmem:s6+$0x20] =	vst.add.f32.msk $0xffff, v6  }
0x248: {  	[tilespmem:s6+$0x30] =	vst.add.f32.msk $0xffff, v7  }
0x249: {  	[tilespmem:s6+$0x40] =	vst.add.f32.msk $0xffff, v8  }
0x24a: {  	[tilespmem:s6+$0x50] =	vst.add.f32.msk $0xffff, v9  }
0x24b: {  	[tilespmem:s6+$0x0] =	vst.add.f32.msk $0xffff, v18  }
0x24c: {  	[tilespmem:s6+$0x60] =	vst.add.f32.msk $0xffff, v4  }
0x24d: {  	[tilespmem:s6+$0x70] =	vst.add.f32.msk $0xffff, v10  }
0x24e: {  	[tilespmem:s6+$0x400] =	vst.add.f32.msk $0xffff, v11  }
0x24f: {  	[tilespmem:s6+$0x410] =	vst.add.f32.msk $0xffff, v12  }
.Ltmp8:
0x250: {  	[tilespmem:s6+$0x420] =	vst.add.f32.msk $0xffff, v13;
	(pc) =	sbr.rel @p0 .LBB2_19-.Ltmp8, $4  }
0x251: {  	[tilespmem:s6+$0x430] =	vst.add.f32.msk $0xffff, v14  }
0x252: {  	[tilespmem:s6+$0x440] =	vst.add.f32.msk $0xffff, v15  }
0x253: {  	[tilespmem:s6+$0x450] =	vst.add.f32.msk $0xffff, v16  }
0x254: {  	s5 =	sadd.s32 $0x800, s5;
	[tilespmem:s6+$0x460] =	vst.add.f32.msk $0xffff, v17  }
0x255: {  	s28 =	sadd.s32 $0x1, s28  }
0x256: {  	p0 =	sne.s32 s28, $0x10  }
.Ltmp9:
0x257: {  	_ = 	snop;
	(pc) =	sbr.rel @p0 .LBB2_18-.Ltmp9, $2  }
0x258: {  	_ =	sdelay $0x2  }
0x259: {  	s26 =	sadd.s32 $0x1, s26;
	s25 =	sadd.s32 $0x400, s25  }
0x25a: {  	s25 =	simm.s32 $0x0;
	s4 =	rddreg [dreg:$0xd]  }
0x25b: {  	[hbm4b:s4+s25] =	stream.linear.scatter [tilespmem:s2], [sflag:$0x8], $0x4000, $0x38;
	[tilespmem:$0x18800] =	vst v63  }
0x25c: {  	_ =	swait.ge [sflag:s23], $0x4000  }
0x25d: {  	[sflag:s23] =	ssyncset.done $0x0  }
0x25e: {  	[sflag:s23] =	ssyncadd.s32 $0xFFFFC000  }
0x25f: {  	v3 =	vld [tilespmem:$0x680];
	_ =	sdelay $0x4  }
0x260: {  	v4 =	vshll.u32 v3, $0x3  }
0x261: {  	v3 =	vand.u32 $0x7, v3;
	v4 =	vand.u32 $0xFFFFFFC0, v4  }
0x262: {  	v3 =	vor.u32 v3, v4  }
0x263: {  	v4 =	vperm.xlane v3, v0;
	_ =	sdelay $0x1  }
0x264: {  	v4 =	vadd.s32 v1, v4;
	_ =	sdelay $0x4  }
0x265: {  	[tilespmem:s30], [sflag:$0x7] =	stream.indirect_vreg.gather [hbm4b:s1+s25], $0x80, v4, vm0, $0xb8;
	[tilespmem:$0x18800] =	vst v63  }
0x266: {  	s6 =	simm.s32 $0x15000;
	v3 =	vperm.xlane v3, v2  }
0x267: {  	[tilespmem:s6], [sflag:$0x7] =	stream.indirect_vreg.gather [hbm4b:s7+s25], $0x80, v4, vm0, $0xb8;
	[tilespmem:$0x18800] =	vst v63  }
0x268: {  	s26 =	simm.s32 $0x15800;
	v3 =	vadd.s32 v1, v3  }
0x269: {  	[tilespmem:s26], [sflag:$0x7] =	stream.indirect_vreg.gather [hbm4b:s8+s25], $0x80, v4, vm0, $0xb8;
	[tilespmem:$0x18800] =	vst v63  }
0x26a: {  	s29 =	simm.s32 $0x16000  }
0x26b: {  	[tilespmem:s29], [sflag:$0x7] =	stream.indirect_vreg.gather [hbm4b:s9+s25], $0x80, v4, vm0, $0xb8;
	[tilespmem:$0x18800] =	vst v63  }
0x26c: {  	s31 =	simm.s32 $0x16800  }
0x26d: {  	[tilespmem:s31], [sflag:$0x7] =	stream.indirect_vreg.gather [hbm4b:s1+s25], $0x80, v3, vm0, $0xb8;
	[tilespmem:$0x18800] =	vst v63  }
0x26e: {  	_ = 	snop  }
0x26f: {  	[tilespmem:s11], [sflag:$0x7] =	stream.indirect_vreg.gather [hbm4b:s7+s25], $0x80, v3, vm0, $0xb8;
	[tilespmem:$0x18800] =	vst v63  }
0x270: {  	_ = 	snop  }
0x271: {  	[tilespmem:s12], [sflag:$0x7] =	stream.indirect_vreg.gather [hbm4b:s8+s25], $0x80, v3, vm0, $0xb8;
	[tilespmem:$0x18800] =	vst v63  }
0x272: {  	_ = 	snop  }
0x273: {  	[tilespmem:s14], [sflag:$0x7] =	stream.indirect_vreg.gather [hbm4b:s9+s25], $0x80, v3, vm0, $0xb8;
	[tilespmem:$0x18800] =	vst v63  }
0x274: {  	_ =	swait.ge [sflag:s15], $0x4000  }
0x275: {  	[sflag:s15] =	ssyncset.done $0x0  }
0x276: {  	s28 =	simm.s32 $0x0;
	s26 =	simm.s32 $0x0;
	[sflag:s15] =	ssyncadd.s32 $0xFFFFC000  }
.LBB2_22:
0x277: {  	s4 =	sand.u32 $0x7, s26  }
0x278: {  	s4 =	sshll.u32 s4, $0x9  }
0x279: {  	s29 =	sshrl.u32 s4, $0x2  }
0x27a: {  	v3 =	vmov s29;
	_ =	sdelay $0x2  }
0x27b: {  	s6 =	sand.u32 $0x3FFFE000, s25  }
0x27c: {  	s5 =	sadd.s32 $0x4C70, s6  }
0x27d: {  	v4 =	vld.idx.msk [tilespmem:v3+s5+$0x0 ss:$0x1], $0xffff  }
0x27e: {  	v5 =	vld.idx.msk [tilespmem:v3+s5+$0xFFFFFBA0 ss:$0x1], $0xffff  }
0x27f: {  	v6 =	vld.idx.msk [tilespmem:v3+s5+$0xFFFFFBB0 ss:$0x1], $0xffff  }
0x280: {  	v7 =	vld.idx.msk [tilespmem:v3+s5+$0xFFFFFBC0 ss:$0x1], $0xffff  }
0x281: {  	v8 =	vld.idx.msk [tilespmem:v3+s5+$0xFFFFFBD0 ss:$0x1], $0xffff  }
0x282: {  	v9 =	vld.idx.msk [tilespmem:v3+s5+$0xFFFFFBE0 ss:$0x1], $0xffff  }
0x283: {  	v10 =	vld.idx.msk [tilespmem:v3+s5+$0xFFFFFC00 ss:$0x1], $0xffff  }
0x284: {  	v11 =	vld.idx.msk [tilespmem:v3+s5+$0xFFFFFF90 ss:$0x1], $0xffff  }
0x285: {  	v12 =	vld.idx.msk [tilespmem:v3+s5+$0xFFFFFFA0 ss:$0x1], $0xffff  }
0x286: {  	v13 =	vld.idx.msk [tilespmem:v3+s5+$0xFFFFFFB0 ss:$0x1], $0xffff  }
0x287: {  	v14 =	vld.idx.msk [tilespmem:v3+s5+$0xFFFFFFC0 ss:$0x1], $0xffff  }
0x288: {  	v15 =	vld.idx.msk [tilespmem:v3+s5+$0xFFFFFFD0 ss:$0x1], $0xffff  }
0x289: {  	v16 =	vld.idx.msk [tilespmem:v3+s5+$0xFFFFFFE0 ss:$0x1], $0xffff  }
0x28a: {  	s31 =	sadd.s32 $0xC800, s6;
	v17 =	vld.idx.msk [tilespmem:v3+s5+$0xFFFFFFF0 ss:$0x1], $0xffff  }
0x28b: {  	s6 =	sadd.s32 s29, s31;
	v18 =	vld.idx.msk [tilespmem:v3+s5+$0xFFFFFB90 ss:$0x1], $0xffff  }
0x28c: {  	[tilespmem:s6+$0x470] =	vst.add.f32.msk $0xffff, v4  }
0x28d: {  	v4 =	vld.idx.msk [tilespmem:v3+s5+$0xFFFFFBF0 ss:$0x1], $0xffff  }
0x28e: {  	[tilespmem:s6+$0x10] =	vst.add.f32.msk $0xffff, v5  }
0x28f: {  	[tilespmem:s6+$0x20] =	vst.add.f32.msk $0xffff, v6  }
0x290: {  	[tilespmem:s6+$0x30] =	vst.add.f32.msk $0xffff, v7  }
0x291: {  	[tilespmem:s6+$0x40] =	vst.add.f32.msk $0xffff, v8  }
0x292: {  	[tilespmem:s6+$0x50] =	vst.add.f32.msk $0xffff, v9  }
0x293: {  	[tilespmem:s6+$0x0] =	vst.add.f32.msk $0xffff, v18  }
0x294: {  	[tilespmem:s6+$0x70] =	vst.add.f32.msk $0xffff, v10  }
0x295: {  	[tilespmem:s6+$0x400] =	vst.add.f32.msk $0xffff, v11  }
0x296: {  	[tilespmem:s6+$0x410] =	vst.add.f32.msk $0xffff, v12  }
0x297: {  	[tilespmem:s6+$0x420] =	vst.add.f32.msk $0xffff, v13  }
0x298: {  	[tilespmem:s6+$0x430] =	vst.add.f32.msk $0xffff, v14  }
0x299: {  	[tilespmem:s6+$0x440] =	vst.add.f32.msk $0xffff, v15  }
0x29a: {  	[tilespmem:s6+$0x450] =	vst.add.f32.msk $0xffff, v16  }
0x29b: {  	[tilespmem:s6+$0x460] =	vst.add.f32.msk $0xffff, v17  }
0x29c: {  	s4 =	simm.s32 $0x0;
	s5 =	sadd.s32 $0x800, s5;
	[tilespmem:s6+$0x60] =	vst.add.f32.msk $0xffff, v4  }
.LBB2_23:
0x29d: {  	v4 =	vld.idx.msk [tilespmem:v3+s5+$0x0 ss:$0x1], $0xffff;
	s4 =	sadd.s32 $0x10, s4  }
0x29e: {  	v5 =	vld.idx.msk [tilespmem:v3+s5+$0xFFFFFBA0 ss:$0x1], $0xffff;
	p0 =	slt.u32 s4, $0x30  }
0x29f: {  	v6 =	vld.idx.msk [tilespmem:v3+s5+$0xFFFFFBB0 ss:$0x1], $0xffff  }
0x2a0: {  	v7 =	vld.idx.msk [tilespmem:v3+s5+$0xFFFFFBC0 ss:$0x1], $0xffff  }
0x2a1: {  	s31 =	sadd.s32 $0x800, s31;
	v8 =	vld.idx.msk [tilespmem:v3+s5+$0xFFFFFBD0 ss:$0x1], $0xffff  }
0x2a2: {  	s6 =	sadd.s32 s29, s31;
	v9 =	vld.idx.msk [tilespmem:v3+s5+$0xFFFFFBE0 ss:$0x1], $0xffff  }
0x2a3: {  	[tilespmem:s6+$0x470] =	vst.add.f32.msk $0xffff, v4  }
0x2a4: {  	v4 =	vld.idx.msk [tilespmem:v3+s5+$0xFFFFFBF0 ss:$0x1], $0xffff  }
0x2a5: {  	v10 =	vld.idx.msk [tilespmem:v3+s5+$0xFFFFFC00 ss:$0x1], $0xffff  }
0x2a6: {  	v11 =	vld.idx.msk [tilespmem:v3+s5+$0xFFFFFF90 ss:$0x1], $0xffff  }
0x2a7: {  	v12 =	vld.idx.msk [tilespmem:v3+s5+$0xFFFFFFA0 ss:$0x1], $0xffff  }
0x2a8: {  	v13 =	vld.idx.msk [tilespmem:v3+s5+$0xFFFFFFB0 ss:$0x1], $0xffff  }
0x2a9: {  	v14 =	vld.idx.msk [tilespmem:v3+s5+$0xFFFFFFC0 ss:$0x1], $0xffff  }
0x2aa: {  	v15 =	vld.idx.msk [tilespmem:v3+s5+$0xFFFFFFD0 ss:$0x1], $0xffff  }
0x2ab: {  	v16 =	vld.idx.msk [tilespmem:v3+s5+$0xFFFFFFE0 ss:$0x1], $0xffff  }
0x2ac: {  	v17 =	vld.idx.msk [tilespmem:v3+s5+$0xFFFFFFF0 ss:$0x1], $0xffff  }
0x2ad: {  	v18 =	vld.idx.msk [tilespmem:v3+s5+$0xFFFFFB90 ss:$0x1], $0xffff  }
0x2ae: {  	[tilespmem:s6+$0x10] =	vst.add.f32.msk $0xffff, v5  }
0x2af: {  	[tilespmem:s6+$0x20] =	vst.add.f32.msk $0xffff, v6  }
0x2b0: {  	[tilespmem:s6+$0x30] =	vst.add.f32.msk $0xffff, v7  }
0x2b1: {  	[tilespmem:s6+$0x40] =	vst.add.f32.msk $0xffff, v8  }
0x2b2: {  	[tilespmem:s6+$0x50] =	vst.add.f32.msk $0xffff, v9  }
0x2b3: {  	[tilespmem:s6+$0x0] =	vst.add.f32.msk $0xffff, v18  }
0x2b4: {  	[tilespmem:s6+$0x60] =	vst.add.f32.msk $0xffff, v4  }
0x2b5: {  	[tilespmem:s6+$0x70] =	vst.add.f32.msk $0xffff, v10  }
0x2b6: {  	[tilespmem:s6+$0x400] =	vst.add.f32.msk $0xffff, v11  }
0x2b7: {  	[tilespmem:s6+$0x410] =	vst.add.f32.msk $0xffff, v12  }
.Ltmp10:
0x2b8: {  	[tilespmem:s6+$0x420] =	vst.add.f32.msk $0xffff, v13;
	(pc) =	sbr.rel @p0 .LBB2_23-.Ltmp10, $4  }
0x2b9: {  	[tilespmem:s6+$0x430] =	vst.add.f32.msk $0xffff, v14  }
0x2ba: {  	[tilespmem:s6+$0x440] =	vst.add.f32.msk $0xffff, v15  }
0x2bb: {  	[tilespmem:s6+$0x450] =	vst.add.f32.msk $0xffff, v16  }
0x2bc: {  	s5 =	sadd.s32 $0x800, s5;
	[tilespmem:s6+$0x460] =	vst.add.f32.msk $0xffff, v17  }
0x2bd: {  	s28 =	sadd.s32 $0x1, s28  }
0x2be: {  	p0 =	sne.s32 s28, $0x10  }
.Ltmp11:
0x2bf: {  	_ = 	snop;
	(pc) =	sbr.rel @p0 .LBB2_22-.Ltmp11, $2  }
0x2c0: {  	_ =	sdelay $0x2  }
0x2c1: {  	s26 =	sadd.s32 $0x1, s26;
	s25 =	sadd.s32 $0x400, s25  }
0x2c2: {  	s25 =	simm.s32 $0x0;
	s4 =	rddreg [dreg:$0xe]  }
0x2c3: {  	[hbm4b:s4+s25] =	stream.linear.scatter [tilespmem:s13], [sflag:$0x9], $0x4000, $0x38;
	[tilespmem:$0x18800] =	vst v63  }
0x2c4: {  	_ =	swait.ge [sflag:s16], $0x4000  }
0x2c5: {  	[sflag:s16] =	ssyncset.done $0x0  }
0x2c6: {  	[sflag:s16] =	ssyncadd.s32 $0xFFFFC000  }
0x2c7: {  	v3 =	vld [tilespmem:$0x100];
	_ =	sdelay $0x4  }
0x2c8: {  	v4 =	vshll.u32 v3, $0x3  }
0x2c9: {  	v3 =	vand.u32 $0x7, v3;
	v4 =	vand.u32 $0xFFFFFFC0, v4  }
0x2ca: {  	v3 =	vor.u32 v3, v4  }
0x2cb: {  	v4 =	vperm.xlane v3, v0;
	_ =	sdelay $0x1  }
0x2cc: {  	v4 =	vadd.s32 v1, v4;
	_ =	sdelay $0x4  }
0x2cd: {  	[tilespmem:s2], [sflag:$0x4] =	stream.indirect_vreg.gather [hbm4b:s1+s25], $0x80, v4, vm0, $0xb8;
	[tilespmem:$0x18800] =	vst v63  }
0x2ce: {  	s29 =	simm.s32 $0x9000;
	v3 =	vperm.xlane v3, v2  }
0x2cf: {  	[tilespmem:s29], [sflag:$0x4] =	stream.indirect_vreg.gather [hbm4b:s7+s25], $0x80, v4, vm0, $0xb8;
	[tilespmem:$0x18800] =	vst v63  }
0x2d0: {  	s31 =	simm.s32 $0x9800;
	v3 =	vadd.s32 v1, v3  }
0x2d1: {  	[tilespmem:s31], [sflag:$0x4] =	stream.indirect_vreg.gather [hbm4b:s8+s25], $0x80, v4, vm0, $0xb8;
	[tilespmem:$0x18800] =	vst v63  }
0x2d2: {  	s5 =	simm.s32 $0xA000  }
0x2d3: {  	[tilespmem:s5], [sflag:$0x4] =	stream.indirect_vreg.gather [hbm4b:s9+s25], $0x80, v4, vm0, $0xb8;
	[tilespmem:$0x18800] =	vst v63  }
0x2d4: {  	s6 =	simm.s32 $0xA800  }
0x2d5: {  	[tilespmem:s6], [sflag:$0x4] =	stream.indirect_vreg.gather [hbm4b:s1+s25], $0x80, v3, vm0, $0xb8;
	[tilespmem:$0x18800] =	vst v63  }
0x2d6: {  	s26 =	simm.s32 $0xB000  }
0x2d7: {  	[tilespmem:s26], [sflag:$0x4] =	stream.indirect_vreg.gather [hbm4b:s7+s25], $0x80, v3, vm0, $0xb8;
	[tilespmem:$0x18800] =	vst v63  }
0x2d8: {  	s29 =	simm.s32 $0xB800  }
0x2d9: {  	[tilespmem:s29], [sflag:$0x4] =	stream.indirect_vreg.gather [hbm4b:s8+s25], $0x80, v3, vm0, $0xb8;
	[tilespmem:$0x18800] =	vst v63  }
0x2da: {  	s31 =	simm.s32 $0xC000  }
0x2db: {  	[tilespmem:s31], [sflag:$0x4] =	stream.indirect_vreg.gather [hbm4b:s9+s25], $0x80, v3, vm0, $0xb8;
	[tilespmem:$0x18800] =	vst v63  }
0x2dc: {  	_ =	swait.ge [sflag:s17], $0x4000  }
0x2dd: {  	[sflag:s17] =	ssyncset.done $0x0  }
0x2de: {  	s28 =	simm.s32 $0x0;
	s26 =	simm.s32 $0x0;
	[sflag:s17] =	ssyncadd.s32 $0xFFFFC000  }
.LBB2_26:
0x2df: {  	s4 =	sand.u32 $0x7, s26  }
0x2e0: {  	s4 =	sshll.u32 s4, $0x9  }
0x2e1: {  	s29 =	sshrl.u32 s4, $0x2  }
0x2e2: {  	v3 =	vmov s29;
	_ =	sdelay $0x2  }
0x2e3: {  	s6 =	sand.u32 $0x3FFFE000, s25  }
0x2e4: {  	s5 =	sadd.s32 $0x4C70, s6  }
0x2e5: {  	v4 =	vld.idx.msk [tilespmem:v3+s5+$0x0 ss:$0x1], $0xffff  }
0x2e6: {  	v5 =	vld.idx.msk [tilespmem:v3+s5+$0xFFFFFBA0 ss:$0x1], $0xffff  }
0x2e7: {  	v6 =	vld.idx.msk [tilespmem:v3+s5+$0xFFFFFBB0 ss:$0x1], $0xffff  }
0x2e8: {  	v7 =	vld.idx.msk [tilespmem:v3+s5+$0xFFFFFBC0 ss:$0x1], $0xffff  }
0x2e9: {  	v8 =	vld.idx.msk [tilespmem:v3+s5+$0xFFFFFBD0 ss:$0x1], $0xffff  }
0x2ea: {  	v9 =	vld.idx.msk [tilespmem:v3+s5+$0xFFFFFBE0 ss:$0x1], $0xffff  }
0x2eb: {  	v10 =	vld.idx.msk [tilespmem:v3+s5+$0xFFFFFC00 ss:$0x1], $0xffff  }
0x2ec: {  	v11 =	vld.idx.msk [tilespmem:v3+s5+$0xFFFFFF90 ss:$0x1], $0xffff  }
0x2ed: {  	v12 =	vld.idx.msk [tilespmem:v3+s5+$0xFFFFFFA0 ss:$0x1], $0xffff  }
0x2ee: {  	v13 =	vld.idx.msk [tilespmem:v3+s5+$0xFFFFFFB0 ss:$0x1], $0xffff  }
0x2ef: {  	v14 =	vld.idx.msk [tilespmem:v3+s5+$0xFFFFFFC0 ss:$0x1], $0xffff  }
0x2f0: {  	v15 =	vld.idx.msk [tilespmem:v3+s5+$0xFFFFFFD0 ss:$0x1], $0xffff  }
0x2f1: {  	v16 =	vld.idx.msk [tilespmem:v3+s5+$0xFFFFFFE0 ss:$0x1], $0xffff  }
0x2f2: {  	s31 =	sadd.s32 $0x10800, s6;
	v17 =	vld.idx.msk [tilespmem:v3+s5+$0xFFFFFFF0 ss:$0x1], $0xffff  }
0x2f3: {  	s6 =	sadd.s32 s29, s31;
	v18 =	vld.idx.msk [tilespmem:v3+s5+$0xFFFFFB90 ss:$0x1], $0xffff  }
0x2f4: {  	[tilespmem:s6+$0x470] =	vst.add.f32.msk $0xffff, v4  }
0x2f5: {  	v4 =	vld.idx.msk [tilespmem:v3+s5+$0xFFFFFBF0 ss:$0x1], $0xffff  }
0x2f6: {  	[tilespmem:s6+$0x10] =	vst.add.f32.msk $0xffff, v5  }
0x2f7: {  	[tilespmem:s6+$0x20] =	vst.add.f32.msk $0xffff, v6  }
0x2f8: {  	[tilespmem:s6+$0x30] =	vst.add.f32.msk $0xffff, v7  }
0x2f9: {  	[tilespmem:s6+$0x40] =	vst.add.f32.msk $0xffff, v8  }
0x2fa: {  	[tilespmem:s6+$0x50] =	vst.add.f32.msk $0xffff, v9  }
0x2fb: {  	[tilespmem:s6+$0x0] =	vst.add.f32.msk $0xffff, v18  }
0x2fc: {  	[tilespmem:s6+$0x70] =	vst.add.f32.msk $0xffff, v10  }
0x2fd: {  	[tilespmem:s6+$0x400] =	vst.add.f32.msk $0xffff, v11  }
0x2fe: {  	[tilespmem:s6+$0x410] =	vst.add.f32.msk $0xffff, v12  }
0x2ff: {  	[tilespmem:s6+$0x420] =	vst.add.f32.msk $0xffff, v13  }
0x300: {  	[tilespmem:s6+$0x430] =	vst.add.f32.msk $0xffff, v14  }
0x301: {  	[tilespmem:s6+$0x440] =	vst.add.f32.msk $0xffff, v15  }
0x302: {  	[tilespmem:s6+$0x450] =	vst.add.f32.msk $0xffff, v16  }
0x303: {  	[tilespmem:s6+$0x460] =	vst.add.f32.msk $0xffff, v17  }
0x304: {  	s4 =	simm.s32 $0x0;
	s5 =	sadd.s32 $0x800, s5;
	[tilespmem:s6+$0x60] =	vst.add.f32.msk $0xffff, v4  }
.LBB2_27:
0x305: {  	v4 =	vld.idx.msk [tilespmem:v3+s5+$0x0 ss:$0x1], $0xffff;
	s4 =	sadd.s32 $0x10, s4  }
0x306: {  	v5 =	vld.idx.msk [tilespmem:v3+s5+$0xFFFFFBA0 ss:$0x1], $0xffff;
	p0 =	slt.u32 s4, $0x30  }
0x307: {  	v6 =	vld.idx.msk [tilespmem:v3+s5+$0xFFFFFBB0 ss:$0x1], $0xffff  }
0x308: {  	v7 =	vld.idx.msk [tilespmem:v3+s5+$0xFFFFFBC0 ss:$0x1], $0xffff  }
0x309: {  	s31 =	sadd.s32 $0x800, s31;
	v8 =	vld.idx.msk [tilespmem:v3+s5+$0xFFFFFBD0 ss:$0x1], $0xffff  }
0x30a: {  	s6 =	sadd.s32 s29, s31;
	v9 =	vld.idx.msk [tilespmem:v3+s5+$0xFFFFFBE0 ss:$0x1], $0xffff  }
0x30b: {  	[tilespmem:s6+$0x470] =	vst.add.f32.msk $0xffff, v4  }
0x30c: {  	v4 =	vld.idx.msk [tilespmem:v3+s5+$0xFFFFFBF0 ss:$0x1], $0xffff  }
0x30d: {  	v10 =	vld.idx.msk [tilespmem:v3+s5+$0xFFFFFC00 ss:$0x1], $0xffff  }
0x30e: {  	v11 =	vld.idx.msk [tilespmem:v3+s5+$0xFFFFFF90 ss:$0x1], $0xffff  }
0x30f: {  	v12 =	vld.idx.msk [tilespmem:v3+s5+$0xFFFFFFA0 ss:$0x1], $0xffff  }
0x310: {  	v13 =	vld.idx.msk [tilespmem:v3+s5+$0xFFFFFFB0 ss:$0x1], $0xffff  }
0x311: {  	v14 =	vld.idx.msk [tilespmem:v3+s5+$0xFFFFFFC0 ss:$0x1], $0xffff  }
0x312: {  	v15 =	vld.idx.msk [tilespmem:v3+s5+$0xFFFFFFD0 ss:$0x1], $0xffff  }
0x313: {  	v16 =	vld.idx.msk [tilespmem:v3+s5+$0xFFFFFFE0 ss:$0x1], $0xffff  }
0x314: {  	v17 =	vld.idx.msk [tilespmem:v3+s5+$0xFFFFFFF0 ss:$0x1], $0xffff  }
0x315: {  	v18 =	vld.idx.msk [tilespmem:v3+s5+$0xFFFFFB90 ss:$0x1], $0xffff  }
0x316: {  	[tilespmem:s6+$0x10] =	vst.add.f32.msk $0xffff, v5  }
0x317: {  	[tilespmem:s6+$0x20] =	vst.add.f32.msk $0xffff, v6  }
0x318: {  	[tilespmem:s6+$0x30] =	vst.add.f32.msk $0xffff, v7  }
0x319: {  	[tilespmem:s6+$0x40] =	vst.add.f32.msk $0xffff, v8  }
0x31a: {  	[tilespmem:s6+$0x50] =	vst.add.f32.msk $0xffff, v9  }
0x31b: {  	[tilespmem:s6+$0x0] =	vst.add.f32.msk $0xffff, v18  }
0x31c: {  	[tilespmem:s6+$0x60] =	vst.add.f32.msk $0xffff, v4  }
0x31d: {  	[tilespmem:s6+$0x70] =	vst.add.f32.msk $0xffff, v10  }
0x31e: {  	[tilespmem:s6+$0x400] =	vst.add.f32.msk $0xffff, v11  }
0x31f: {  	[tilespmem:s6+$0x410] =	vst.add.f32.msk $0xffff, v12  }
.Ltmp12:
0x320: {  	[tilespmem:s6+$0x420] =	vst.add.f32.msk $0xffff, v13;
	(pc) =	sbr.rel @p0 .LBB2_27-.Ltmp12, $4  }
0x321: {  	[tilespmem:s6+$0x430] =	vst.add.f32.msk $0xffff, v14  }
0x322: {  	[tilespmem:s6+$0x440] =	vst.add.f32.msk $0xffff, v15  }
0x323: {  	[tilespmem:s6+$0x450] =	vst.add.f32.msk $0xffff, v16  }
0x324: {  	s5 =	sadd.s32 $0x800, s5;
	[tilespmem:s6+$0x460] =	vst.add.f32.msk $0xffff, v17  }
0x325: {  	s28 =	sadd.s32 $0x1, s28  }
0x326: {  	p0 =	sne.s32 s28, $0x10  }
.Ltmp13:
0x327: {  	_ = 	snop;
	(pc) =	sbr.rel @p0 .LBB2_26-.Ltmp13, $2  }
0x328: {  	_ =	sdelay $0x2  }
0x329: {  	s26 =	sadd.s32 $0x1, s26;
	s25 =	sadd.s32 $0x400, s25  }
0x32a: {  	s25 =	simm.s32 $0x0;
	s4 =	rddreg [dreg:$0xf]  }
0x32b: {  	[hbm4b:s4+s25] =	stream.linear.scatter [tilespmem:s21], [sflag:$0xA], $0x4000, $0x38;
	[tilespmem:$0x18800] =	vst v63  }
0x32c: {  	_ =	swait.ge [sflag:s18], $0x4000  }
0x32d: {  	[sflag:s18] =	ssyncset.done $0x0  }
0x32e: {  	[sflag:s18] =	ssyncadd.s32 $0xFFFFC000  }
0x32f: {  	v3 =	vld [tilespmem:$0x300];
	_ =	sdelay $0x4  }
0x330: {  	v4 =	vshll.u32 v3, $0x3  }
0x331: {  	v3 =	vand.u32 $0x7, v3;
	v4 =	vand.u32 $0xFFFFFFC0, v4  }
0x332: {  	v3 =	vor.u32 v3, v4  }
0x333: {  	v4 =	vperm.xlane v3, v0;
	_ =	sdelay $0x1  }
0x334: {  	v4 =	vadd.s32 v1, v4;
	_ =	sdelay $0x4  }
0x335: {  	[tilespmem:s13], [sflag:$0x5] =	stream.indirect_vreg.gather [hbm4b:s1+s25], $0x80, v4, vm0, $0xb8;
	[tilespmem:$0x18800] =	vst v63  }
0x336: {  	s29 =	simm.s32 $0xD000;
	v3 =	vperm.xlane v3, v2  }
0x337: {  	[tilespmem:s29], [sflag:$0x5] =	stream.indirect_vreg.gather [hbm4b:s7+s25], $0x80, v4, vm0, $0xb8;
	[tilespmem:$0x18800] =	vst v63  }
0x338: {  	s31 =	simm.s32 $0xD800;
	v3 =	vadd.s32 v1, v3  }
0x339: {  	[tilespmem:s31], [sflag:$0x5] =	stream.indirect_vreg.gather [hbm4b:s8+s25], $0x80, v4, vm0, $0xb8;
	[tilespmem:$0x18800] =	vst v63  }
0x33a: {  	s5 =	simm.s32 $0xE000  }
0x33b: {  	[tilespmem:s5], [sflag:$0x5] =	stream.indirect_vreg.gather [hbm4b:s9+s25], $0x80, v4, vm0, $0xb8;
	[tilespmem:$0x18800] =	vst v63  }
0x33c: {  	s6 =	simm.s32 $0xE800  }
0x33d: {  	[tilespmem:s6], [sflag:$0x5] =	stream.indirect_vreg.gather [hbm4b:s1+s25], $0x80, v3, vm0, $0xb8;
	[tilespmem:$0x18800] =	vst v63  }
0x33e: {  	s26 =	simm.s32 $0xF000  }
0x33f: {  	[tilespmem:s26], [sflag:$0x5] =	stream.indirect_vreg.gather [hbm4b:s7+s25], $0x80, v3, vm0, $0xb8;
	[tilespmem:$0x18800] =	vst v63  }
0x340: {  	s29 =	simm.s32 $0xF800  }
0x341: {  	[tilespmem:s29], [sflag:$0x5] =	stream.indirect_vreg.gather [hbm4b:s8+s25], $0x80, v3, vm0, $0xb8;
	[tilespmem:$0x18800] =	vst v63  }
0x342: {  	s31 =	simm.s32 $0x10000  }
0x343: {  	[tilespmem:s31], [sflag:$0x5] =	stream.indirect_vreg.gather [hbm4b:s9+s25], $0x80, v3, vm0, $0xb8;
	[tilespmem:$0x18800] =	vst v63  }
0x344: {  	_ =	swait.ge [sflag:s19], $0x4000  }
0x345: {  	[sflag:s19] =	ssyncset.done $0x0  }
0x346: {  	s28 =	simm.s32 $0x0;
	s26 =	simm.s32 $0x0;
	[sflag:s19] =	ssyncadd.s32 $0xFFFFC000  }
.LBB2_30:
0x347: {  	s4 =	sand.u32 $0x7, s26  }
0x348: {  	s4 =	sshll.u32 s4, $0x9  }
0x349: {  	s29 =	sshrl.u32 s4, $0x2  }
0x34a: {  	v3 =	vmov s29;
	_ =	sdelay $0x2  }
0x34b: {  	s6 =	sand.u32 $0x3FFFE000, s25  }
0x34c: {  	s5 =	sadd.s32 $0x4C70, s6  }
0x34d: {  	v4 =	vld.idx.msk [tilespmem:v3+s5+$0x0 ss:$0x1], $0xffff  }
0x34e: {  	v5 =	vld.idx.msk [tilespmem:v3+s5+$0xFFFFFBA0 ss:$0x1], $0xffff  }
0x34f: {  	v6 =	vld.idx.msk [tilespmem:v3+s5+$0xFFFFFBB0 ss:$0x1], $0xffff  }
0x350: {  	v7 =	vld.idx.msk [tilespmem:v3+s5+$0xFFFFFBC0 ss:$0x1], $0xffff  }
0x351: {  	v8 =	vld.idx.msk [tilespmem:v3+s5+$0xFFFFFBD0 ss:$0x1], $0xffff  }
0x352: {  	v9 =	vld.idx.msk [tilespmem:v3+s5+$0xFFFFFBE0 ss:$0x1], $0xffff  }
0x353: {  	v10 =	vld.idx.msk [tilespmem:v3+s5+$0xFFFFFC00 ss:$0x1], $0xffff  }
0x354: {  	v11 =	vld.idx.msk [tilespmem:v3+s5+$0xFFFFFF90 ss:$0x1], $0xffff  }
0x355: {  	v12 =	vld.idx.msk [tilespmem:v3+s5+$0xFFFFFFA0 ss:$0x1], $0xffff  }
0x356: {  	v13 =	vld.idx.msk [tilespmem:v3+s5+$0xFFFFFFB0 ss:$0x1], $0xffff  }
0x357: {  	v14 =	vld.idx.msk [tilespmem:v3+s5+$0xFFFFFFC0 ss:$0x1], $0xffff  }
0x358: {  	v15 =	vld.idx.msk [tilespmem:v3+s5+$0xFFFFFFD0 ss:$0x1], $0xffff  }
0x359: {  	v16 =	vld.idx.msk [tilespmem:v3+s5+$0xFFFFFFE0 ss:$0x1], $0xffff  }
0x35a: {  	s31 =	sadd.s32 $0x14800, s6;
	v17 =	vld.idx.msk [tilespmem:v3+s5+$0xFFFFFFF0 ss:$0x1], $0xffff  }
0x35b: {  	s6 =	sadd.s32 s29, s31;
	v18 =	vld.idx.msk [tilespmem:v3+s5+$0xFFFFFB90 ss:$0x1], $0xffff  }
0x35c: {  	[tilespmem:s6+$0x470] =	vst.add.f32.msk $0xffff, v4  }
0x35d: {  	v4 =	vld.idx.msk [tilespmem:v3+s5+$0xFFFFFBF0 ss:$0x1], $0xffff  }
0x35e: {  	[tilespmem:s6+$0x10] =	vst.add.f32.msk $0xffff, v5  }
0x35f: {  	[tilespmem:s6+$0x20] =	vst.add.f32.msk $0xffff, v6  }
0x360: {  	[tilespmem:s6+$0x30] =	vst.add.f32.msk $0xffff, v7  }
0x361: {  	[tilespmem:s6+$0x40] =	vst.add.f32.msk $0xffff, v8  }
0x362: {  	[tilespmem:s6+$0x50] =	vst.add.f32.msk $0xffff, v9  }
0x363: {  	[tilespmem:s6+$0x0] =	vst.add.f32.msk $0xffff, v18  }
0x364: {  	[tilespmem:s6+$0x70] =	vst.add.f32.msk $0xffff, v10  }
0x365: {  	[tilespmem:s6+$0x400] =	vst.add.f32.msk $0xffff, v11  }
0x366: {  	[tilespmem:s6+$0x410] =	vst.add.f32.msk $0xffff, v12  }
0x367: {  	[tilespmem:s6+$0x420] =	vst.add.f32.msk $0xffff, v13  }
0x368: {  	[tilespmem:s6+$0x430] =	vst.add.f32.msk $0xffff, v14  }
0x369: {  	[tilespmem:s6+$0x440] =	vst.add.f32.msk $0xffff, v15  }
0x36a: {  	[tilespmem:s6+$0x450] =	vst.add.f32.msk $0xffff, v16  }
0x36b: {  	[tilespmem:s6+$0x460] =	vst.add.f32.msk $0xffff, v17  }
0x36c: {  	s4 =	simm.s32 $0x0;
	s5 =	sadd.s32 $0x800, s5;
	[tilespmem:s6+$0x60] =	vst.add.f32.msk $0xffff, v4  }
.LBB2_31:
0x36d: {  	v4 =	vld.idx.msk [tilespmem:v3+s5+$0x0 ss:$0x1], $0xffff;
	s4 =	sadd.s32 $0x10, s4  }
0x36e: {  	v5 =	vld.idx.msk [tilespmem:v3+s5+$0xFFFFFBA0 ss:$0x1], $0xffff;
	p0 =	slt.u32 s4, $0x30  }
0x36f: {  	v6 =	vld.idx.msk [tilespmem:v3+s5+$0xFFFFFBB0 ss:$0x1], $0xffff  }
0x370: {  	v7 =	vld.idx.msk [tilespmem:v3+s5+$0xFFFFFBC0 ss:$0x1], $0xffff  }
0x371: {  	s31 =	sadd.s32 $0x800, s31;
	v8 =	vld.idx.msk [tilespmem:v3+s5+$0xFFFFFBD0 ss:$0x1], $0xffff  }
0x372: {  	s6 =	sadd.s32 s29, s31;
	v9 =	vld.idx.msk [tilespmem:v3+s5+$0xFFFFFBE0 ss:$0x1], $0xffff  }
0x373: {  	[tilespmem:s6+$0x470] =	vst.add.f32.msk $0xffff, v4  }
0x374: {  	v4 =	vld.idx.msk [tilespmem:v3+s5+$0xFFFFFBF0 ss:$0x1], $0xffff  }
0x375: {  	v10 =	vld.idx.msk [tilespmem:v3+s5+$0xFFFFFC00 ss:$0x1], $0xffff  }
0x376: {  	v11 =	vld.idx.msk [tilespmem:v3+s5+$0xFFFFFF90 ss:$0x1], $0xffff  }
0x377: {  	v12 =	vld.idx.msk [tilespmem:v3+s5+$0xFFFFFFA0 ss:$0x1], $0xffff  }
0x378: {  	v13 =	vld.idx.msk [tilespmem:v3+s5+$0xFFFFFFB0 ss:$0x1], $0xffff  }
0x379: {  	v14 =	vld.idx.msk [tilespmem:v3+s5+$0xFFFFFFC0 ss:$0x1], $0xffff  }
0x37a: {  	v15 =	vld.idx.msk [tilespmem:v3+s5+$0xFFFFFFD0 ss:$0x1], $0xffff  }
0x37b: {  	v16 =	vld.idx.msk [tilespmem:v3+s5+$0xFFFFFFE0 ss:$0x1], $0xffff  }
0x37c: {  	v17 =	vld.idx.msk [tilespmem:v3+s5+$0xFFFFFFF0 ss:$0x1], $0xffff  }
0x37d: {  	v18 =	vld.idx.msk [tilespmem:v3+s5+$0xFFFFFB90 ss:$0x1], $0xffff  }
0x37e: {  	[tilespmem:s6+$0x10] =	vst.add.f32.msk $0xffff, v5  }
0x37f: {  	[tilespmem:s6+$0x20] =	vst.add.f32.msk $0xffff, v6  }
0x380: {  	[tilespmem:s6+$0x30] =	vst.add.f32.msk $0xffff, v7  }
0x381: {  	[tilespmem:s6+$0x40] =	vst.add.f32.msk $0xffff, v8  }
0x382: {  	[tilespmem:s6+$0x50] =	vst.add.f32.msk $0xffff, v9  }
0x383: {  	[tilespmem:s6+$0x0] =	vst.add.f32.msk $0xffff, v18  }
0x384: {  	[tilespmem:s6+$0x60] =	vst.add.f32.msk $0xffff, v4  }
0x385: {  	[tilespmem:s6+$0x70] =	vst.add.f32.msk $0xffff, v10  }
0x386: {  	[tilespmem:s6+$0x400] =	vst.add.f32.msk $0xffff, v11  }
0x387: {  	[tilespmem:s6+$0x410] =	vst.add.f32.msk $0xffff, v12  }
.Ltmp14:
0x388: {  	[tilespmem:s6+$0x420] =	vst.add.f32.msk $0xffff, v13;
	(pc) =	sbr.rel @p0 .LBB2_31-.Ltmp14, $4  }
0x389: {  	[tilespmem:s6+$0x430] =	vst.add.f32.msk $0xffff, v14  }
0x38a: {  	[tilespmem:s6+$0x440] =	vst.add.f32.msk $0xffff, v15  }
0x38b: {  	[tilespmem:s6+$0x450] =	vst.add.f32.msk $0xffff, v16  }
0x38c: {  	s5 =	sadd.s32 $0x800, s5;
	[tilespmem:s6+$0x460] =	vst.add.f32.msk $0xffff, v17  }
0x38d: {  	s28 =	sadd.s32 $0x1, s28  }
0x38e: {  	p0 =	sne.s32 s28, $0x10  }
.Ltmp15:
0x38f: {  	_ = 	snop;
	(pc) =	sbr.rel @p0 .LBB2_30-.Ltmp15, $2  }
0x390: {  	_ =	sdelay $0x2  }
0x391: {  	s26 =	sadd.s32 $0x1, s26;
	s25 =	sadd.s32 $0x400, s25  }
0x392: {  	s25 =	simm.s32 $0x0;
	s4 =	rddreg [dreg:$0x10]  }
0x393: {  	[hbm4b:s4+s25] =	stream.linear.scatter [tilespmem:s30], [sflag:$0xB], $0x4000, $0x38;
	[tilespmem:$0x18800] =	vst v63  }
0x394: {  	_ =	swait.ge [sflag:s20], $0x4000  }
0x395: {  	[sflag:s20] =	ssyncset.done $0x0  }
0x396: {  	[sflag:s20] =	ssyncadd.s32 $0xFFFFC000  }
0x397: {  	v3 =	vld [tilespmem:$0x500];
	_ =	sdelay $0x4  }
0x398: {  	v4 =	vshll.u32 v3, $0x3  }
0x399: {  	v3 =	vand.u32 $0x7, v3;
	v4 =	vand.u32 $0xFFFFFFC0, v4  }
0x39a: {  	v3 =	vor.u32 v3, v4  }
0x39b: {  	v4 =	vperm.xlane v3, v0;
	_ =	sdelay $0x1  }
0x39c: {  	v4 =	vadd.s32 v1, v4;
	_ =	sdelay $0x4  }
0x39d: {  	[tilespmem:s21], [sflag:$0x6] =	stream.indirect_vreg.gather [hbm4b:s1+s25], $0x80, v4, vm0, $0xb8;
	[tilespmem:$0x18800] =	vst v63  }
0x39e: {  	s26 =	simm.s32 $0x11000;
	v3 =	vperm.xlane v3, v2  }
0x39f: {  	[tilespmem:s26], [sflag:$0x6] =	stream.indirect_vreg.gather [hbm4b:s7+s25], $0x80, v4, vm0, $0xb8;
	[tilespmem:$0x18800] =	vst v63  }
0x3a0: {  	s29 =	simm.s32 $0x11800;
	v3 =	vadd.s32 v1, v3  }
0x3a1: {  	[tilespmem:s29], [sflag:$0x6] =	stream.indirect_vreg.gather [hbm4b:s8+s25], $0x80, v4, vm0, $0xb8;
	[tilespmem:$0x18800] =	vst v63  }
0x3a2: {  	s31 =	simm.s32 $0x12000  }
0x3a3: {  	[tilespmem:s31], [sflag:$0x6] =	stream.indirect_vreg.gather [hbm4b:s9+s25], $0x80, v4, vm0, $0xb8;
	[tilespmem:$0x18800] =	vst v63  }
0x3a4: {  	s5 =	simm.s32 $0x12800  }
0x3a5: {  	[tilespmem:s5], [sflag:$0x6] =	stream.indirect_vreg.gather [hbm4b:s1+s25], $0x80, v3, vm0, $0xb8;
	[tilespmem:$0x18800] =	vst v63  }
0x3a6: {  	s6 =	simm.s32 $0x13000  }
0x3a7: {  	[tilespmem:s6], [sflag:$0x6] =	stream.indirect_vreg.gather [hbm4b:s7+s25], $0x80, v3, vm0, $0xb8;
	[tilespmem:$0x18800] =	vst v63  }
0x3a8: {  	s26 =	simm.s32 $0x13800  }
0x3a9: {  	[tilespmem:s26], [sflag:$0x6] =	stream.indirect_vreg.gather [hbm4b:s8+s25], $0x80, v3, vm0, $0xb8;
	[tilespmem:$0x18800] =	vst v63  }
0x3aa: {  	s29 =	simm.s32 $0x14000  }
0x3ab: {  	[tilespmem:s29], [sflag:$0x6] =	stream.indirect_vreg.gather [hbm4b:s9+s25], $0x80, v3, vm0, $0xb8;
	[tilespmem:$0x18800] =	vst v63  }
0x3ac: {  	_ =	swait.ge [sflag:s10], $0x4000  }
0x3ad: {  	[sflag:s10] =	ssyncset.done $0x0  }
0x3ae: {  	s5 =	simm.s32 $0x4800;
	s31 =	rddreg [dreg:$0x11];
	[sflag:s10] =	ssyncadd.s32 $0xFFFFC000  }
0x3af: {  	[tilespmem:s5], [sflag:$0x3] =	stream.linear.gather [hbm4b:s31+s25], $0x4000, $0x38;
	[tilespmem:$0x18800] =	vst v63  }
0x3b0: {  	_ =	swait.ge [sflag:s0], $0x4000  }
0x3b1: {  	[sflag:s0] =	ssyncset.done $0x0  }
0x3b2: {  	s28 =	simm.s32 $0x0;
	s26 =	simm.s32 $0x0;
	[sflag:s0] =	ssyncadd.s32 $0xFFFFC000  }
.LBB2_34:
0x3b3: {  	s4 =	sand.u32 $0x7, s26  }
0x3b4: {  	s4 =	sshll.u32 s4, $0x9  }
0x3b5: {  	s29 =	sshrl.u32 s4, $0x2  }
0x3b6: {  	v3 =	vmov s29;
	_ =	sdelay $0x2  }
0x3b7: {  	s6 =	sand.u32 $0x3FFFE000, s25  }
0x3b8: {  	s5 =	sor.u32 $0xC70, s6  }
0x3b9: {  	v4 =	vld.idx.msk [tilespmem:v3+s5+$0x0 ss:$0x1], $0xffff  }
0x3ba: {  	v5 =	vld.idx.msk [tilespmem:v3+s5+$0xFFFFFBA0 ss:$0x1], $0xffff  }
0x3bb: {  	v6 =	vld.idx.msk [tilespmem:v3+s5+$0xFFFFFBB0 ss:$0x1], $0xffff  }
0x3bc: {  	v7 =	vld.idx.msk [tilespmem:v3+s5+$0xFFFFFBC0 ss:$0x1], $0xffff  }
0x3bd: {  	v8 =	vld.idx.msk [tilespmem:v3+s5+$0xFFFFFBD0 ss:$0x1], $0xffff  }
0x3be: {  	v9 =	vld.idx.msk [tilespmem:v3+s5+$0xFFFFFBE0 ss:$0x1], $0xffff  }
0x3bf: {  	v10 =	vld.idx.msk [tilespmem:v3+s5+$0xFFFFFC00 ss:$0x1], $0xffff  }
0x3c0: {  	v11 =	vld.idx.msk [tilespmem:v3+s5+$0xFFFFFF90 ss:$0x1], $0xffff  }
0x3c1: {  	v12 =	vld.idx.msk [tilespmem:v3+s5+$0xFFFFFFA0 ss:$0x1], $0xffff  }
0x3c2: {  	v13 =	vld.idx.msk [tilespmem:v3+s5+$0xFFFFFFB0 ss:$0x1], $0xffff  }
0x3c3: {  	v14 =	vld.idx.msk [tilespmem:v3+s5+$0xFFFFFFC0 ss:$0x1], $0xffff  }
0x3c4: {  	v15 =	vld.idx.msk [tilespmem:v3+s5+$0xFFFFFFD0 ss:$0x1], $0xffff  }
0x3c5: {  	v16 =	vld.idx.msk [tilespmem:v3+s5+$0xFFFFFFE0 ss:$0x1], $0xffff  }
0x3c6: {  	s31 =	sadd.s32 $0x8800, s6;
	v17 =	vld.idx.msk [tilespmem:v3+s5+$0xFFFFFFF0 ss:$0x1], $0xffff  }
0x3c7: {  	s6 =	sadd.s32 s29, s31;
	v18 =	vld.idx.msk [tilespmem:v3+s5+$0xFFFFFB90 ss:$0x1], $0xffff  }
0x3c8: {  	[tilespmem:s6+$0x470] =	vst.add.f32.msk $0xffff, v4  }
0x3c9: {  	v4 =	vld.idx.msk [tilespmem:v3+s5+$0xFFFFFBF0 ss:$0x1], $0xffff  }
0x3ca: {  	[tilespmem:s6+$0x10] =	vst.add.f32.msk $0xffff, v5  }
0x3cb: {  	[tilespmem:s6+$0x20] =	vst.add.f32.msk $0xffff, v6  }
0x3cc: {  	[tilespmem:s6+$0x30] =	vst.add.f32.msk $0xffff, v7  }
0x3cd: {  	[tilespmem:s6+$0x40] =	vst.add.f32.msk $0xffff, v8  }
0x3ce: {  	[tilespmem:s6+$0x50] =	vst.add.f32.msk $0xffff, v9  }
0x3cf: {  	[tilespmem:s6+$0x0] =	vst.add.f32.msk $0xffff, v18  }
0x3d0: {  	[tilespmem:s6+$0x70] =	vst.add.f32.msk $0xffff, v10  }
0x3d1: {  	[tilespmem:s6+$0x400] =	vst.add.f32.msk $0xffff, v11  }
0x3d2: {  	[tilespmem:s6+$0x410] =	vst.add.f32.msk $0xffff, v12  }
0x3d3: {  	[tilespmem:s6+$0x420] =	vst.add.f32.msk $0xffff, v13  }
0x3d4: {  	[tilespmem:s6+$0x430] =	vst.add.f32.msk $0xffff, v14  }
0x3d5: {  	[tilespmem:s6+$0x440] =	vst.add.f32.msk $0xffff, v15  }
0x3d6: {  	[tilespmem:s6+$0x450] =	vst.add.f32.msk $0xffff, v16  }
0x3d7: {  	[tilespmem:s6+$0x460] =	vst.add.f32.msk $0xffff, v17  }
0x3d8: {  	s4 =	simm.s32 $0x0;
	s5 =	sadd.s32 $0x800, s5;
	[tilespmem:s6+$0x60] =	vst.add.f32.msk $0xffff, v4  }
.LBB2_35:
0x3d9: {  	v4 =	vld.idx.msk [tilespmem:v3+s5+$0x0 ss:$0x1], $0xffff;
	s4 =	sadd.s32 $0x10, s4  }
0x3da: {  	v5 =	vld.idx.msk [tilespmem:v3+s5+$0xFFFFFBA0 ss:$0x1], $0xffff;
	p0 =	slt.u32 s4, $0x30  }
0x3db: {  	v6 =	vld.idx.msk [tilespmem:v3+s5+$0xFFFFFBB0 ss:$0x1], $0xffff  }
0x3dc: {  	v7 =	vld.idx.msk [tilespmem:v3+s5+$0xFFFFFBC0 ss:$0x1], $0xffff  }
0x3dd: {  	s31 =	sadd.s32 $0x800, s31;
	v8 =	vld.idx.msk [tilespmem:v3+s5+$0xFFFFFBD0 ss:$0x1], $0xffff  }
0x3de: {  	s6 =	sadd.s32 s29, s31;
	v9 =	vld.idx.msk [tilespmem:v3+s5+$0xFFFFFBE0 ss:$0x1], $0xffff  }
0x3df: {  	[tilespmem:s6+$0x470] =	vst.add.f32.msk $0xffff, v4  }
0x3e0: {  	v4 =	vld.idx.msk [tilespmem:v3+s5+$0xFFFFFBF0 ss:$0x1], $0xffff  }
0x3e1: {  	v10 =	vld.idx.msk [tilespmem:v3+s5+$0xFFFFFC00 ss:$0x1], $0xffff  }
0x3e2: {  	v11 =	vld.idx.msk [tilespmem:v3+s5+$0xFFFFFF90 ss:$0x1], $0xffff  }
0x3e3: {  	v12 =	vld.idx.msk [tilespmem:v3+s5+$0xFFFFFFA0 ss:$0x1], $0xffff  }
0x3e4: {  	v13 =	vld.idx.msk [tilespmem:v3+s5+$0xFFFFFFB0 ss:$0x1], $0xffff  }
0x3e5: {  	v14 =	vld.idx.msk [tilespmem:v3+s5+$0xFFFFFFC0 ss:$0x1], $0xffff  }
0x3e6: {  	v15 =	vld.idx.msk [tilespmem:v3+s5+$0xFFFFFFD0 ss:$0x1], $0xffff  }
0x3e7: {  	v16 =	vld.idx.msk [tilespmem:v3+s5+$0xFFFFFFE0 ss:$0x1], $0xffff  }
0x3e8: {  	v17 =	vld.idx.msk [tilespmem:v3+s5+$0xFFFFFFF0 ss:$0x1], $0xffff  }
0x3e9: {  	v18 =	vld.idx.msk [tilespmem:v3+s5+$0xFFFFFB90 ss:$0x1], $0xffff  }
0x3ea: {  	[tilespmem:s6+$0x10] =	vst.add.f32.msk $0xffff, v5  }
0x3eb: {  	[tilespmem:s6+$0x20] =	vst.add.f32.msk $0xffff, v6  }
0x3ec: {  	[tilespmem:s6+$0x30] =	vst.add.f32.msk $0xffff, v7  }
0x3ed: {  	[tilespmem:s6+$0x40] =	vst.add.f32.msk $0xffff, v8  }
0x3ee: {  	[tilespmem:s6+$0x50] =	vst.add.f32.msk $0xffff, v9  }
0x3ef: {  	[tilespmem:s6+$0x0] =	vst.add.f32.msk $0xffff, v18  }
0x3f0: {  	[tilespmem:s6+$0x60] =	vst.add.f32.msk $0xffff, v4  }
0x3f1: {  	[tilespmem:s6+$0x70] =	vst.add.f32.msk $0xffff, v10  }
0x3f2: {  	[tilespmem:s6+$0x400] =	vst.add.f32.msk $0xffff, v11  }
0x3f3: {  	[tilespmem:s6+$0x410] =	vst.add.f32.msk $0xffff, v12  }
.Ltmp16:
0x3f4: {  	[tilespmem:s6+$0x420] =	vst.add.f32.msk $0xffff, v13;
	(pc) =	sbr.rel @p0 .LBB2_35-.Ltmp16, $4  }
0x3f5: {  	[tilespmem:s6+$0x430] =	vst.add.f32.msk $0xffff, v14  }
0x3f6: {  	[tilespmem:s6+$0x440] =	vst.add.f32.msk $0xffff, v15  }
0x3f7: {  	[tilespmem:s6+$0x450] =	vst.add.f32.msk $0xffff, v16  }
0x3f8: {  	s5 =	sadd.s32 $0x800, s5;
	[tilespmem:s6+$0x460] =	vst.add.f32.msk $0xffff, v17  }
0x3f9: {  	s28 =	sadd.s32 $0x1, s28  }
0x3fa: {  	p0 =	sne.s32 s28, $0x10  }
.Ltmp17:
0x3fb: {  	_ = 	snop;
	(pc) =	sbr.rel @p0 .LBB2_34-.Ltmp17, $2  }
0x3fc: {  	_ =	sdelay $0x2  }
0x3fd: {  	s26 =	sadd.s32 $0x1, s26;
	s25 =	sadd.s32 $0x400, s25  }
0x3fe: {  	s25 =	simm.s32 $0x0;
	s4 =	rddreg [dreg:$0x12]  }
0x3ff: {  	[hbm4b:s4+s25] =	stream.linear.scatter [tilespmem:s2], [sflag:$0x8], $0x4000, $0x38;
	[tilespmem:$0x18800] =	vst v63  }
0x400: {  	_ =	swait.ge [sflag:s23], $0x4000  }
0x401: {  	[sflag:s23] =	ssyncset.done $0x0  }
0x402: {  	[sflag:s23] =	ssyncadd.s32 $0xFFFFC000  }
0x403: {  	v3 =	vld [tilespmem:$0x700];
	_ =	sdelay $0x4  }
0x404: {  	v4 =	vshll.u32 v3, $0x3  }
0x405: {  	v3 =	vand.u32 $0x7, v3;
	v4 =	vand.u32 $0xFFFFFFC0, v4  }
0x406: {  	v3 =	vor.u32 v3, v4  }
0x407: {  	v4 =	vperm.xlane v3, v0;
	_ =	sdelay $0x1  }
0x408: {  	v4 =	vadd.s32 v1, v4;
	_ =	sdelay $0x4  }
0x409: {  	[tilespmem:s30], [sflag:$0x7] =	stream.indirect_vreg.gather [hbm4b:s1+s25], $0x80, v4, vm0, $0xb8;
	[tilespmem:$0x18800] =	vst v63  }
0x40a: {  	s6 =	simm.s32 $0x15000;
	v3 =	vperm.xlane v3, v2  }
0x40b: {  	[tilespmem:s6], [sflag:$0x7] =	stream.indirect_vreg.gather [hbm4b:s7+s25], $0x80, v4, vm0, $0xb8;
	[tilespmem:$0x18800] =	vst v63  }
0x40c: {  	s26 =	simm.s32 $0x15800;
	v3 =	vadd.s32 v1, v3  }
0x40d: {  	[tilespmem:s26], [sflag:$0x7] =	stream.indirect_vreg.gather [hbm4b:s8+s25], $0x80, v4, vm0, $0xb8;
	[tilespmem:$0x18800] =	vst v63  }
0x40e: {  	s29 =	simm.s32 $0x16000  }
0x40f: {  	[tilespmem:s29], [sflag:$0x7] =	stream.indirect_vreg.gather [hbm4b:s9+s25], $0x80, v4, vm0, $0xb8;
	[tilespmem:$0x18800] =	vst v63  }
0x410: {  	s31 =	simm.s32 $0x16800  }
0x411: {  	[tilespmem:s31], [sflag:$0x7] =	stream.indirect_vreg.gather [hbm4b:s1+s25], $0x80, v3, vm0, $0xb8;
	[tilespmem:$0x18800] =	vst v63  }
0x412: {  	_ = 	snop  }
0x413: {  	[tilespmem:s11], [sflag:$0x7] =	stream.indirect_vreg.gather [hbm4b:s7+s25], $0x80, v3, vm0, $0xb8;
	[tilespmem:$0x18800] =	vst v63  }
0x414: {  	_ = 	snop  }
0x415: {  	[tilespmem:s12], [sflag:$0x7] =	stream.indirect_vreg.gather [hbm4b:s8+s25], $0x80, v3, vm0, $0xb8;
	[tilespmem:$0x18800] =	vst v63  }
0x416: {  	_ = 	snop  }
0x417: {  	[tilespmem:s14], [sflag:$0x7] =	stream.indirect_vreg.gather [hbm4b:s9+s25], $0x80, v3, vm0, $0xb8;
	[tilespmem:$0x18800] =	vst v63  }
0x418: {  	_ =	swait.ge [sflag:s15], $0x4000  }
0x419: {  	[sflag:s15] =	ssyncset.done $0x0  }
0x41a: {  	s28 =	simm.s32 $0x0;
	s26 =	simm.s32 $0x0;
	[sflag:s15] =	ssyncadd.s32 $0xFFFFC000  }
.LBB2_38:
0x41b: {  	s4 =	sand.u32 $0x7, s26  }
0x41c: {  	s4 =	sshll.u32 s4, $0x9  }
0x41d: {  	s29 =	sshrl.u32 s4, $0x2  }
0x41e: {  	v3 =	vmov s29;
	_ =	sdelay $0x2  }
0x41f: {  	s6 =	sand.u32 $0x3FFFE000, s25  }
0x420: {  	s5 =	sor.u32 $0xC70, s6  }
0x421: {  	v4 =	vld.idx.msk [tilespmem:v3+s5+$0x0 ss:$0x1], $0xffff  }
0x422: {  	v5 =	vld.idx.msk [tilespmem:v3+s5+$0xFFFFFBA0 ss:$0x1], $0xffff  }
0x423: {  	v6 =	vld.idx.msk [tilespmem:v3+s5+$0xFFFFFBB0 ss:$0x1], $0xffff  }
0x424: {  	v7 =	vld.idx.msk [tilespmem:v3+s5+$0xFFFFFBC0 ss:$0x1], $0xffff  }
0x425: {  	v8 =	vld.idx.msk [tilespmem:v3+s5+$0xFFFFFBD0 ss:$0x1], $0xffff  }
0x426: {  	v9 =	vld.idx.msk [tilespmem:v3+s5+$0xFFFFFBE0 ss:$0x1], $0xffff  }
0x427: {  	v10 =	vld.idx.msk [tilespmem:v3+s5+$0xFFFFFC00 ss:$0x1], $0xffff  }
0x428: {  	v11 =	vld.idx.msk [tilespmem:v3+s5+$0xFFFFFF90 ss:$0x1], $0xffff  }
0x429: {  	v12 =	vld.idx.msk [tilespmem:v3+s5+$0xFFFFFFA0 ss:$0x1], $0xffff  }
0x42a: {  	v13 =	vld.idx.msk [tilespmem:v3+s5+$0xFFFFFFB0 ss:$0x1], $0xffff  }
0x42b: {  	v14 =	vld.idx.msk [tilespmem:v3+s5+$0xFFFFFFC0 ss:$0x1], $0xffff  }
0x42c: {  	v15 =	vld.idx.msk [tilespmem:v3+s5+$0xFFFFFFD0 ss:$0x1], $0xffff  }
0x42d: {  	v16 =	vld.idx.msk [tilespmem:v3+s5+$0xFFFFFFE0 ss:$0x1], $0xffff  }
0x42e: {  	s31 =	sadd.s32 $0xC800, s6;
	v17 =	vld.idx.msk [tilespmem:v3+s5+$0xFFFFFFF0 ss:$0x1], $0xffff  }
0x42f: {  	s6 =	sadd.s32 s29, s31;
	v18 =	vld.idx.msk [tilespmem:v3+s5+$0xFFFFFB90 ss:$0x1], $0xffff  }
0x430: {  	[tilespmem:s6+$0x470] =	vst.add.f32.msk $0xffff, v4  }
0x431: {  	v4 =	vld.idx.msk [tilespmem:v3+s5+$0xFFFFFBF0 ss:$0x1], $0xffff  }
0x432: {  	[tilespmem:s6+$0x10] =	vst.add.f32.msk $0xffff, v5  }
0x433: {  	[tilespmem:s6+$0x20] =	vst.add.f32.msk $0xffff, v6  }
0x434: {  	[tilespmem:s6+$0x30] =	vst.add.f32.msk $0xffff, v7  }
0x435: {  	[tilespmem:s6+$0x40] =	vst.add.f32.msk $0xffff, v8  }
0x436: {  	[tilespmem:s6+$0x50] =	vst.add.f32.msk $0xffff, v9  }
0x437: {  	[tilespmem:s6+$0x0] =	vst.add.f32.msk $0xffff, v18  }
0x438: {  	[tilespmem:s6+$0x70] =	vst.add.f32.msk $0xffff, v10  }
0x439: {  	[tilespmem:s6+$0x400] =	vst.add.f32.msk $0xffff, v11  }
0x43a: {  	[tilespmem:s6+$0x410] =	vst.add.f32.msk $0xffff, v12  }
0x43b: {  	[tilespmem:s6+$0x420] =	vst.add.f32.msk $0xffff, v13  }
0x43c: {  	[tilespmem:s6+$0x430] =	vst.add.f32.msk $0xffff, v14  }
0x43d: {  	[tilespmem:s6+$0x440] =	vst.add.f32.msk $0xffff, v15  }
0x43e: {  	[tilespmem:s6+$0x450] =	vst.add.f32.msk $0xffff, v16  }
0x43f: {  	[tilespmem:s6+$0x460] =	vst.add.f32.msk $0xffff, v17  }
0x440: {  	s4 =	simm.s32 $0x0;
	s5 =	sadd.s32 $0x800, s5;
	[tilespmem:s6+$0x60] =	vst.add.f32.msk $0xffff, v4  }
.LBB2_39:
0x441: {  	v4 =	vld.idx.msk [tilespmem:v3+s5+$0x0 ss:$0x1], $0xffff;
	s4 =	sadd.s32 $0x10, s4  }
0x442: {  	v5 =	vld.idx.msk [tilespmem:v3+s5+$0xFFFFFBA0 ss:$0x1], $0xffff;
	p0 =	slt.u32 s4, $0x30  }
0x443: {  	v6 =	vld.idx.msk [tilespmem:v3+s5+$0xFFFFFBB0 ss:$0x1], $0xffff  }
0x444: {  	v7 =	vld.idx.msk [tilespmem:v3+s5+$0xFFFFFBC0 ss:$0x1], $0xffff  }
0x445: {  	s31 =	sadd.s32 $0x800, s31;
	v8 =	vld.idx.msk [tilespmem:v3+s5+$0xFFFFFBD0 ss:$0x1], $0xffff  }
0x446: {  	s6 =	sadd.s32 s29, s31;
	v9 =	vld.idx.msk [tilespmem:v3+s5+$0xFFFFFBE0 ss:$0x1], $0xffff  }
0x447: {  	[tilespmem:s6+$0x470] =	vst.add.f32.msk $0xffff, v4  }
0x448: {  	v4 =	vld.idx.msk [tilespmem:v3+s5+$0xFFFFFBF0 ss:$0x1], $0xffff  }
0x449: {  	v10 =	vld.idx.msk [tilespmem:v3+s5+$0xFFFFFC00 ss:$0x1], $0xffff  }
0x44a: {  	v11 =	vld.idx.msk [tilespmem:v3+s5+$0xFFFFFF90 ss:$0x1], $0xffff  }
0x44b: {  	v12 =	vld.idx.msk [tilespmem:v3+s5+$0xFFFFFFA0 ss:$0x1], $0xffff  }
0x44c: {  	v13 =	vld.idx.msk [tilespmem:v3+s5+$0xFFFFFFB0 ss:$0x1], $0xffff  }
0x44d: {  	v14 =	vld.idx.msk [tilespmem:v3+s5+$0xFFFFFFC0 ss:$0x1], $0xffff  }
0x44e: {  	v15 =	vld.idx.msk [tilespmem:v3+s5+$0xFFFFFFD0 ss:$0x1], $0xffff  }
0x44f: {  	v16 =	vld.idx.msk [tilespmem:v3+s5+$0xFFFFFFE0 ss:$0x1], $0xffff  }
0x450: {  	v17 =	vld.idx.msk [tilespmem:v3+s5+$0xFFFFFFF0 ss:$0x1], $0xffff  }
0x451: {  	v18 =	vld.idx.msk [tilespmem:v3+s5+$0xFFFFFB90 ss:$0x1], $0xffff  }
0x452: {  	[tilespmem:s6+$0x10] =	vst.add.f32.msk $0xffff, v5  }
0x453: {  	[tilespmem:s6+$0x20] =	vst.add.f32.msk $0xffff, v6  }
0x454: {  	[tilespmem:s6+$0x30] =	vst.add.f32.msk $0xffff, v7  }
0x455: {  	[tilespmem:s6+$0x40] =	vst.add.f32.msk $0xffff, v8  }
0x456: {  	[tilespmem:s6+$0x50] =	vst.add.f32.msk $0xffff, v9  }
0x457: {  	[tilespmem:s6+$0x0] =	vst.add.f32.msk $0xffff, v18  }
0x458: {  	[tilespmem:s6+$0x60] =	vst.add.f32.msk $0xffff, v4  }
0x459: {  	[tilespmem:s6+$0x70] =	vst.add.f32.msk $0xffff, v10  }
0x45a: {  	[tilespmem:s6+$0x400] =	vst.add.f32.msk $0xffff, v11  }
0x45b: {  	[tilespmem:s6+$0x410] =	vst.add.f32.msk $0xffff, v12  }
.Ltmp18:
0x45c: {  	[tilespmem:s6+$0x420] =	vst.add.f32.msk $0xffff, v13;
	(pc) =	sbr.rel @p0 .LBB2_39-.Ltmp18, $4  }
0x45d: {  	[tilespmem:s6+$0x430] =	vst.add.f32.msk $0xffff, v14  }
0x45e: {  	[tilespmem:s6+$0x440] =	vst.add.f32.msk $0xffff, v15  }
0x45f: {  	[tilespmem:s6+$0x450] =	vst.add.f32.msk $0xffff, v16  }
0x460: {  	s5 =	sadd.s32 $0x800, s5;
	[tilespmem:s6+$0x460] =	vst.add.f32.msk $0xffff, v17  }
0x461: {  	s28 =	sadd.s32 $0x1, s28  }
0x462: {  	p0 =	sne.s32 s28, $0x10  }
.Ltmp19:
0x463: {  	_ = 	snop;
	(pc) =	sbr.rel @p0 .LBB2_38-.Ltmp19, $2  }
0x464: {  	_ =	sdelay $0x2  }
0x465: {  	s26 =	sadd.s32 $0x1, s26;
	s25 =	sadd.s32 $0x400, s25  }
0x466: {  	s25 =	simm.s32 $0x0;
	s4 =	rddreg [dreg:$0x13]  }
0x467: {  	[hbm4b:s4+s25] =	stream.linear.scatter [tilespmem:s13], [sflag:$0x9], $0x4000, $0x38;
	[tilespmem:$0x18800] =	vst v63  }
0x468: {  	_ =	swait.ge [sflag:s16], $0x4000  }
0x469: {  	[sflag:s16] =	ssyncset.done $0x0  }
0x46a: {  	[sflag:s16] =	ssyncadd.s32 $0xFFFFC000  }
0x46b: {  	v3 =	vld [tilespmem:$0x180];
	_ =	sdelay $0x4  }
0x46c: {  	v4 =	vshll.u32 v3, $0x3  }
0x46d: {  	v3 =	vand.u32 $0x7, v3;
	v4 =	vand.u32 $0xFFFFFFC0, v4  }
0x46e: {  	v3 =	vor.u32 v3, v4  }
0x46f: {  	v4 =	vperm.xlane v3, v0;
	_ =	sdelay $0x1  }
0x470: {  	v4 =	vadd.s32 v1, v4;
	_ =	sdelay $0x4  }
0x471: {  	[tilespmem:s2], [sflag:$0x4] =	stream.indirect_vreg.gather [hbm4b:s1+s25], $0x80, v4, vm0, $0xb8;
	[tilespmem:$0x18800] =	vst v63  }
0x472: {  	s29 =	simm.s32 $0x9000;
	v3 =	vperm.xlane v3, v2  }
0x473: {  	[tilespmem:s29], [sflag:$0x4] =	stream.indirect_vreg.gather [hbm4b:s7+s25], $0x80, v4, vm0, $0xb8;
	[tilespmem:$0x18800] =	vst v63  }
0x474: {  	s31 =	simm.s32 $0x9800;
	v3 =	vadd.s32 v1, v3  }
0x475: {  	[tilespmem:s31], [sflag:$0x4] =	stream.indirect_vreg.gather [hbm4b:s8+s25], $0x80, v4, vm0, $0xb8;
	[tilespmem:$0x18800] =	vst v63  }
0x476: {  	s5 =	simm.s32 $0xA000  }
0x477: {  	[tilespmem:s5], [sflag:$0x4] =	stream.indirect_vreg.gather [hbm4b:s9+s25], $0x80, v4, vm0, $0xb8;
	[tilespmem:$0x18800] =	vst v63  }
0x478: {  	s6 =	simm.s32 $0xA800  }
0x479: {  	[tilespmem:s6], [sflag:$0x4] =	stream.indirect_vreg.gather [hbm4b:s1+s25], $0x80, v3, vm0, $0xb8;
	[tilespmem:$0x18800] =	vst v63  }
0x47a: {  	s26 =	simm.s32 $0xB000  }
0x47b: {  	[tilespmem:s26], [sflag:$0x4] =	stream.indirect_vreg.gather [hbm4b:s7+s25], $0x80, v3, vm0, $0xb8;
	[tilespmem:$0x18800] =	vst v63  }
0x47c: {  	s29 =	simm.s32 $0xB800  }
0x47d: {  	[tilespmem:s29], [sflag:$0x4] =	stream.indirect_vreg.gather [hbm4b:s8+s25], $0x80, v3, vm0, $0xb8;
	[tilespmem:$0x18800] =	vst v63  }
0x47e: {  	s31 =	simm.s32 $0xC000  }
0x47f: {  	[tilespmem:s31], [sflag:$0x4] =	stream.indirect_vreg.gather [hbm4b:s9+s25], $0x80, v3, vm0, $0xb8;
	[tilespmem:$0x18800] =	vst v63  }
0x480: {  	_ =	swait.ge [sflag:s17], $0x4000  }
0x481: {  	[sflag:s17] =	ssyncset.done $0x0  }
0x482: {  	s28 =	simm.s32 $0x0;
	s26 =	simm.s32 $0x0;
	[sflag:s17] =	ssyncadd.s32 $0xFFFFC000  }
.LBB2_42:
0x483: {  	s4 =	sand.u32 $0x7, s26  }
0x484: {  	s4 =	sshll.u32 s4, $0x9  }
0x485: {  	s29 =	sshrl.u32 s4, $0x2  }
0x486: {  	v3 =	vmov s29;
	_ =	sdelay $0x2  }
0x487: {  	s6 =	sand.u32 $0x3FFFE000, s25  }
0x488: {  	s5 =	sor.u32 $0xC70, s6  }
0x489: {  	v4 =	vld.idx.msk [tilespmem:v3+s5+$0x0 ss:$0x1], $0xffff  }
0x48a: {  	v5 =	vld.idx.msk [tilespmem:v3+s5+$0xFFFFFBA0 ss:$0x1], $0xffff  }
0x48b: {  	v6 =	vld.idx.msk [tilespmem:v3+s5+$0xFFFFFBB0 ss:$0x1], $0xffff  }
0x48c: {  	v7 =	vld.idx.msk [tilespmem:v3+s5+$0xFFFFFBC0 ss:$0x1], $0xffff  }
0x48d: {  	v8 =	vld.idx.msk [tilespmem:v3+s5+$0xFFFFFBD0 ss:$0x1], $0xffff  }
0x48e: {  	v9 =	vld.idx.msk [tilespmem:v3+s5+$0xFFFFFBE0 ss:$0x1], $0xffff  }
0x48f: {  	v10 =	vld.idx.msk [tilespmem:v3+s5+$0xFFFFFC00 ss:$0x1], $0xffff  }
0x490: {  	v11 =	vld.idx.msk [tilespmem:v3+s5+$0xFFFFFF90 ss:$0x1], $0xffff  }
0x491: {  	v12 =	vld.idx.msk [tilespmem:v3+s5+$0xFFFFFFA0 ss:$0x1], $0xffff  }
0x492: {  	v13 =	vld.idx.msk [tilespmem:v3+s5+$0xFFFFFFB0 ss:$0x1], $0xffff  }
0x493: {  	v14 =	vld.idx.msk [tilespmem:v3+s5+$0xFFFFFFC0 ss:$0x1], $0xffff  }
0x494: {  	v15 =	vld.idx.msk [tilespmem:v3+s5+$0xFFFFFFD0 ss:$0x1], $0xffff  }
0x495: {  	v16 =	vld.idx.msk [tilespmem:v3+s5+$0xFFFFFFE0 ss:$0x1], $0xffff  }
0x496: {  	s31 =	sadd.s32 $0x10800, s6;
	v17 =	vld.idx.msk [tilespmem:v3+s5+$0xFFFFFFF0 ss:$0x1], $0xffff  }
0x497: {  	s6 =	sadd.s32 s29, s31;
	v18 =	vld.idx.msk [tilespmem:v3+s5+$0xFFFFFB90 ss:$0x1], $0xffff  }
0x498: {  	[tilespmem:s6+$0x470] =	vst.add.f32.msk $0xffff, v4  }
0x499: {  	v4 =	vld.idx.msk [tilespmem:v3+s5+$0xFFFFFBF0 ss:$0x1], $0xffff  }
0x49a: {  	[tilespmem:s6+$0x10] =	vst.add.f32.msk $0xffff, v5  }
0x49b: {  	[tilespmem:s6+$0x20] =	vst.add.f32.msk $0xffff, v6  }
0x49c: {  	[tilespmem:s6+$0x30] =	vst.add.f32.msk $0xffff, v7  }
0x49d: {  	[tilespmem:s6+$0x40] =	vst.add.f32.msk $0xffff, v8  }
0x49e: {  	[tilespmem:s6+$0x50] =	vst.add.f32.msk $0xffff, v9  }
0x49f: {  	[tilespmem:s6+$0x0] =	vst.add.f32.msk $0xffff, v18  }
0x4a0: {  	[tilespmem:s6+$0x70] =	vst.add.f32.msk $0xffff, v10  }
0x4a1: {  	[tilespmem:s6+$0x400] =	vst.add.f32.msk $0xffff, v11  }
0x4a2: {  	[tilespmem:s6+$0x410] =	vst.add.f32.msk $0xffff, v12  }
0x4a3: {  	[tilespmem:s6+$0x420] =	vst.add.f32.msk $0xffff, v13  }
0x4a4: {  	[tilespmem:s6+$0x430] =	vst.add.f32.msk $0xffff, v14  }
0x4a5: {  	[tilespmem:s6+$0x440] =	vst.add.f32.msk $0xffff, v15  }
0x4a6: {  	[tilespmem:s6+$0x450] =	vst.add.f32.msk $0xffff, v16  }
0x4a7: {  	[tilespmem:s6+$0x460] =	vst.add.f32.msk $0xffff, v17  }
0x4a8: {  	s4 =	simm.s32 $0x0;
	s5 =	sadd.s32 $0x800, s5;
	[tilespmem:s6+$0x60] =	vst.add.f32.msk $0xffff, v4  }
.LBB2_43:
0x4a9: {  	v4 =	vld.idx.msk [tilespmem:v3+s5+$0x0 ss:$0x1], $0xffff;
	s4 =	sadd.s32 $0x10, s4  }
0x4aa: {  	v5 =	vld.idx.msk [tilespmem:v3+s5+$0xFFFFFBA0 ss:$0x1], $0xffff;
	p0 =	slt.u32 s4, $0x30  }
0x4ab: {  	v6 =	vld.idx.msk [tilespmem:v3+s5+$0xFFFFFBB0 ss:$0x1], $0xffff  }
0x4ac: {  	v7 =	vld.idx.msk [tilespmem:v3+s5+$0xFFFFFBC0 ss:$0x1], $0xffff  }
0x4ad: {  	s31 =	sadd.s32 $0x800, s31;
	v8 =	vld.idx.msk [tilespmem:v3+s5+$0xFFFFFBD0 ss:$0x1], $0xffff  }
0x4ae: {  	s6 =	sadd.s32 s29, s31;
	v9 =	vld.idx.msk [tilespmem:v3+s5+$0xFFFFFBE0 ss:$0x1], $0xffff  }
0x4af: {  	[tilespmem:s6+$0x470] =	vst.add.f32.msk $0xffff, v4  }
0x4b0: {  	v4 =	vld.idx.msk [tilespmem:v3+s5+$0xFFFFFBF0 ss:$0x1], $0xffff  }
0x4b1: {  	v10 =	vld.idx.msk [tilespmem:v3+s5+$0xFFFFFC00 ss:$0x1], $0xffff  }
0x4b2: {  	v11 =	vld.idx.msk [tilespmem:v3+s5+$0xFFFFFF90 ss:$0x1], $0xffff  }
0x4b3: {  	v12 =	vld.idx.msk [tilespmem:v3+s5+$0xFFFFFFA0 ss:$0x1], $0xffff  }
0x4b4: {  	v13 =	vld.idx.msk [tilespmem:v3+s5+$0xFFFFFFB0 ss:$0x1], $0xffff  }
0x4b5: {  	v14 =	vld.idx.msk [tilespmem:v3+s5+$0xFFFFFFC0 ss:$0x1], $0xffff  }
0x4b6: {  	v15 =	vld.idx.msk [tilespmem:v3+s5+$0xFFFFFFD0 ss:$0x1], $0xffff  }
0x4b7: {  	v16 =	vld.idx.msk [tilespmem:v3+s5+$0xFFFFFFE0 ss:$0x1], $0xffff  }
0x4b8: {  	v17 =	vld.idx.msk [tilespmem:v3+s5+$0xFFFFFFF0 ss:$0x1], $0xffff  }
0x4b9: {  	v18 =	vld.idx.msk [tilespmem:v3+s5+$0xFFFFFB90 ss:$0x1], $0xffff  }
0x4ba: {  	[tilespmem:s6+$0x10] =	vst.add.f32.msk $0xffff, v5  }
0x4bb: {  	[tilespmem:s6+$0x20] =	vst.add.f32.msk $0xffff, v6  }
0x4bc: {  	[tilespmem:s6+$0x30] =	vst.add.f32.msk $0xffff, v7  }
0x4bd: {  	[tilespmem:s6+$0x40] =	vst.add.f32.msk $0xffff, v8  }
0x4be: {  	[tilespmem:s6+$0x50] =	vst.add.f32.msk $0xffff, v9  }
0x4bf: {  	[tilespmem:s6+$0x0] =	vst.add.f32.msk $0xffff, v18  }
0x4c0: {  	[tilespmem:s6+$0x60] =	vst.add.f32.msk $0xffff, v4  }
0x4c1: {  	[tilespmem:s6+$0x70] =	vst.add.f32.msk $0xffff, v10  }
0x4c2: {  	[tilespmem:s6+$0x400] =	vst.add.f32.msk $0xffff, v11  }
0x4c3: {  	[tilespmem:s6+$0x410] =	vst.add.f32.msk $0xffff, v12  }
.Ltmp20:
0x4c4: {  	[tilespmem:s6+$0x420] =	vst.add.f32.msk $0xffff, v13;
	(pc) =	sbr.rel @p0 .LBB2_43-.Ltmp20, $4  }
0x4c5: {  	[tilespmem:s6+$0x430] =	vst.add.f32.msk $0xffff, v14  }
0x4c6: {  	[tilespmem:s6+$0x440] =	vst.add.f32.msk $0xffff, v15  }
0x4c7: {  	[tilespmem:s6+$0x450] =	vst.add.f32.msk $0xffff, v16  }
0x4c8: {  	s5 =	sadd.s32 $0x800, s5;
	[tilespmem:s6+$0x460] =	vst.add.f32.msk $0xffff, v17  }
0x4c9: {  	s28 =	sadd.s32 $0x1, s28  }
0x4ca: {  	p0 =	sne.s32 s28, $0x10  }
.Ltmp21:
0x4cb: {  	_ = 	snop;
	(pc) =	sbr.rel @p0 .LBB2_42-.Ltmp21, $2  }
0x4cc: {  	_ =	sdelay $0x2  }
0x4cd: {  	s26 =	sadd.s32 $0x1, s26;
	s25 =	sadd.s32 $0x400, s25  }
0x4ce: {  	s25 =	simm.s32 $0x0;
	s4 =	rddreg [dreg:$0x14]  }
0x4cf: {  	[hbm4b:s4+s25] =	stream.linear.scatter [tilespmem:s21], [sflag:$0xA], $0x4000, $0x38;
	[tilespmem:$0x18800] =	vst v63  }
0x4d0: {  	_ =	swait.ge [sflag:s18], $0x4000  }
0x4d1: {  	[sflag:s18] =	ssyncset.done $0x0  }
0x4d2: {  	[sflag:s18] =	ssyncadd.s32 $0xFFFFC000  }
0x4d3: {  	v3 =	vld [tilespmem:$0x380];
	_ =	sdelay $0x4  }
0x4d4: {  	v4 =	vshll.u32 v3, $0x3  }
0x4d5: {  	v3 =	vand.u32 $0x7, v3;
	v4 =	vand.u32 $0xFFFFFFC0, v4  }
0x4d6: {  	v3 =	vor.u32 v3, v4  }
0x4d7: {  	v4 =	vperm.xlane v3, v0;
	_ =	sdelay $0x1  }
0x4d8: {  	v4 =	vadd.s32 v1, v4;
	_ =	sdelay $0x4  }
0x4d9: {  	[tilespmem:s13], [sflag:$0x5] =	stream.indirect_vreg.gather [hbm4b:s1+s25], $0x80, v4, vm0, $0xb8;
	[tilespmem:$0x18800] =	vst v63  }
0x4da: {  	s29 =	simm.s32 $0xD000;
	v3 =	vperm.xlane v3, v2  }
0x4db: {  	[tilespmem:s29], [sflag:$0x5] =	stream.indirect_vreg.gather [hbm4b:s7+s25], $0x80, v4, vm0, $0xb8;
	[tilespmem:$0x18800] =	vst v63  }
0x4dc: {  	s31 =	simm.s32 $0xD800;
	v3 =	vadd.s32 v1, v3  }
0x4dd: {  	[tilespmem:s31], [sflag:$0x5] =	stream.indirect_vreg.gather [hbm4b:s8+s25], $0x80, v4, vm0, $0xb8;
	[tilespmem:$0x18800] =	vst v63  }
0x4de: {  	s5 =	simm.s32 $0xE000  }
0x4df: {  	[tilespmem:s5], [sflag:$0x5] =	stream.indirect_vreg.gather [hbm4b:s9+s25], $0x80, v4, vm0, $0xb8;
	[tilespmem:$0x18800] =	vst v63  }
0x4e0: {  	s6 =	simm.s32 $0xE800  }
0x4e1: {  	[tilespmem:s6], [sflag:$0x5] =	stream.indirect_vreg.gather [hbm4b:s1+s25], $0x80, v3, vm0, $0xb8;
	[tilespmem:$0x18800] =	vst v63  }
0x4e2: {  	s26 =	simm.s32 $0xF000  }
0x4e3: {  	[tilespmem:s26], [sflag:$0x5] =	stream.indirect_vreg.gather [hbm4b:s7+s25], $0x80, v3, vm0, $0xb8;
	[tilespmem:$0x18800] =	vst v63  }
0x4e4: {  	s29 =	simm.s32 $0xF800  }
0x4e5: {  	[tilespmem:s29], [sflag:$0x5] =	stream.indirect_vreg.gather [hbm4b:s8+s25], $0x80, v3, vm0, $0xb8;
	[tilespmem:$0x18800] =	vst v63  }
0x4e6: {  	s31 =	simm.s32 $0x10000  }
0x4e7: {  	[tilespmem:s31], [sflag:$0x5] =	stream.indirect_vreg.gather [hbm4b:s9+s25], $0x80, v3, vm0, $0xb8;
	[tilespmem:$0x18800] =	vst v63  }
0x4e8: {  	_ =	swait.ge [sflag:s19], $0x4000  }
0x4e9: {  	[sflag:s19] =	ssyncset.done $0x0  }
0x4ea: {  	s28 =	simm.s32 $0x0;
	s26 =	simm.s32 $0x0;
	[sflag:s19] =	ssyncadd.s32 $0xFFFFC000  }
.LBB2_46:
0x4eb: {  	s4 =	sand.u32 $0x7, s26  }
0x4ec: {  	s4 =	sshll.u32 s4, $0x9  }
0x4ed: {  	s29 =	sshrl.u32 s4, $0x2  }
0x4ee: {  	v3 =	vmov s29;
	_ =	sdelay $0x2  }
0x4ef: {  	s6 =	sand.u32 $0x3FFFE000, s25  }
0x4f0: {  	s5 =	sor.u32 $0xC70, s6  }
0x4f1: {  	v4 =	vld.idx.msk [tilespmem:v3+s5+$0x0 ss:$0x1], $0xffff  }
0x4f2: {  	v5 =	vld.idx.msk [tilespmem:v3+s5+$0xFFFFFBA0 ss:$0x1], $0xffff  }
0x4f3: {  	v6 =	vld.idx.msk [tilespmem:v3+s5+$0xFFFFFBB0 ss:$0x1], $0xffff  }
0x4f4: {  	v7 =	vld.idx.msk [tilespmem:v3+s5+$0xFFFFFBC0 ss:$0x1], $0xffff  }
0x4f5: {  	v8 =	vld.idx.msk [tilespmem:v3+s5+$0xFFFFFBD0 ss:$0x1], $0xffff  }
0x4f6: {  	v9 =	vld.idx.msk [tilespmem:v3+s5+$0xFFFFFBE0 ss:$0x1], $0xffff  }
0x4f7: {  	v10 =	vld.idx.msk [tilespmem:v3+s5+$0xFFFFFC00 ss:$0x1], $0xffff  }
0x4f8: {  	v11 =	vld.idx.msk [tilespmem:v3+s5+$0xFFFFFF90 ss:$0x1], $0xffff  }
0x4f9: {  	v12 =	vld.idx.msk [tilespmem:v3+s5+$0xFFFFFFA0 ss:$0x1], $0xffff  }
0x4fa: {  	v13 =	vld.idx.msk [tilespmem:v3+s5+$0xFFFFFFB0 ss:$0x1], $0xffff  }
0x4fb: {  	v14 =	vld.idx.msk [tilespmem:v3+s5+$0xFFFFFFC0 ss:$0x1], $0xffff  }
0x4fc: {  	v15 =	vld.idx.msk [tilespmem:v3+s5+$0xFFFFFFD0 ss:$0x1], $0xffff  }
0x4fd: {  	v16 =	vld.idx.msk [tilespmem:v3+s5+$0xFFFFFFE0 ss:$0x1], $0xffff  }
0x4fe: {  	s31 =	sadd.s32 $0x14800, s6;
	v17 =	vld.idx.msk [tilespmem:v3+s5+$0xFFFFFFF0 ss:$0x1], $0xffff  }
0x4ff: {  	s6 =	sadd.s32 s29, s31;
	v18 =	vld.idx.msk [tilespmem:v3+s5+$0xFFFFFB90 ss:$0x1], $0xffff  }
0x500: {  	[tilespmem:s6+$0x470] =	vst.add.f32.msk $0xffff, v4  }
0x501: {  	v4 =	vld.idx.msk [tilespmem:v3+s5+$0xFFFFFBF0 ss:$0x1], $0xffff  }
0x502: {  	[tilespmem:s6+$0x10] =	vst.add.f32.msk $0xffff, v5  }
0x503: {  	[tilespmem:s6+$0x20] =	vst.add.f32.msk $0xffff, v6  }
0x504: {  	[tilespmem:s6+$0x30] =	vst.add.f32.msk $0xffff, v7  }
0x505: {  	[tilespmem:s6+$0x40] =	vst.add.f32.msk $0xffff, v8  }
0x506: {  	[tilespmem:s6+$0x50] =	vst.add.f32.msk $0xffff, v9  }
0x507: {  	[tilespmem:s6+$0x0] =	vst.add.f32.msk $0xffff, v18  }
0x508: {  	[tilespmem:s6+$0x70] =	vst.add.f32.msk $0xffff, v10  }
0x509: {  	[tilespmem:s6+$0x400] =	vst.add.f32.msk $0xffff, v11  }
0x50a: {  	[tilespmem:s6+$0x410] =	vst.add.f32.msk $0xffff, v12  }
0x50b: {  	[tilespmem:s6+$0x420] =	vst.add.f32.msk $0xffff, v13  }
0x50c: {  	[tilespmem:s6+$0x430] =	vst.add.f32.msk $0xffff, v14  }
0x50d: {  	[tilespmem:s6+$0x440] =	vst.add.f32.msk $0xffff, v15  }
0x50e: {  	[tilespmem:s6+$0x450] =	vst.add.f32.msk $0xffff, v16  }
0x50f: {  	[tilespmem:s6+$0x460] =	vst.add.f32.msk $0xffff, v17  }
0x510: {  	s4 =	simm.s32 $0x0;
	s5 =	sadd.s32 $0x800, s5;
	[tilespmem:s6+$0x60] =	vst.add.f32.msk $0xffff, v4  }
.LBB2_47:
0x511: {  	v4 =	vld.idx.msk [tilespmem:v3+s5+$0x0 ss:$0x1], $0xffff;
	s4 =	sadd.s32 $0x10, s4  }
0x512: {  	v5 =	vld.idx.msk [tilespmem:v3+s5+$0xFFFFFBA0 ss:$0x1], $0xffff;
	p0 =	slt.u32 s4, $0x30  }
0x513: {  	v6 =	vld.idx.msk [tilespmem:v3+s5+$0xFFFFFBB0 ss:$0x1], $0xffff  }
0x514: {  	v7 =	vld.idx.msk [tilespmem:v3+s5+$0xFFFFFBC0 ss:$0x1], $0xffff  }
0x515: {  	s31 =	sadd.s32 $0x800, s31;
	v8 =	vld.idx.msk [tilespmem:v3+s5+$0xFFFFFBD0 ss:$0x1], $0xffff  }
0x516: {  	s6 =	sadd.s32 s29, s31;
	v9 =	vld.idx.msk [tilespmem:v3+s5+$0xFFFFFBE0 ss:$0x1], $0xffff  }
0x517: {  	[tilespmem:s6+$0x470] =	vst.add.f32.msk $0xffff, v4  }
0x518: {  	v4 =	vld.idx.msk [tilespmem:v3+s5+$0xFFFFFBF0 ss:$0x1], $0xffff  }
0x519: {  	v10 =	vld.idx.msk [tilespmem:v3+s5+$0xFFFFFC00 ss:$0x1], $0xffff  }
0x51a: {  	v11 =	vld.idx.msk [tilespmem:v3+s5+$0xFFFFFF90 ss:$0x1], $0xffff  }
0x51b: {  	v12 =	vld.idx.msk [tilespmem:v3+s5+$0xFFFFFFA0 ss:$0x1], $0xffff  }
0x51c: {  	v13 =	vld.idx.msk [tilespmem:v3+s5+$0xFFFFFFB0 ss:$0x1], $0xffff  }
0x51d: {  	v14 =	vld.idx.msk [tilespmem:v3+s5+$0xFFFFFFC0 ss:$0x1], $0xffff  }
0x51e: {  	v15 =	vld.idx.msk [tilespmem:v3+s5+$0xFFFFFFD0 ss:$0x1], $0xffff  }
0x51f: {  	v16 =	vld.idx.msk [tilespmem:v3+s5+$0xFFFFFFE0 ss:$0x1], $0xffff  }
0x520: {  	v17 =	vld.idx.msk [tilespmem:v3+s5+$0xFFFFFFF0 ss:$0x1], $0xffff  }
0x521: {  	v18 =	vld.idx.msk [tilespmem:v3+s5+$0xFFFFFB90 ss:$0x1], $0xffff  }
0x522: {  	[tilespmem:s6+$0x10] =	vst.add.f32.msk $0xffff, v5  }
0x523: {  	[tilespmem:s6+$0x20] =	vst.add.f32.msk $0xffff, v6  }
0x524: {  	[tilespmem:s6+$0x30] =	vst.add.f32.msk $0xffff, v7  }
0x525: {  	[tilespmem:s6+$0x40] =	vst.add.f32.msk $0xffff, v8  }
0x526: {  	[tilespmem:s6+$0x50] =	vst.add.f32.msk $0xffff, v9  }
0x527: {  	[tilespmem:s6+$0x0] =	vst.add.f32.msk $0xffff, v18  }
0x528: {  	[tilespmem:s6+$0x60] =	vst.add.f32.msk $0xffff, v4  }
0x529: {  	[tilespmem:s6+$0x70] =	vst.add.f32.msk $0xffff, v10  }
0x52a: {  	[tilespmem:s6+$0x400] =	vst.add.f32.msk $0xffff, v11  }
0x52b: {  	[tilespmem:s6+$0x410] =	vst.add.f32.msk $0xffff, v12  }
.Ltmp22:
0x52c: {  	[tilespmem:s6+$0x420] =	vst.add.f32.msk $0xffff, v13;
	(pc) =	sbr.rel @p0 .LBB2_47-.Ltmp22, $4  }
0x52d: {  	[tilespmem:s6+$0x430] =	vst.add.f32.msk $0xffff, v14  }
0x52e: {  	[tilespmem:s6+$0x440] =	vst.add.f32.msk $0xffff, v15  }
0x52f: {  	[tilespmem:s6+$0x450] =	vst.add.f32.msk $0xffff, v16  }
0x530: {  	s5 =	sadd.s32 $0x800, s5;
	[tilespmem:s6+$0x460] =	vst.add.f32.msk $0xffff, v17  }
0x531: {  	s28 =	sadd.s32 $0x1, s28  }
0x532: {  	p0 =	sne.s32 s28, $0x10  }
.Ltmp23:
0x533: {  	_ = 	snop;
	(pc) =	sbr.rel @p0 .LBB2_46-.Ltmp23, $2  }
0x534: {  	_ =	sdelay $0x2  }
0x535: {  	s26 =	sadd.s32 $0x1, s26;
	s25 =	sadd.s32 $0x400, s25  }
0x536: {  	s25 =	simm.s32 $0x0;
	s4 =	rddreg [dreg:$0x16]  }
0x537: {  	[hbm4b:s4+s25] =	stream.linear.scatter [tilespmem:s30], [sflag:$0xB], $0x4000, $0x38;
	[tilespmem:$0x18800] =	vst v63  }
0x538: {  	_ =	swait.ge [sflag:s20], $0x4000  }
0x539: {  	[sflag:s20] =	ssyncset.done $0x0  }
0x53a: {  	[sflag:s20] =	ssyncadd.s32 $0xFFFFC000  }
0x53b: {  	v3 =	vld [tilespmem:$0x580];
	_ =	sdelay $0x4  }
0x53c: {  	v4 =	vshll.u32 v3, $0x3  }
0x53d: {  	v3 =	vand.u32 $0x7, v3;
	v4 =	vand.u32 $0xFFFFFFC0, v4  }
0x53e: {  	v3 =	vor.u32 v3, v4  }
0x53f: {  	v4 =	vperm.xlane v3, v0;
	_ =	sdelay $0x1  }
0x540: {  	v4 =	vadd.s32 v1, v4;
	_ =	sdelay $0x4  }
0x541: {  	[tilespmem:s21], [sflag:$0x6] =	stream.indirect_vreg.gather [hbm4b:s1+s25], $0x80, v4, vm0, $0xb8;
	[tilespmem:$0x18800] =	vst v63  }
0x542: {  	s29 =	simm.s32 $0x11000;
	v3 =	vperm.xlane v3, v2  }
0x543: {  	[tilespmem:s29], [sflag:$0x6] =	stream.indirect_vreg.gather [hbm4b:s7+s25], $0x80, v4, vm0, $0xb8;
	[tilespmem:$0x18800] =	vst v63  }
0x544: {  	s31 =	simm.s32 $0x11800;
	v3 =	vadd.s32 v1, v3  }
0x545: {  	[tilespmem:s31], [sflag:$0x6] =	stream.indirect_vreg.gather [hbm4b:s8+s25], $0x80, v4, vm0, $0xb8;
	[tilespmem:$0x18800] =	vst v63  }
0x546: {  	s5 =	simm.s32 $0x12000  }
0x547: {  	[tilespmem:s5], [sflag:$0x6] =	stream.indirect_vreg.gather [hbm4b:s9+s25], $0x80, v4, vm0, $0xb8;
	[tilespmem:$0x18800] =	vst v63  }
0x548: {  	s6 =	simm.s32 $0x12800  }
0x549: {  	[tilespmem:s6], [sflag:$0x6] =	stream.indirect_vreg.gather [hbm4b:s1+s25], $0x80, v3, vm0, $0xb8;
	[tilespmem:$0x18800] =	vst v63  }
0x54a: {  	s26 =	simm.s32 $0x13000  }
0x54b: {  	[tilespmem:s26], [sflag:$0x6] =	stream.indirect_vreg.gather [hbm4b:s7+s25], $0x80, v3, vm0, $0xb8;
	[tilespmem:$0x18800] =	vst v63  }
0x54c: {  	s29 =	simm.s32 $0x13800  }
0x54d: {  	[tilespmem:s29], [sflag:$0x6] =	stream.indirect_vreg.gather [hbm4b:s8+s25], $0x80, v3, vm0, $0xb8;
	[tilespmem:$0x18800] =	vst v63  }
0x54e: {  	s31 =	simm.s32 $0x14000  }
0x54f: {  	[tilespmem:s31], [sflag:$0x6] =	stream.indirect_vreg.gather [hbm4b:s9+s25], $0x80, v3, vm0, $0xb8;
	[tilespmem:$0x18800] =	vst v63  }
0x550: {  	_ =	swait.ge [sflag:s22], $0x4000  }
0x551: {  	[sflag:s22] =	ssyncset.done $0x0  }
0x552: {  	[sflag:s22] =	ssyncadd.s32 $0xFFFFC000  }
0x553: {  	_ =	swait.ge [sflag:s0], $0x4000  }
0x554: {  	[sflag:s0] =	ssyncset.done $0x0  }
0x555: {  	s28 =	simm.s32 $0x0;
	s26 =	simm.s32 $0x0;
	[sflag:s0] =	ssyncadd.s32 $0xFFFFC000  }
.LBB2_50:
0x556: {  	s4 =	sand.u32 $0x7, s26  }
0x557: {  	s4 =	sshll.u32 s4, $0x9  }
0x558: {  	s29 =	sshrl.u32 s4, $0x2  }
0x559: {  	v3 =	vmov s29;
	_ =	sdelay $0x2  }
0x55a: {  	s6 =	sand.u32 $0x3FFFE000, s25  }
0x55b: {  	s5 =	sadd.s32 $0x4C70, s6  }
0x55c: {  	v4 =	vld.idx.msk [tilespmem:v3+s5+$0x0 ss:$0x1], $0xffff  }
0x55d: {  	v5 =	vld.idx.msk [tilespmem:v3+s5+$0xFFFFFBA0 ss:$0x1], $0xffff  }
0x55e: {  	v6 =	vld.idx.msk [tilespmem:v3+s5+$0xFFFFFBB0 ss:$0x1], $0xffff  }
0x55f: {  	v7 =	vld.idx.msk [tilespmem:v3+s5+$0xFFFFFBC0 ss:$0x1], $0xffff  }
0x560: {  	v8 =	vld.idx.msk [tilespmem:v3+s5+$0xFFFFFBD0 ss:$0x1], $0xffff  }
0x561: {  	v9 =	vld.idx.msk [tilespmem:v3+s5+$0xFFFFFBE0 ss:$0x1], $0xffff  }
0x562: {  	v10 =	vld.idx.msk [tilespmem:v3+s5+$0xFFFFFC00 ss:$0x1], $0xffff  }
0x563: {  	v11 =	vld.idx.msk [tilespmem:v3+s5+$0xFFFFFF90 ss:$0x1], $0xffff  }
0x564: {  	v12 =	vld.idx.msk [tilespmem:v3+s5+$0xFFFFFFA0 ss:$0x1], $0xffff  }
0x565: {  	v13 =	vld.idx.msk [tilespmem:v3+s5+$0xFFFFFFB0 ss:$0x1], $0xffff  }
0x566: {  	v14 =	vld.idx.msk [tilespmem:v3+s5+$0xFFFFFFC0 ss:$0x1], $0xffff  }
0x567: {  	v15 =	vld.idx.msk [tilespmem:v3+s5+$0xFFFFFFD0 ss:$0x1], $0xffff  }
0x568: {  	v16 =	vld.idx.msk [tilespmem:v3+s5+$0xFFFFFFE0 ss:$0x1], $0xffff  }
0x569: {  	s31 =	sadd.s32 $0x8800, s6;
	v17 =	vld.idx.msk [tilespmem:v3+s5+$0xFFFFFFF0 ss:$0x1], $0xffff  }
0x56a: {  	s6 =	sadd.s32 s29, s31;
	v18 =	vld.idx.msk [tilespmem:v3+s5+$0xFFFFFB90 ss:$0x1], $0xffff  }
0x56b: {  	[tilespmem:s6+$0x470] =	vst.add.f32.msk $0xffff, v4  }
0x56c: {  	v4 =	vld.idx.msk [tilespmem:v3+s5+$0xFFFFFBF0 ss:$0x1], $0xffff  }
0x56d: {  	[tilespmem:s6+$0x10] =	vst.add.f32.msk $0xffff, v5  }
0x56e: {  	[tilespmem:s6+$0x20] =	vst.add.f32.msk $0xffff, v6  }
0x56f: {  	[tilespmem:s6+$0x30] =	vst.add.f32.msk $0xffff, v7  }
0x570: {  	[tilespmem:s6+$0x40] =	vst.add.f32.msk $0xffff, v8  }
0x571: {  	[tilespmem:s6+$0x50] =	vst.add.f32.msk $0xffff, v9  }
0x572: {  	[tilespmem:s6+$0x0] =	vst.add.f32.msk $0xffff, v18  }
0x573: {  	[tilespmem:s6+$0x70] =	vst.add.f32.msk $0xffff, v10  }
0x574: {  	[tilespmem:s6+$0x400] =	vst.add.f32.msk $0xffff, v11  }
0x575: {  	[tilespmem:s6+$0x410] =	vst.add.f32.msk $0xffff, v12  }
0x576: {  	[tilespmem:s6+$0x420] =	vst.add.f32.msk $0xffff, v13  }
0x577: {  	[tilespmem:s6+$0x430] =	vst.add.f32.msk $0xffff, v14  }
0x578: {  	[tilespmem:s6+$0x440] =	vst.add.f32.msk $0xffff, v15  }
0x579: {  	[tilespmem:s6+$0x450] =	vst.add.f32.msk $0xffff, v16  }
0x57a: {  	[tilespmem:s6+$0x460] =	vst.add.f32.msk $0xffff, v17  }
0x57b: {  	s4 =	simm.s32 $0x0;
	s5 =	sadd.s32 $0x800, s5;
	[tilespmem:s6+$0x60] =	vst.add.f32.msk $0xffff, v4  }
.LBB2_51:
0x57c: {  	v4 =	vld.idx.msk [tilespmem:v3+s5+$0x0 ss:$0x1], $0xffff;
	s4 =	sadd.s32 $0x10, s4  }
0x57d: {  	v5 =	vld.idx.msk [tilespmem:v3+s5+$0xFFFFFBA0 ss:$0x1], $0xffff;
	p0 =	slt.u32 s4, $0x30  }
0x57e: {  	v6 =	vld.idx.msk [tilespmem:v3+s5+$0xFFFFFBB0 ss:$0x1], $0xffff  }
0x57f: {  	v7 =	vld.idx.msk [tilespmem:v3+s5+$0xFFFFFBC0 ss:$0x1], $0xffff  }
0x580: {  	s31 =	sadd.s32 $0x800, s31;
	v8 =	vld.idx.msk [tilespmem:v3+s5+$0xFFFFFBD0 ss:$0x1], $0xffff  }
0x581: {  	s6 =	sadd.s32 s29, s31;
	v9 =	vld.idx.msk [tilespmem:v3+s5+$0xFFFFFBE0 ss:$0x1], $0xffff  }
0x582: {  	[tilespmem:s6+$0x470] =	vst.add.f32.msk $0xffff, v4  }
0x583: {  	v4 =	vld.idx.msk [tilespmem:v3+s5+$0xFFFFFBF0 ss:$0x1], $0xffff  }
0x584: {  	v10 =	vld.idx.msk [tilespmem:v3+s5+$0xFFFFFC00 ss:$0x1], $0xffff  }
0x585: {  	v11 =	vld.idx.msk [tilespmem:v3+s5+$0xFFFFFF90 ss:$0x1], $0xffff  }
0x586: {  	v12 =	vld.idx.msk [tilespmem:v3+s5+$0xFFFFFFA0 ss:$0x1], $0xffff  }
0x587: {  	v13 =	vld.idx.msk [tilespmem:v3+s5+$0xFFFFFFB0 ss:$0x1], $0xffff  }
0x588: {  	v14 =	vld.idx.msk [tilespmem:v3+s5+$0xFFFFFFC0 ss:$0x1], $0xffff  }
0x589: {  	v15 =	vld.idx.msk [tilespmem:v3+s5+$0xFFFFFFD0 ss:$0x1], $0xffff  }
0x58a: {  	v16 =	vld.idx.msk [tilespmem:v3+s5+$0xFFFFFFE0 ss:$0x1], $0xffff  }
0x58b: {  	v17 =	vld.idx.msk [tilespmem:v3+s5+$0xFFFFFFF0 ss:$0x1], $0xffff  }
0x58c: {  	v18 =	vld.idx.msk [tilespmem:v3+s5+$0xFFFFFB90 ss:$0x1], $0xffff  }
0x58d: {  	[tilespmem:s6+$0x10] =	vst.add.f32.msk $0xffff, v5  }
0x58e: {  	[tilespmem:s6+$0x20] =	vst.add.f32.msk $0xffff, v6  }
0x58f: {  	[tilespmem:s6+$0x30] =	vst.add.f32.msk $0xffff, v7  }
0x590: {  	[tilespmem:s6+$0x40] =	vst.add.f32.msk $0xffff, v8  }
0x591: {  	[tilespmem:s6+$0x50] =	vst.add.f32.msk $0xffff, v9  }
0x592: {  	[tilespmem:s6+$0x0] =	vst.add.f32.msk $0xffff, v18  }
0x593: {  	[tilespmem:s6+$0x60] =	vst.add.f32.msk $0xffff, v4  }
0x594: {  	[tilespmem:s6+$0x70] =	vst.add.f32.msk $0xffff, v10  }
0x595: {  	[tilespmem:s6+$0x400] =	vst.add.f32.msk $0xffff, v11  }
0x596: {  	[tilespmem:s6+$0x410] =	vst.add.f32.msk $0xffff, v12  }
.Ltmp24:
0x597: {  	[tilespmem:s6+$0x420] =	vst.add.f32.msk $0xffff, v13;
	(pc) =	sbr.rel @p0 .LBB2_51-.Ltmp24, $4  }
0x598: {  	[tilespmem:s6+$0x430] =	vst.add.f32.msk $0xffff, v14  }
0x599: {  	[tilespmem:s6+$0x440] =	vst.add.f32.msk $0xffff, v15  }
0x59a: {  	[tilespmem:s6+$0x450] =	vst.add.f32.msk $0xffff, v16  }
0x59b: {  	s5 =	sadd.s32 $0x800, s5;
	[tilespmem:s6+$0x460] =	vst.add.f32.msk $0xffff, v17  }
0x59c: {  	s28 =	sadd.s32 $0x1, s28  }
0x59d: {  	p0 =	sne.s32 s28, $0x10  }
.Ltmp25:
0x59e: {  	_ = 	snop;
	(pc) =	sbr.rel @p0 .LBB2_50-.Ltmp25, $2  }
0x59f: {  	_ =	sdelay $0x2  }
0x5a0: {  	s26 =	sadd.s32 $0x1, s26;
	s25 =	sadd.s32 $0x400, s25  }
0x5a1: {  	s25 =	simm.s32 $0x0;
	s4 =	rddreg [dreg:$0x15]  }
0x5a2: {  	[hbm4b:s4+s25] =	stream.linear.scatter [tilespmem:s2], [sflag:$0x8], $0x4000, $0x38;
	[tilespmem:$0x18800] =	vst v63  }
0x5a3: {  	_ =	swait.ge [sflag:s23], $0x4000  }
0x5a4: {  	[sflag:s23] =	ssyncset.done $0x0  }
0x5a5: {  	[sflag:s23] =	ssyncadd.s32 $0xFFFFC000  }
0x5a6: {  	v3 =	vld [tilespmem:$0x780];
	_ =	sdelay $0x4  }
0x5a7: {  	v4 =	vshll.u32 v3, $0x3  }
0x5a8: {  	v3 =	vand.u32 $0x7, v3;
	v4 =	vand.u32 $0xFFFFFFC0, v4  }
0x5a9: {  	v3 =	vor.u32 v3, v4  }
0x5aa: {  	v4 =	vperm.xlane v3, v0;
	_ =	sdelay $0x1  }
0x5ab: {  	v4 =	vadd.s32 v1, v4;
	_ =	sdelay $0x4  }
0x5ac: {  	[tilespmem:s30], [sflag:$0x7] =	stream.indirect_vreg.gather [hbm4b:s1+s25], $0x80, v4, vm0, $0xb8;
	[tilespmem:$0x18800] =	vst v63  }
0x5ad: {  	s6 =	simm.s32 $0x15000;
	v3 =	vperm.xlane v3, v2  }
0x5ae: {  	[tilespmem:s6], [sflag:$0x7] =	stream.indirect_vreg.gather [hbm4b:s7+s25], $0x80, v4, vm0, $0xb8;
	[tilespmem:$0x18800] =	vst v63  }
0x5af: {  	s26 =	simm.s32 $0x15800;
	v3 =	vadd.s32 v1, v3  }
0x5b0: {  	[tilespmem:s26], [sflag:$0x7] =	stream.indirect_vreg.gather [hbm4b:s8+s25], $0x80, v4, vm0, $0xb8;
	[tilespmem:$0x18800] =	vst v63  }
0x5b1: {  	s29 =	simm.s32 $0x16000  }
0x5b2: {  	[tilespmem:s29], [sflag:$0x7] =	stream.indirect_vreg.gather [hbm4b:s9+s25], $0x80, v4, vm0, $0xb8;
	[tilespmem:$0x18800] =	vst v63  }
0x5b3: {  	s31 =	simm.s32 $0x16800  }
0x5b4: {  	[tilespmem:s31], [sflag:$0x7] =	stream.indirect_vreg.gather [hbm4b:s1+s25], $0x80, v3, vm0, $0xb8;
	[tilespmem:$0x18800] =	vst v63  }
0x5b5: {  	_ = 	snop  }
0x5b6: {  	[tilespmem:s11], [sflag:$0x7] =	stream.indirect_vreg.gather [hbm4b:s7+s25], $0x80, v3, vm0, $0xb8;
	[tilespmem:$0x18800] =	vst v63  }
0x5b7: {  	_ = 	snop  }
0x5b8: {  	[tilespmem:s12], [sflag:$0x7] =	stream.indirect_vreg.gather [hbm4b:s8+s25], $0x80, v3, vm0, $0xb8;
	[tilespmem:$0x18800] =	vst v63  }
0x5b9: {  	_ = 	snop  }
0x5ba: {  	[tilespmem:s14], [sflag:$0x7] =	stream.indirect_vreg.gather [hbm4b:s9+s25], $0x80, v3, vm0, $0xb8;
	[tilespmem:$0x18800] =	vst v63  }
0x5bb: {  	_ =	swait.ge [sflag:s15], $0x4000  }
0x5bc: {  	[sflag:s15] =	ssyncset.done $0x0  }
0x5bd: {  	s28 =	simm.s32 $0x0;
	s26 =	simm.s32 $0x0;
	[sflag:s15] =	ssyncadd.s32 $0xFFFFC000  }
.LBB2_54:
0x5be: {  	s4 =	sand.u32 $0x7, s26  }
0x5bf: {  	s4 =	sshll.u32 s4, $0x9  }
0x5c0: {  	s29 =	sshrl.u32 s4, $0x2  }
0x5c1: {  	v3 =	vmov s29;
	_ =	sdelay $0x2  }
0x5c2: {  	s6 =	sand.u32 $0x3FFFE000, s25  }
0x5c3: {  	s5 =	sadd.s32 $0x4C70, s6  }
0x5c4: {  	v4 =	vld.idx.msk [tilespmem:v3+s5+$0x0 ss:$0x1], $0xffff  }
0x5c5: {  	v5 =	vld.idx.msk [tilespmem:v3+s5+$0xFFFFFBA0 ss:$0x1], $0xffff  }
0x5c6: {  	v6 =	vld.idx.msk [tilespmem:v3+s5+$0xFFFFFBB0 ss:$0x1], $0xffff  }
0x5c7: {  	v7 =	vld.idx.msk [tilespmem:v3+s5+$0xFFFFFBC0 ss:$0x1], $0xffff  }
0x5c8: {  	v8 =	vld.idx.msk [tilespmem:v3+s5+$0xFFFFFBD0 ss:$0x1], $0xffff  }
0x5c9: {  	v9 =	vld.idx.msk [tilespmem:v3+s5+$0xFFFFFBE0 ss:$0x1], $0xffff  }
0x5ca: {  	v10 =	vld.idx.msk [tilespmem:v3+s5+$0xFFFFFC00 ss:$0x1], $0xffff  }
0x5cb: {  	v11 =	vld.idx.msk [tilespmem:v3+s5+$0xFFFFFF90 ss:$0x1], $0xffff  }
0x5cc: {  	v12 =	vld.idx.msk [tilespmem:v3+s5+$0xFFFFFFA0 ss:$0x1], $0xffff  }
0x5cd: {  	v13 =	vld.idx.msk [tilespmem:v3+s5+$0xFFFFFFB0 ss:$0x1], $0xffff  }
0x5ce: {  	v14 =	vld.idx.msk [tilespmem:v3+s5+$0xFFFFFFC0 ss:$0x1], $0xffff  }
0x5cf: {  	v15 =	vld.idx.msk [tilespmem:v3+s5+$0xFFFFFFD0 ss:$0x1], $0xffff  }
0x5d0: {  	v16 =	vld.idx.msk [tilespmem:v3+s5+$0xFFFFFFE0 ss:$0x1], $0xffff  }
0x5d1: {  	s31 =	sadd.s32 $0xC800, s6;
	v17 =	vld.idx.msk [tilespmem:v3+s5+$0xFFFFFFF0 ss:$0x1], $0xffff  }
0x5d2: {  	s6 =	sadd.s32 s29, s31;
	v18 =	vld.idx.msk [tilespmem:v3+s5+$0xFFFFFB90 ss:$0x1], $0xffff  }
0x5d3: {  	[tilespmem:s6+$0x470] =	vst.add.f32.msk $0xffff, v4  }
0x5d4: {  	v4 =	vld.idx.msk [tilespmem:v3+s5+$0xFFFFFBF0 ss:$0x1], $0xffff  }
0x5d5: {  	[tilespmem:s6+$0x10] =	vst.add.f32.msk $0xffff, v5  }
0x5d6: {  	[tilespmem:s6+$0x20] =	vst.add.f32.msk $0xffff, v6  }
0x5d7: {  	[tilespmem:s6+$0x30] =	vst.add.f32.msk $0xffff, v7  }
0x5d8: {  	[tilespmem:s6+$0x40] =	vst.add.f32.msk $0xffff, v8  }
0x5d9: {  	[tilespmem:s6+$0x50] =	vst.add.f32.msk $0xffff, v9  }
0x5da: {  	[tilespmem:s6+$0x0] =	vst.add.f32.msk $0xffff, v18  }
0x5db: {  	[tilespmem:s6+$0x70] =	vst.add.f32.msk $0xffff, v10  }
0x5dc: {  	[tilespmem:s6+$0x400] =	vst.add.f32.msk $0xffff, v11  }
0x5dd: {  	[tilespmem:s6+$0x410] =	vst.add.f32.msk $0xffff, v12  }
0x5de: {  	[tilespmem:s6+$0x420] =	vst.add.f32.msk $0xffff, v13  }
0x5df: {  	[tilespmem:s6+$0x430] =	vst.add.f32.msk $0xffff, v14  }
0x5e0: {  	[tilespmem:s6+$0x440] =	vst.add.f32.msk $0xffff, v15  }
0x5e1: {  	[tilespmem:s6+$0x450] =	vst.add.f32.msk $0xffff, v16  }
0x5e2: {  	[tilespmem:s6+$0x460] =	vst.add.f32.msk $0xffff, v17  }
0x5e3: {  	s4 =	simm.s32 $0x0;
	s5 =	sadd.s32 $0x800, s5;
	[tilespmem:s6+$0x60] =	vst.add.f32.msk $0xffff, v4  }
.LBB2_55:
0x5e4: {  	v4 =	vld.idx.msk [tilespmem:v3+s5+$0x0 ss:$0x1], $0xffff;
	s4 =	sadd.s32 $0x10, s4  }
0x5e5: {  	v5 =	vld.idx.msk [tilespmem:v3+s5+$0xFFFFFBA0 ss:$0x1], $0xffff;
	p0 =	slt.u32 s4, $0x30  }
0x5e6: {  	v6 =	vld.idx.msk [tilespmem:v3+s5+$0xFFFFFBB0 ss:$0x1], $0xffff  }
0x5e7: {  	v7 =	vld.idx.msk [tilespmem:v3+s5+$0xFFFFFBC0 ss:$0x1], $0xffff  }
0x5e8: {  	s31 =	sadd.s32 $0x800, s31;
	v8 =	vld.idx.msk [tilespmem:v3+s5+$0xFFFFFBD0 ss:$0x1], $0xffff  }
0x5e9: {  	s6 =	sadd.s32 s29, s31;
	v9 =	vld.idx.msk [tilespmem:v3+s5+$0xFFFFFBE0 ss:$0x1], $0xffff  }
0x5ea: {  	[tilespmem:s6+$0x470] =	vst.add.f32.msk $0xffff, v4  }
0x5eb: {  	v4 =	vld.idx.msk [tilespmem:v3+s5+$0xFFFFFBF0 ss:$0x1], $0xffff  }
0x5ec: {  	v10 =	vld.idx.msk [tilespmem:v3+s5+$0xFFFFFC00 ss:$0x1], $0xffff  }
0x5ed: {  	v11 =	vld.idx.msk [tilespmem:v3+s5+$0xFFFFFF90 ss:$0x1], $0xffff  }
0x5ee: {  	v12 =	vld.idx.msk [tilespmem:v3+s5+$0xFFFFFFA0 ss:$0x1], $0xffff  }
0x5ef: {  	v13 =	vld.idx.msk [tilespmem:v3+s5+$0xFFFFFFB0 ss:$0x1], $0xffff  }
0x5f0: {  	v14 =	vld.idx.msk [tilespmem:v3+s5+$0xFFFFFFC0 ss:$0x1], $0xffff  }
0x5f1: {  	v15 =	vld.idx.msk [tilespmem:v3+s5+$0xFFFFFFD0 ss:$0x1], $0xffff  }
0x5f2: {  	v16 =	vld.idx.msk [tilespmem:v3+s5+$0xFFFFFFE0 ss:$0x1], $0xffff  }
0x5f3: {  	v17 =	vld.idx.msk [tilespmem:v3+s5+$0xFFFFFFF0 ss:$0x1], $0xffff  }
0x5f4: {  	v18 =	vld.idx.msk [tilespmem:v3+s5+$0xFFFFFB90 ss:$0x1], $0xffff  }
0x5f5: {  	[tilespmem:s6+$0x10] =	vst.add.f32.msk $0xffff, v5  }
0x5f6: {  	[tilespmem:s6+$0x20] =	vst.add.f32.msk $0xffff, v6  }
0x5f7: {  	[tilespmem:s6+$0x30] =	vst.add.f32.msk $0xffff, v7  }
0x5f8: {  	[tilespmem:s6+$0x40] =	vst.add.f32.msk $0xffff, v8  }
0x5f9: {  	[tilespmem:s6+$0x50] =	vst.add.f32.msk $0xffff, v9  }
0x5fa: {  	[tilespmem:s6+$0x0] =	vst.add.f32.msk $0xffff, v18  }
0x5fb: {  	[tilespmem:s6+$0x60] =	vst.add.f32.msk $0xffff, v4  }
0x5fc: {  	[tilespmem:s6+$0x70] =	vst.add.f32.msk $0xffff, v10  }
0x5fd: {  	[tilespmem:s6+$0x400] =	vst.add.f32.msk $0xffff, v11  }
0x5fe: {  	[tilespmem:s6+$0x410] =	vst.add.f32.msk $0xffff, v12  }
.Ltmp26:
0x5ff: {  	[tilespmem:s6+$0x420] =	vst.add.f32.msk $0xffff, v13;
	(pc) =	sbr.rel @p0 .LBB2_55-.Ltmp26, $4  }
0x600: {  	[tilespmem:s6+$0x430] =	vst.add.f32.msk $0xffff, v14  }
0x601: {  	[tilespmem:s6+$0x440] =	vst.add.f32.msk $0xffff, v15  }
0x602: {  	[tilespmem:s6+$0x450] =	vst.add.f32.msk $0xffff, v16  }
0x603: {  	s5 =	sadd.s32 $0x800, s5;
	[tilespmem:s6+$0x460] =	vst.add.f32.msk $0xffff, v17  }
0x604: {  	s28 =	sadd.s32 $0x1, s28  }
0x605: {  	p0 =	sne.s32 s28, $0x10  }
.Ltmp27:
0x606: {  	_ = 	snop;
	(pc) =	sbr.rel @p0 .LBB2_54-.Ltmp27, $2  }
0x607: {  	_ =	sdelay $0x2  }
0x608: {  	s26 =	sadd.s32 $0x1, s26;
	s25 =	sadd.s32 $0x400, s25  }
0x609: {  	s25 =	simm.s32 $0x0;
	s4 =	rddreg [dreg:$0x18]  }
0x60a: {  	[hbm4b:s4+s25] =	stream.linear.scatter [tilespmem:s13], [sflag:$0x9], $0x4000, $0x38;
	[tilespmem:$0x18800] =	vst v63  }
0x60b: {  	_ =	swait.ge [sflag:s17], $0x4000  }
0x60c: {  	[sflag:s17] =	ssyncset.done $0x0  }
0x60d: {  	s26 =	simm.s32 $0x0;
	s28 =	simm.s32 $0x0;
	[sflag:s17] =	ssyncadd.s32 $0xFFFFC000  }
.LBB2_58:
0x60e: {  	s4 =	sand.u32 $0x7, s26  }
0x60f: {  	s4 =	sshll.u32 s4, $0x9  }
0x610: {  	s29 =	sshrl.u32 s4, $0x2  }
0x611: {  	v3 =	vmov s29;
	_ =	sdelay $0x2  }
0x612: {  	s6 =	sand.u32 $0x3FFFE000, s25  }
0x613: {  	s5 =	sadd.s32 $0x4C70, s6  }
0x614: {  	v4 =	vld.idx.msk [tilespmem:v3+s5+$0x0 ss:$0x1], $0xffff  }
0x615: {  	v5 =	vld.idx.msk [tilespmem:v3+s5+$0xFFFFFBA0 ss:$0x1], $0xffff  }
0x616: {  	v6 =	vld.idx.msk [tilespmem:v3+s5+$0xFFFFFBB0 ss:$0x1], $0xffff  }
0x617: {  	v7 =	vld.idx.msk [tilespmem:v3+s5+$0xFFFFFBC0 ss:$0x1], $0xffff  }
0x618: {  	v8 =	vld.idx.msk [tilespmem:v3+s5+$0xFFFFFBD0 ss:$0x1], $0xffff  }
0x619: {  	v9 =	vld.idx.msk [tilespmem:v3+s5+$0xFFFFFBE0 ss:$0x1], $0xffff  }
0x61a: {  	v10 =	vld.idx.msk [tilespmem:v3+s5+$0xFFFFFC00 ss:$0x1], $0xffff  }
0x61b: {  	v11 =	vld.idx.msk [tilespmem:v3+s5+$0xFFFFFF90 ss:$0x1], $0xffff  }
0x61c: {  	v12 =	vld.idx.msk [tilespmem:v3+s5+$0xFFFFFFA0 ss:$0x1], $0xffff  }
0x61d: {  	v13 =	vld.idx.msk [tilespmem:v3+s5+$0xFFFFFFB0 ss:$0x1], $0xffff  }
0x61e: {  	v14 =	vld.idx.msk [tilespmem:v3+s5+$0xFFFFFFC0 ss:$0x1], $0xffff  }
0x61f: {  	v15 =	vld.idx.msk [tilespmem:v3+s5+$0xFFFFFFD0 ss:$0x1], $0xffff  }
0x620: {  	v16 =	vld.idx.msk [tilespmem:v3+s5+$0xFFFFFFE0 ss:$0x1], $0xffff  }
0x621: {  	s31 =	sadd.s32 $0x10800, s6;
	v17 =	vld.idx.msk [tilespmem:v3+s5+$0xFFFFFFF0 ss:$0x1], $0xffff  }
0x622: {  	s6 =	sadd.s32 s29, s31;
	v18 =	vld.idx.msk [tilespmem:v3+s5+$0xFFFFFB90 ss:$0x1], $0xffff  }
0x623: {  	[tilespmem:s6+$0x470] =	vst.add.f32.msk $0xffff, v4  }
0x624: {  	v4 =	vld.idx.msk [tilespmem:v3+s5+$0xFFFFFBF0 ss:$0x1], $0xffff  }
0x625: {  	[tilespmem:s6+$0x10] =	vst.add.f32.msk $0xffff, v5  }
0x626: {  	[tilespmem:s6+$0x20] =	vst.add.f32.msk $0xffff, v6  }
0x627: {  	[tilespmem:s6+$0x30] =	vst.add.f32.msk $0xffff, v7  }
0x628: {  	[tilespmem:s6+$0x40] =	vst.add.f32.msk $0xffff, v8  }
0x629: {  	[tilespmem:s6+$0x50] =	vst.add.f32.msk $0xffff, v9  }
0x62a: {  	[tilespmem:s6+$0x0] =	vst.add.f32.msk $0xffff, v18  }
0x62b: {  	[tilespmem:s6+$0x70] =	vst.add.f32.msk $0xffff, v10  }
0x62c: {  	[tilespmem:s6+$0x400] =	vst.add.f32.msk $0xffff, v11  }
0x62d: {  	[tilespmem:s6+$0x410] =	vst.add.f32.msk $0xffff, v12  }
0x62e: {  	[tilespmem:s6+$0x420] =	vst.add.f32.msk $0xffff, v13  }
0x62f: {  	[tilespmem:s6+$0x430] =	vst.add.f32.msk $0xffff, v14  }
0x630: {  	[tilespmem:s6+$0x440] =	vst.add.f32.msk $0xffff, v15  }
0x631: {  	[tilespmem:s6+$0x450] =	vst.add.f32.msk $0xffff, v16  }
0x632: {  	[tilespmem:s6+$0x460] =	vst.add.f32.msk $0xffff, v17  }
0x633: {  	s4 =	simm.s32 $0x0;
	s5 =	sadd.s32 $0x800, s5;
	[tilespmem:s6+$0x60] =	vst.add.f32.msk $0xffff, v4  }
.LBB2_59:
0x634: {  	v4 =	vld.idx.msk [tilespmem:v3+s5+$0x0 ss:$0x1], $0xffff;
	s4 =	sadd.s32 $0x10, s4  }
0x635: {  	v5 =	vld.idx.msk [tilespmem:v3+s5+$0xFFFFFBA0 ss:$0x1], $0xffff;
	p0 =	slt.u32 s4, $0x30  }
0x636: {  	v6 =	vld.idx.msk [tilespmem:v3+s5+$0xFFFFFBB0 ss:$0x1], $0xffff  }
0x637: {  	v7 =	vld.idx.msk [tilespmem:v3+s5+$0xFFFFFBC0 ss:$0x1], $0xffff  }
0x638: {  	s31 =	sadd.s32 $0x800, s31;
	v8 =	vld.idx.msk [tilespmem:v3+s5+$0xFFFFFBD0 ss:$0x1], $0xffff  }
0x639: {  	s6 =	sadd.s32 s29, s31;
	v9 =	vld.idx.msk [tilespmem:v3+s5+$0xFFFFFBE0 ss:$0x1], $0xffff  }
0x63a: {  	[tilespmem:s6+$0x470] =	vst.add.f32.msk $0xffff, v4  }
0x63b: {  	v4 =	vld.idx.msk [tilespmem:v3+s5+$0xFFFFFBF0 ss:$0x1], $0xffff  }
0x63c: {  	v10 =	vld.idx.msk [tilespmem:v3+s5+$0xFFFFFC00 ss:$0x1], $0xffff  }
0x63d: {  	v11 =	vld.idx.msk [tilespmem:v3+s5+$0xFFFFFF90 ss:$0x1], $0xffff  }
0x63e: {  	v12 =	vld.idx.msk [tilespmem:v3+s5+$0xFFFFFFA0 ss:$0x1], $0xffff  }
0x63f: {  	v13 =	vld.idx.msk [tilespmem:v3+s5+$0xFFFFFFB0 ss:$0x1], $0xffff  }
0x640: {  	v14 =	vld.idx.msk [tilespmem:v3+s5+$0xFFFFFFC0 ss:$0x1], $0xffff  }
0x641: {  	v15 =	vld.idx.msk [tilespmem:v3+s5+$0xFFFFFFD0 ss:$0x1], $0xffff  }
0x642: {  	v16 =	vld.idx.msk [tilespmem:v3+s5+$0xFFFFFFE0 ss:$0x1], $0xffff  }
0x643: {  	v17 =	vld.idx.msk [tilespmem:v3+s5+$0xFFFFFFF0 ss:$0x1], $0xffff  }
0x644: {  	v18 =	vld.idx.msk [tilespmem:v3+s5+$0xFFFFFB90 ss:$0x1], $0xffff  }
0x645: {  	[tilespmem:s6+$0x10] =	vst.add.f32.msk $0xffff, v5  }
0x646: {  	[tilespmem:s6+$0x20] =	vst.add.f32.msk $0xffff, v6  }
0x647: {  	[tilespmem:s6+$0x30] =	vst.add.f32.msk $0xffff, v7  }
0x648: {  	[tilespmem:s6+$0x40] =	vst.add.f32.msk $0xffff, v8  }
0x649: {  	[tilespmem:s6+$0x50] =	vst.add.f32.msk $0xffff, v9  }
0x64a: {  	[tilespmem:s6+$0x0] =	vst.add.f32.msk $0xffff, v18  }
0x64b: {  	[tilespmem:s6+$0x60] =	vst.add.f32.msk $0xffff, v4  }
0x64c: {  	[tilespmem:s6+$0x70] =	vst.add.f32.msk $0xffff, v10  }
0x64d: {  	[tilespmem:s6+$0x400] =	vst.add.f32.msk $0xffff, v11  }
0x64e: {  	[tilespmem:s6+$0x410] =	vst.add.f32.msk $0xffff, v12  }
.Ltmp28:
0x64f: {  	[tilespmem:s6+$0x420] =	vst.add.f32.msk $0xffff, v13;
	(pc) =	sbr.rel @p0 .LBB2_59-.Ltmp28, $4  }
0x650: {  	[tilespmem:s6+$0x430] =	vst.add.f32.msk $0xffff, v14  }
0x651: {  	[tilespmem:s6+$0x440] =	vst.add.f32.msk $0xffff, v15  }
0x652: {  	[tilespmem:s6+$0x450] =	vst.add.f32.msk $0xffff, v16  }
0x653: {  	s5 =	sadd.s32 $0x800, s5;
	[tilespmem:s6+$0x460] =	vst.add.f32.msk $0xffff, v17  }
0x654: {  	s28 =	sadd.s32 $0x1, s28  }
0x655: {  	p0 =	sne.s32 s28, $0x10  }
.Ltmp29:
0x656: {  	_ = 	snop;
	(pc) =	sbr.rel @p0 .LBB2_58-.Ltmp29, $2  }
0x657: {  	_ =	sdelay $0x2  }
0x658: {  	s26 =	sadd.s32 $0x1, s26;
	s25 =	sadd.s32 $0x400, s25  }
0x659: {  	s25 =	simm.s32 $0x0;
	s4 =	rddreg [dreg:$0x19]  }
0x65a: {  	[hbm4b:s4+s25] =	stream.linear.scatter [tilespmem:s21], [sflag:$0xA], $0x4000, $0x38;
	[tilespmem:$0x18800] =	vst v63  }
0x65b: {  	_ =	swait.ge [sflag:s19], $0x4000  }
0x65c: {  	[sflag:s19] =	ssyncset.done $0x0  }
0x65d: {  	s26 =	simm.s32 $0x0;
	s28 =	simm.s32 $0x0;
	[sflag:s19] =	ssyncadd.s32 $0xFFFFC000  }
.LBB2_62:
0x65e: {  	s4 =	sand.u32 $0x7, s26  }
0x65f: {  	s4 =	sshll.u32 s4, $0x9  }
0x660: {  	s29 =	sshrl.u32 s4, $0x2  }
0x661: {  	v3 =	vmov s29;
	_ =	sdelay $0x2  }
0x662: {  	s6 =	sand.u32 $0x3FFFE000, s25  }
0x663: {  	s5 =	sadd.s32 $0x4C70, s6  }
0x664: {  	v4 =	vld.idx.msk [tilespmem:v3+s5+$0x0 ss:$0x1], $0xffff  }
0x665: {  	v5 =	vld.idx.msk [tilespmem:v3+s5+$0xFFFFFBA0 ss:$0x1], $0xffff  }
0x666: {  	v6 =	vld.idx.msk [tilespmem:v3+s5+$0xFFFFFBB0 ss:$0x1], $0xffff  }
0x667: {  	v7 =	vld.idx.msk [tilespmem:v3+s5+$0xFFFFFBC0 ss:$0x1], $0xffff  }
0x668: {  	v8 =	vld.idx.msk [tilespmem:v3+s5+$0xFFFFFBD0 ss:$0x1], $0xffff  }
0x669: {  	v9 =	vld.idx.msk [tilespmem:v3+s5+$0xFFFFFBE0 ss:$0x1], $0xffff  }
0x66a: {  	v10 =	vld.idx.msk [tilespmem:v3+s5+$0xFFFFFC00 ss:$0x1], $0xffff  }
0x66b: {  	v11 =	vld.idx.msk [tilespmem:v3+s5+$0xFFFFFF90 ss:$0x1], $0xffff  }
0x66c: {  	v12 =	vld.idx.msk [tilespmem:v3+s5+$0xFFFFFFA0 ss:$0x1], $0xffff  }
0x66d: {  	v13 =	vld.idx.msk [tilespmem:v3+s5+$0xFFFFFFB0 ss:$0x1], $0xffff  }
0x66e: {  	v14 =	vld.idx.msk [tilespmem:v3+s5+$0xFFFFFFC0 ss:$0x1], $0xffff  }
0x66f: {  	v15 =	vld.idx.msk [tilespmem:v3+s5+$0xFFFFFFD0 ss:$0x1], $0xffff  }
0x670: {  	v16 =	vld.idx.msk [tilespmem:v3+s5+$0xFFFFFFE0 ss:$0x1], $0xffff  }
0x671: {  	s31 =	sadd.s32 $0x14800, s6;
	v17 =	vld.idx.msk [tilespmem:v3+s5+$0xFFFFFFF0 ss:$0x1], $0xffff  }
0x672: {  	s6 =	sadd.s32 s29, s31;
	v18 =	vld.idx.msk [tilespmem:v3+s5+$0xFFFFFB90 ss:$0x1], $0xffff  }
0x673: {  	[tilespmem:s6+$0x470] =	vst.add.f32.msk $0xffff, v4  }
0x674: {  	v4 =	vld.idx.msk [tilespmem:v3+s5+$0xFFFFFBF0 ss:$0x1], $0xffff  }
0x675: {  	[tilespmem:s6+$0x10] =	vst.add.f32.msk $0xffff, v5  }
0x676: {  	[tilespmem:s6+$0x20] =	vst.add.f32.msk $0xffff, v6  }
0x677: {  	[tilespmem:s6+$0x30] =	vst.add.f32.msk $0xffff, v7  }
0x678: {  	[tilespmem:s6+$0x40] =	vst.add.f32.msk $0xffff, v8  }
0x679: {  	[tilespmem:s6+$0x50] =	vst.add.f32.msk $0xffff, v9  }
0x67a: {  	[tilespmem:s6+$0x0] =	vst.add.f32.msk $0xffff, v18  }
0x67b: {  	[tilespmem:s6+$0x70] =	vst.add.f32.msk $0xffff, v10  }
0x67c: {  	[tilespmem:s6+$0x400] =	vst.add.f32.msk $0xffff, v11  }
0x67d: {  	[tilespmem:s6+$0x410] =	vst.add.f32.msk $0xffff, v12  }
0x67e: {  	[tilespmem:s6+$0x420] =	vst.add.f32.msk $0xffff, v13  }
0x67f: {  	[tilespmem:s6+$0x430] =	vst.add.f32.msk $0xffff, v14  }
0x680: {  	[tilespmem:s6+$0x440] =	vst.add.f32.msk $0xffff, v15  }
0x681: {  	[tilespmem:s6+$0x450] =	vst.add.f32.msk $0xffff, v16  }
0x682: {  	[tilespmem:s6+$0x460] =	vst.add.f32.msk $0xffff, v17  }
0x683: {  	s4 =	simm.s32 $0x0;
	s5 =	sadd.s32 $0x800, s5;
	[tilespmem:s6+$0x60] =	vst.add.f32.msk $0xffff, v4  }
.LBB2_63:
0x684: {  	v4 =	vld.idx.msk [tilespmem:v3+s5+$0x0 ss:$0x1], $0xffff;
	s4 =	sadd.s32 $0x10, s4  }
0x685: {  	v5 =	vld.idx.msk [tilespmem:v3+s5+$0xFFFFFBA0 ss:$0x1], $0xffff;
	p0 =	slt.u32 s4, $0x30  }
0x686: {  	v6 =	vld.idx.msk [tilespmem:v3+s5+$0xFFFFFBB0 ss:$0x1], $0xffff  }
0x687: {  	v7 =	vld.idx.msk [tilespmem:v3+s5+$0xFFFFFBC0 ss:$0x1], $0xffff  }
0x688: {  	s31 =	sadd.s32 $0x800, s31;
	v8 =	vld.idx.msk [tilespmem:v3+s5+$0xFFFFFBD0 ss:$0x1], $0xffff  }
0x689: {  	s6 =	sadd.s32 s29, s31;
	v9 =	vld.idx.msk [tilespmem:v3+s5+$0xFFFFFBE0 ss:$0x1], $0xffff  }
0x68a: {  	[tilespmem:s6+$0x470] =	vst.add.f32.msk $0xffff, v4  }
0x68b: {  	v4 =	vld.idx.msk [tilespmem:v3+s5+$0xFFFFFBF0 ss:$0x1], $0xffff  }
0x68c: {  	v10 =	vld.idx.msk [tilespmem:v3+s5+$0xFFFFFC00 ss:$0x1], $0xffff  }
0x68d: {  	v11 =	vld.idx.msk [tilespmem:v3+s5+$0xFFFFFF90 ss:$0x1], $0xffff  }
0x68e: {  	v12 =	vld.idx.msk [tilespmem:v3+s5+$0xFFFFFFA0 ss:$0x1], $0xffff  }
0x68f: {  	v13 =	vld.idx.msk [tilespmem:v3+s5+$0xFFFFFFB0 ss:$0x1], $0xffff  }
0x690: {  	v14 =	vld.idx.msk [tilespmem:v3+s5+$0xFFFFFFC0 ss:$0x1], $0xffff  }
0x691: {  	v15 =	vld.idx.msk [tilespmem:v3+s5+$0xFFFFFFD0 ss:$0x1], $0xffff  }
0x692: {  	v16 =	vld.idx.msk [tilespmem:v3+s5+$0xFFFFFFE0 ss:$0x1], $0xffff  }
0x693: {  	v17 =	vld.idx.msk [tilespmem:v3+s5+$0xFFFFFFF0 ss:$0x1], $0xffff  }
0x694: {  	v18 =	vld.idx.msk [tilespmem:v3+s5+$0xFFFFFB90 ss:$0x1], $0xffff  }
0x695: {  	[tilespmem:s6+$0x10] =	vst.add.f32.msk $0xffff, v5  }
0x696: {  	[tilespmem:s6+$0x20] =	vst.add.f32.msk $0xffff, v6  }
0x697: {  	[tilespmem:s6+$0x30] =	vst.add.f32.msk $0xffff, v7  }
0x698: {  	[tilespmem:s6+$0x40] =	vst.add.f32.msk $0xffff, v8  }
0x699: {  	[tilespmem:s6+$0x50] =	vst.add.f32.msk $0xffff, v9  }
0x69a: {  	[tilespmem:s6+$0x0] =	vst.add.f32.msk $0xffff, v18  }
0x69b: {  	[tilespmem:s6+$0x60] =	vst.add.f32.msk $0xffff, v4  }
0x69c: {  	[tilespmem:s6+$0x70] =	vst.add.f32.msk $0xffff, v10  }
0x69d: {  	[tilespmem:s6+$0x400] =	vst.add.f32.msk $0xffff, v11  }
0x69e: {  	[tilespmem:s6+$0x410] =	vst.add.f32.msk $0xffff, v12  }
.Ltmp30:
0x69f: {  	[tilespmem:s6+$0x420] =	vst.add.f32.msk $0xffff, v13;
	(pc) =	sbr.rel @p0 .LBB2_63-.Ltmp30, $4  }
0x6a0: {  	[tilespmem:s6+$0x430] =	vst.add.f32.msk $0xffff, v14  }
0x6a1: {  	[tilespmem:s6+$0x440] =	vst.add.f32.msk $0xffff, v15  }
0x6a2: {  	[tilespmem:s6+$0x450] =	vst.add.f32.msk $0xffff, v16  }
0x6a3: {  	s5 =	sadd.s32 $0x800, s5;
	[tilespmem:s6+$0x460] =	vst.add.f32.msk $0xffff, v17  }
0x6a4: {  	s28 =	sadd.s32 $0x1, s28  }
0x6a5: {  	p0 =	sne.s32 s28, $0x10  }
.Ltmp31:
0x6a6: {  	_ = 	snop;
	(pc) =	sbr.rel @p0 .LBB2_62-.Ltmp31, $2  }
0x6a7: {  	_ =	sdelay $0x2  }
0x6a8: {  	s26 =	sadd.s32 $0x1, s26;
	s25 =	sadd.s32 $0x400, s25  }
0x6a9: {  	s4 =	rddreg [dreg:$0x1a]  }
0x6aa: {  	[hbm4b:s4+s3] =	stream.linear.scatter [tilespmem:s30], [sflag:$0xB], $0x4000, $0x38;
	[tilespmem:$0x18800] =	vst v63  }
0x6ab: {  	_ =	swait.ge [sflag:s16], $0x4000  }
0x6ac: {  	[sflag:s16] =	ssyncset.done $0x0  }
0x6ad: {  	[sflag:s16] =	ssyncadd.s32 $0xFFFFC000  }
0x6ae: {  	_ =	swait.ge [sflag:s18], $0x4000  }
0x6af: {  	[sflag:s18] =	ssyncset.done $0x0  }
0x6b0: {  	[sflag:s18] =	ssyncadd.s32 $0xFFFFC000  }
0x6b1: {  	_ =	swait.ge [sflag:s20], $0x4000  }
0x6b2: {  	[sflag:s20] =	ssyncset.done $0x0  }
0x6b3: {  	[sflag:s20] =	ssyncadd.s32 $0xFFFFC000  }
0x6b4: {  	_ =	swait.ge [sflag:s23], $0x4000  }
0x6b5: {  	s24 =	sadd.s32 $0x1, s24;
	s31 =	rddreg [dreg:$0x17]  }
0x6b6: {  	p0 =	sne.s32 s24, s31  }
.Ltmp32:
0x6b7: {  	_ = 	snop;
	(pc) =	sbr.rel @p0 .LBB2_1-.Ltmp32, $3  }
0x6b8: {  	_ =	sdelay $0x1  }
0x6b9: {  	[sflag:s23] =	ssyncset.done $0x0  }
0x6ba: {  	[sflag:s23] =	ssyncadd.s32 $0xFFFFC000  }
0x6bb: {  	_ =	sfence.sel $0x180000  }
0x6bc: {  	[bflag:$0x0] =	sbarrier.arrive $0xFFFF  }
0x6bd: {  	_ =	strace $0x90000047  }
0x6be: {  	s0 =	stileid.u32;
	[bflag:$0x2] =	sbarrier.arrive $0xFFFF  }
0x6bf: {  	p0 =	sne.s32 s0, $0x0;
	s0 =	rddreg [dreg:$0x4]  }
0x6c0: {  	s0 =	sadd.s32 @!p0 $0x100000, s0  }
0x6c1: {  	[sflag:s0] =	ssyncadd.tile.s32 @!p0 $0x1;
	_ =	shalt  }
.Lfunc_end2:
_tile_overlayer_lowered:
.L_overlay_start_2:
0x6c2: {  	(tag) =	ssettag $0x2  }
0x6c3: {  	s0 =	rddreg [dreg:$0x0];
	s2 =	stileid.u32  }
0x6c4: {  	s1 =	rddreg [dreg:$0x1];
	p0 =	sne.s32 s2, $0x0  }
0x6c5: {  	s3 =	rddreg [dreg:$0x2];
	[bflag:$0x3] =	sbarrier.arrive $0xFFFF;
	s2 =	simm.s32 @!p0 $0x1C0C  }
0x6c6: {  	[timem:s3], [sflag:s2] =	dma.local @!p0 [hbm:s0], s1  }
0x6c7: {  	s0 =	simm.s32 @!p0 $0xC  }
0x6c8: {  	_ =	swait.ge @!p0 [sflag:s0], s1  }
0x6c9: {  	s1 =	ssub.s32 @!p0 $0x0, s1;
	[sflag:s0] =	ssyncset.done @!p0 $0x0  }
0x6ca: {  	[sflag:s0] =	ssyncadd.s32 @!p0 s1  }
0x6cb: {  	[bflag:$0x3] =	sbarrier.arrive $0xFFFF  }
0x6cc: {  	_ =	shalt  }

</sc_bundles>
